<compile_context>
chip_gen: v7x
topology: tpu7x:2x2x1
jax: 0.10.2.dev20260603
libtpu: 0.0.44.dev20260713+nightly
codegen_flags: <defaults>
</compile_context>

<pallas_src>
import functools

import jax
import jax.numpy as jnp
from jax import lax
from jax.experimental import pallas as pl
from jax.experimental.pallas import tpu as pltpu
from jax.experimental.pallas import tpu_sc as plsc

_R = 100000
_C = 128
_B = 16384
_N = _B * _C
_NW = 32
_PER_W = _N // _NW
_CH = 8192
_NCHUNK = _PER_W // _CH
_L = 16


def _sc_gather(idx_flat, data_flat):
    mesh = plsc.VectorSubcoreMesh(core_axis_name="c", subcore_axis_name="s")

    _NVAL = 4

    scratch = (
        [pltpu.VMEM((_CH,), jnp.int32) for _ in range(_NCHUNK)]
        + [pltpu.VMEM((_CH,), jnp.float32) for _ in range(_NVAL)]
        + [pltpu.SemaphoreType.DMA for _ in range(3 * _NCHUNK)]
    )

    @functools.partial(
        pl.kernel,
        mesh=mesh,
        out_type=jax.ShapeDtypeStruct((_N,), jnp.float32),
        scratch_types=scratch,
    )
    def k(idx_hbm, data_hbm, out_hbm, *scr):
        idx_bufs = scr[:_NCHUNK]
        val_bufs = scr[_NCHUNK:_NCHUNK + _NVAL]
        isems = scr[_NCHUNK + _NVAL:2 * _NCHUNK + _NVAL]
        gsems = scr[2 * _NCHUNK + _NVAL:3 * _NCHUNK + _NVAL]
        osems = scr[3 * _NCHUNK + _NVAL:]
        wid = lax.axis_index("s") * 2 + lax.axis_index("c")
        base = wid * _PER_W
        lanes = lax.iota(jnp.int32, _L)
        col_vecs = [col0 + lanes for col0 in range(0, _C, _L)]

        def load_idx(g):
            return pltpu.async_copy(
                idx_hbm.at[pl.ds(base + g * _CH, _CH)], idx_bufs[g], isems[g])

        ildescs = [None] * _NCHUNK
        gdescs = [None] * _NCHUNK
        odescs = [None] * _NCHUNK
        ildescs[0] = load_idx(0)
        ildescs[1] = load_idx(1)

        for g in range(_NCHUNK):
            ildescs[g].wait()
            buf = idx_bufs[g]

            def vec_body(o, carry, _buf=buf):
                boff = pl.multiple_of(o * _C, _C)
                for t in range(_C // _L):
                    off = boff + t * _L
                    v = _buf[pl.ds(off, _L)]
                    _buf[pl.ds(off, _L)] = (v << 7) + col_vecs[t]
                return carry

            lax.fori_loop(0, _CH // _C, vec_body, 0, unroll=2)
            if g >= _NVAL:
                odescs[g - _NVAL].wait()
            gdescs[g] = pltpu.async_copy(
                data_hbm.at[buf], val_bufs[g % _NVAL], gsems[g])
            if g + 2 < _NCHUNK:
                ildescs[g + 2] = load_idx(g + 2)
            if g >= 1:
                gdescs[g - 1].wait()
                odescs[g - 1] = pltpu.async_copy(
                    val_bufs[(g - 1) % _NVAL],
                    out_hbm.at[pl.ds(base + (g - 1) * _CH, _CH)],
                    osems[g - 1])

        g = _NCHUNK - 1
        gdescs[g].wait()
        odescs[g] = pltpu.async_copy(
            val_bufs[g % _NVAL], out_hbm.at[pl.ds(base + g * _CH, _CH)],
            osems[g])
        for g in range(_NCHUNK - _NVAL, _NCHUNK):
            odescs[g].wait()

    return k(idx_flat, data_flat)


def kernel(data, indices, axis):
    del axis
    out_flat = _sc_gather(indices.reshape(-1), data.reshape(-1))
    return out_flat.reshape(_B, _C)

# --- scband reference (transcript-rebuilt; emitter-appended) ---
"""Pipeline reference for scband-gather-elements-54606214201634 (READ-ONLY COPY).

The authoritative reference and input builder live on the scoring server;
editing this copy changes nothing except your own understanding.
"""

import jax, jax.numpy as jnp
import numpy as np


def setup_inputs(seed: int = 0) -> dict:
    key = jax.random.key(seed)
    k1, k2 = jax.random.split(key)
    data = jax.random.normal(k1, (100000, 128), dtype=jnp.float32)
    indices = jax.random.randint(k2, (16384, 128), 0, 100000, dtype=jnp.int32)
    return {"data": data, "indices": indices, "axis": 0}


def reference(data, indices, axis=0):
    if data.ndim != indices.ndim:
        raise ValueError(
            'Expected data and indices to have the same number of dimensions, but got {} and {}, respectively.'.format(data.ndim, indices.ndim))
    # torch.Tensor.roll(shifts=-axis, dims=range(ndim)) rolls elements by -axis along every dim
    data = jnp.roll(data, -axis, axis=tuple(range(data.ndim)))
    indices = jnp.roll(indices, -axis, axis=tuple(range(indices.ndim)))
    # torch.gather(dim=0, index=indices) == take_along_axis on axis 0
    gathered = jnp.take_along_axis(data, indices, axis=0)
    gathered = jnp.roll(gathered, axis, axis=tuple(range(gathered.ndim)))
    return gathered

if __name__ == "__main__":
    import jax
    _d = setup_inputs()
    print(jax.jit(kernel)(*tuple(_d.values())))

</pallas_src>

<mosaic_0001>
#map = affine_map<(d0, d1) -> (0)>
module attributes {stable_mosaic.version = 14 : i64} {
  func.func @k(%arg0: i32, %arg1: i32, %arg2: memref<2097152xi32, #tpu.memory_space<hbm>>, %arg3: memref<12800000xf32, #tpu.memory_space<hbm>>, %arg4: memref<2097152xf32, #tpu.memory_space<hbm>>, %arg5: memref<8192xi32, #tpu.memory_space<vmem>>, %arg6: memref<8192xi32, #tpu.memory_space<vmem>>, %arg7: memref<8192xi32, #tpu.memory_space<vmem>>, %arg8: memref<8192xi32, #tpu.memory_space<vmem>>, %arg9: memref<8192xi32, #tpu.memory_space<vmem>>, %arg10: memref<8192xi32, #tpu.memory_space<vmem>>, %arg11: memref<8192xi32, #tpu.memory_space<vmem>>, %arg12: memref<8192xi32, #tpu.memory_space<vmem>>, %arg13: memref<8192xf32, #tpu.memory_space<vmem>>, %arg14: memref<8192xf32, #tpu.memory_space<vmem>>, %arg15: memref<8192xf32, #tpu.memory_space<vmem>>, %arg16: memref<8192xf32, #tpu.memory_space<vmem>>, %arg17: memref<!tpu.dma_semaphore, #tpu.memory_space<semaphore_mem>>, %arg18: memref<!tpu.dma_semaphore, #tpu.memory_space<semaphore_mem>>, %arg19: memref<!tpu.dma_semaphore, #tpu.memory_space<semaphore_mem>>, %arg20: memref<!tpu.dma_semaphore, #tpu.memory_space<semaphore_mem>>, %arg21: memref<!tpu.dma_semaphore, #tpu.memory_space<semaphore_mem>>, %arg22: memref<!tpu.dma_semaphore, #tpu.memory_space<semaphore_mem>>, %arg23: memref<!tpu.dma_semaphore, #tpu.memory_space<semaphore_mem>>, %arg24: memref<!tpu.dma_semaphore, #tpu.memory_space<semaphore_mem>>, %arg25: memref<!tpu.dma_semaphore, #tpu.memory_space<semaphore_mem>>, %arg26: memref<!tpu.dma_semaphore, #tpu.memory_space<semaphore_mem>>, %arg27: memref<!tpu.dma_semaphore, #tpu.memory_space<semaphore_mem>>, %arg28: memref<!tpu.dma_semaphore, #tpu.memory_space<semaphore_mem>>, %arg29: memref<!tpu.dma_semaphore, #tpu.memory_space<semaphore_mem>>, %arg30: memref<!tpu.dma_semaphore, #tpu.memory_space<semaphore_mem>>, %arg31: memref<!tpu.dma_semaphore, #tpu.memory_space<semaphore_mem>>, %arg32: memref<!tpu.dma_semaphore, #tpu.memory_space<semaphore_mem>>, %arg33: memref<!tpu.dma_semaphore, #tpu.memory_space<semaphore_mem>>, %arg34: memref<!tpu.dma_semaphore, #tpu.memory_space<semaphore_mem>>, %arg35: memref<!tpu.dma_semaphore, #tpu.memory_space<semaphore_mem>>, %arg36: memref<!tpu.dma_semaphore, #tpu.memory_space<semaphore_mem>>, %arg37: memref<!tpu.dma_semaphore, #tpu.memory_space<semaphore_mem>>, %arg38: memref<!tpu.dma_semaphore, #tpu.memory_space<semaphore_mem>>, %arg39: memref<!tpu.dma_semaphore, #tpu.memory_space<semaphore_mem>>, %arg40: memref<!tpu.dma_semaphore, #tpu.memory_space<semaphore_mem>>) attributes {dimension_semantics = [#tpu.dimension_semantics<core_parallel>, #tpu.dimension_semantics<subcore_parallel>], iteration_bounds = array<i64: 2, 16>, scalar_prefetch = 0 : i64, scratch_operands = 36 : i64, tpu.core_type = #tpu.core_type<sc_vector_subcore>, window_params = [{transform_indices = #map}, {transform_indices = #map}, {transform_indices = #map}]} {
    %mul3A = arith.constant 2 : i32
    %mul3A_0 = arith.muli %arg1, %mul3A : i32
    %add3A = arith.addi %mul3A_0, %arg0 : i32
    %mul3A_1 = arith.constant 65536 : i32
    %mul3A_2 = arith.muli %add3A, %mul3A_1 : i32
    %iota3A = tpu.iota {dimensions = array<i32: 0>} : vector<16xi32>
    %add3A_3 = arith.constant 0 : i32
    %add3A_4 = vector.broadcast %add3A_3 : i32 to vector<16xi32>
    %add3A_5 = arith.addi %add3A_4, %iota3A : vector<16xi32>
    %add3A_6 = arith.constant 16 : i32
    %add3A_7 = vector.broadcast %add3A_6 : i32 to vector<16xi32>
    %add3A_8 = arith.addi %add3A_7, %iota3A : vector<16xi32>
    %add3A_9 = arith.constant 32 : i32
    %add3A_10 = vector.broadcast %add3A_9 : i32 to vector<16xi32>
    %add3A_11 = arith.addi %add3A_10, %iota3A : vector<16xi32>
    %add3A_12 = arith.constant 48 : i32
    %add3A_13 = vector.broadcast %add3A_12 : i32 to vector<16xi32>
    %add3A_14 = arith.addi %add3A_13, %iota3A : vector<16xi32>
    %add3A_15 = arith.constant 64 : i32
    %add3A_16 = vector.broadcast %add3A_15 : i32 to vector<16xi32>
    %add3A_17 = arith.addi %add3A_16, %iota3A : vector<16xi32>
    %add3A_18 = arith.constant 80 : i32
    %add3A_19 = vector.broadcast %add3A_18 : i32 to vector<16xi32>
    %add3A_20 = arith.addi %add3A_19, %iota3A : vector<16xi32>
    %add3A_21 = arith.constant 96 : i32
    %add3A_22 = vector.broadcast %add3A_21 : i32 to vector<16xi32>
    %add3A_23 = arith.addi %add3A_22, %iota3A : vector<16xi32>
    %add3A_24 = arith.constant 112 : i32
    %add3A_25 = vector.broadcast %add3A_24 : i32 to vector<16xi32>
    %add3A_26 = arith.addi %add3A_25, %iota3A : vector<16xi32>
    %add3A_27 = arith.constant 0 : i32
    %add3A_28 = arith.addi %mul3A_2, %add3A_27 : i32
    %dma_start3A = tpu.memref_slice %arg2[%add3A_28] : memref<2097152xi32, #tpu.memory_space<hbm>> -> memref<8192xi32, #tpu.memory_space<hbm>>
    %dma_start3A_29 = tpu.memref_slice %arg2[%add3A_28] : memref<2097152xi32, #tpu.memory_space<hbm>> -> memref<8192xi32, #tpu.memory_space<hbm>>
    tpu.enqueue_dma source(%dma_start3A_29 : memref<8192xi32, #tpu.memory_space<hbm>>) target(%arg5 : memref<8192xi32, #tpu.memory_space<vmem>>) target_semaphore(%arg17 : memref<!tpu.dma_semaphore, #tpu.memory_space<semaphore_mem>>)
    %add3A_30 = arith.constant 8192 : i32
    %add3A_31 = arith.addi %mul3A_2, %add3A_30 : i32
    %dma_start3A_32 = tpu.memref_slice %arg2[%add3A_31] : memref<2097152xi32, #tpu.memory_space<hbm>> -> memref<8192xi32, #tpu.memory_space<hbm>>
    %dma_start3A_33 = tpu.memref_slice %arg2[%add3A_31] : memref<2097152xi32, #tpu.memory_space<hbm>> -> memref<8192xi32, #tpu.memory_space<hbm>>
    tpu.enqueue_dma source(%dma_start3A_33 : memref<8192xi32, #tpu.memory_space<hbm>>) target(%arg6 : memref<8192xi32, #tpu.memory_space<vmem>>) target_semaphore(%arg18 : memref<!tpu.dma_semaphore, #tpu.memory_space<semaphore_mem>>)
    %dma_wait3A = tpu.memref_slice %arg2[%add3A_28] : memref<2097152xi32, #tpu.memory_space<hbm>> -> memref<8192xi32, #tpu.memory_space<hbm>>
    %dma_wait3A_34 = tpu.memref_slice %arg2[%add3A_28] : memref<2097152xi32, #tpu.memory_space<hbm>> -> memref<8192xi32, #tpu.memory_space<hbm>>
    tpu.wait_dma2 semaphore(%arg17 : memref<!tpu.dma_semaphore, #tpu.memory_space<semaphore_mem>>) src(%dma_wait3A_34 : memref<8192xi32, #tpu.memory_space<hbm>>) dst(%arg5 : memref<8192xi32, #tpu.memory_space<vmem>>)
    %scan3A = arith.constant 0 : i32
    %scan3A_35 = arith.constant 0 : i32
    %scan3A_36 = arith.constant 64 : i32
    %scan3A_37 = arith.addi %scan3A_35, %scan3A_36 : i32
    %scan3A_38 = arith.constant 2 : i32
    scf.for %scan3A_200 = %scan3A_35 to %scan3A_37 step %scan3A_38  : i32 {
      %mul3A_201 = arith.constant 128 : i32
      %mul3A_202 = arith.muli %scan3A_200, %mul3A_201 : i32
      %multiple_of3A = tpu.assume_multiple %mul3A_202, 128 : i32
      %add3A_203 = arith.constant 0 : i32
      %add3A_204 = arith.addi %multiple_of3A, %add3A_203 : i32
      %get3A = arith.index_cast %add3A_204 : i32 to index
      %get3A_205 = tpu.vector_load %arg5[%get3A] {strides = array<i32>} : memref<8192xi32, #tpu.memory_space<vmem>>, vector<16xi32>,
      %get3A_206 = vector.shape_cast %get3A_205 : vector<16xi32> to vector<16xi32>
      %shift_left3A = arith.constant 7 : i32
      %shift_left3A_207 = vector.broadcast %shift_left3A : i32 to vector<16xi32>
      %shift_left3A_208 = arith.shli %get3A_206, %shift_left3A_207 : vector<16xi32>
      %add3A_209 = arith.addi %shift_left3A_208, %add3A_5 : vector<16xi32>
      %swap3A = arith.index_cast %add3A_204 : i32 to index
      %swap3A_210 = tpu.vector_load %arg5[%swap3A] {strides = array<i32>} : memref<8192xi32, #tpu.memory_space<vmem>>, vector<16xi32>,
      %swap3A_211 = vector.shape_cast %swap3A_210 : vector<16xi32> to vector<16xi32>
      %swap3A_212 = vector.shape_cast %add3A_209 : vector<16xi32> to vector<16xi32>
      tpu.vector_store %arg5[%swap3A], %swap3A_212 {strides = array<i32>} : memref<8192xi32, #tpu.memory_space<vmem>>, vector<16xi32>,
      %add3A_213 = arith.constant 16 : i32
      %add3A_214 = arith.addi %multiple_of3A, %add3A_213 : i32
      %get3A_215 = arith.index_cast %add3A_214 : i32 to index
      %get3A_216 = tpu.vector_load %arg5[%get3A_215] {strides = array<i32>} : memref<8192xi32, #tpu.memory_space<vmem>>, vector<16xi32>,
      %get3A_217 = vector.shape_cast %get3A_216 : vector<16xi32> to vector<16xi32>
      %shift_left3A_218 = arith.constant 7 : i32
      %shift_left3A_219 = vector.broadcast %shift_left3A_218 : i32 to vector<16xi32>
      %shift_left3A_220 = arith.shli %get3A_217, %shift_left3A_219 : vector<16xi32>
      %add3A_221 = arith.addi %shift_left3A_220, %add3A_8 : vector<16xi32>
      %swap3A_222 = arith.index_cast %add3A_214 : i32 to index
      %swap3A_223 = tpu.vector_load %arg5[%swap3A_222] {strides = array<i32>} : memref<8192xi32, #tpu.memory_space<vmem>>, vector<16xi32>,
      %swap3A_224 = vector.shape_cast %swap3A_223 : vector<16xi32> to vector<16xi32>
      %swap3A_225 = vector.shape_cast %add3A_221 : vector<16xi32> to vector<16xi32>
      tpu.vector_store %arg5[%swap3A_222], %swap3A_225 {strides = array<i32>} : memref<8192xi32, #tpu.memory_space<vmem>>, vector<16xi32>,
      %add3A_226 = arith.constant 32 : i32
      %add3A_227 = arith.addi %multiple_of3A, %add3A_226 : i32
      %get3A_228 = arith.index_cast %add3A_227 : i32 to index
      %get3A_229 = tpu.vector_load %arg5[%get3A_228] {strides = array<i32>} : memref<8192xi32, #tpu.memory_space<vmem>>, vector<16xi32>,
      %get3A_230 = vector.shape_cast %get3A_229 : vector<16xi32> to vector<16xi32>
      %shift_left3A_231 = arith.constant 7 : i32
      %shift_left3A_232 = vector.broadcast %shift_left3A_231 : i32 to vector<16xi32>
      %shift_left3A_233 = arith.shli %get3A_230, %shift_left3A_232 : vector<16xi32>
      %add3A_234 = arith.addi %shift_left3A_233, %add3A_11 : vector<16xi32>
      %swap3A_235 = arith.index_cast %add3A_227 : i32 to index
      %swap3A_236 = tpu.vector_load %arg5[%swap3A_235] {strides = array<i32>} : memref<8192xi32, #tpu.memory_space<vmem>>, vector<16xi32>,
      %swap3A_237 = vector.shape_cast %swap3A_236 : vector<16xi32> to vector<16xi32>
      %swap3A_238 = vector.shape_cast %add3A_234 : vector<16xi32> to vector<16xi32>
      tpu.vector_store %arg5[%swap3A_235], %swap3A_238 {strides = array<i32>} : memref<8192xi32, #tpu.memory_space<vmem>>, vector<16xi32>,
      %add3A_239 = arith.constant 48 : i32
      %add3A_240 = arith.addi %multiple_of3A, %add3A_239 : i32
      %get3A_241 = arith.index_cast %add3A_240 : i32 to index
      %get3A_242 = tpu.vector_load %arg5[%get3A_241] {strides = array<i32>} : memref<8192xi32, #tpu.memory_space<vmem>>, vector<16xi32>,
      %get3A_243 = vector.shape_cast %get3A_242 : vector<16xi32> to vector<16xi32>
      %shift_left3A_244 = arith.constant 7 : i32
      %shift_left3A_245 = vector.broadcast %shift_left3A_244 : i32 to vector<16xi32>
      %shift_left3A_246 = arith.shli %get3A_243, %shift_left3A_245 : vector<16xi32>
      %add3A_247 = arith.addi %shift_left3A_246, %add3A_14 : vector<16xi32>
      %swap3A_248 = arith.index_cast %add3A_240 : i32 to index
      %swap3A_249 = tpu.vector_load %arg5[%swap3A_248] {strides = array<i32>} : memref<8192xi32, #tpu.memory_space<vmem>>, vector<16xi32>,
      %swap3A_250 = vector.shape_cast %swap3A_249 : vector<16xi32> to vector<16xi32>
      %swap3A_251 = vector.shape_cast %add3A_247 : vector<16xi32> to vector<16xi32>
      tpu.vector_store %arg5[%swap3A_248], %swap3A_251 {strides = array<i32>} : memref<8192xi32, #tpu.memory_space<vmem>>, vector<16xi32>,
      %add3A_252 = arith.constant 64 : i32
      %add3A_253 = arith.addi %multiple_of3A, %add3A_252 : i32
      %get3A_254 = arith.index_cast %add3A_253 : i32 to index
      %get3A_255 = tpu.vector_load %arg5[%get3A_254] {strides = array<i32>} : memref<8192xi32, #tpu.memory_space<vmem>>, vector<16xi32>,
      %get3A_256 = vector.shape_cast %get3A_255 : vector<16xi32> to vector<16xi32>
      %shift_left3A_257 = arith.constant 7 : i32
      %shift_left3A_258 = vector.broadcast %shift_left3A_257 : i32 to vector<16xi32>
      %shift_left3A_259 = arith.shli %get3A_256, %shift_left3A_258 : vector<16xi32>
      %add3A_260 = arith.addi %shift_left3A_259, %add3A_17 : vector<16xi32>
      %swap3A_261 = arith.index_cast %add3A_253 : i32 to index
      %swap3A_262 = tpu.vector_load %arg5[%swap3A_261] {strides = array<i32>} : memref<8192xi32, #tpu.memory_space<vmem>>, vector<16xi32>,
      %swap3A_263 = vector.shape_cast %swap3A_262 : vector<16xi32> to vector<16xi32>
      %swap3A_264 = vector.shape_cast %add3A_260 : vector<16xi32> to vector<16xi32>
      tpu.vector_store %arg5[%swap3A_261], %swap3A_264 {strides = array<i32>} : memref<8192xi32, #tpu.memory_space<vmem>>, vector<16xi32>,
      %add3A_265 = arith.constant 80 : i32
      %add3A_266 = arith.addi %multiple_of3A, %add3A_265 : i32
      %get3A_267 = arith.index_cast %add3A_266 : i32 to index
      %get3A_268 = tpu.vector_load %arg5[%get3A_267] {strides = array<i32>} : memref<8192xi32, #tpu.memory_space<vmem>>, vector<16xi32>,
      %get3A_269 = vector.shape_cast %get3A_268 : vector<16xi32> to vector<16xi32>
      %shift_left3A_270 = arith.constant 7 : i32
      %shift_left3A_271 = vector.broadcast %shift_left3A_270 : i32 to vector<16xi32>
      %shift_left3A_272 = arith.shli %get3A_269, %shift_left3A_271 : vector<16xi32>
      %add3A_273 = arith.addi %shift_left3A_272, %add3A_20 : vector<16xi32>
      %swap3A_274 = arith.index_cast %add3A_266 : i32 to index
      %swap3A_275 = tpu.vector_load %arg5[%swap3A_274] {strides = array<i32>} : memref<8192xi32, #tpu.memory_space<vmem>>, vector<16xi32>,
      %swap3A_276 = vector.shape_cast %swap3A_275 : vector<16xi32> to vector<16xi32>
      %swap3A_277 = vector.shape_cast %add3A_273 : vector<16xi32> to vector<16xi32>
      tpu.vector_store %arg5[%swap3A_274], %swap3A_277 {strides = array<i32>} : memref<8192xi32, #tpu.memory_space<vmem>>, vector<16xi32>,
      %add3A_278 = arith.constant 96 : i32
      %add3A_279 = arith.addi %multiple_of3A, %add3A_278 : i32
      %get3A_280 = arith.index_cast %add3A_279 : i32 to index
      %get3A_281 = tpu.vector_load %arg5[%get3A_280] {strides = array<i32>} : memref<8192xi32, #tpu.memory_space<vmem>>, vector<16xi32>,
      %get3A_282 = vector.shape_cast %get3A_281 : vector<16xi32> to vector<16xi32>
      %shift_left3A_283 = arith.constant 7 : i32
      %shift_left3A_284 = vector.broadcast %shift_left3A_283 : i32 to vector<16xi32>
      %shift_left3A_285 = arith.shli %get3A_282, %shift_left3A_284 : vector<16xi32>
      %add3A_286 = arith.addi %shift_left3A_285, %add3A_23 : vector<16xi32>
      %swap3A_287 = arith.index_cast %add3A_279 : i32 to index
      %swap3A_288 = tpu.vector_load %arg5[%swap3A_287] {strides = array<i32>} : memref<8192xi32, #tpu.memory_space<vmem>>, vector<16xi32>,
      %swap3A_289 = vector.shape_cast %swap3A_288 : vector<16xi32> to vector<16xi32>
      %swap3A_290 = vector.shape_cast %add3A_286 : vector<16xi32> to vector<16xi32>
      tpu.vector_store %arg5[%swap3A_287], %swap3A_290 {strides = array<i32>} : memref<8192xi32, #tpu.memory_space<vmem>>, vector<16xi32>,
      %add3A_291 = arith.constant 112 : i32
      %add3A_292 = arith.addi %multiple_of3A, %add3A_291 : i32
      %get3A_293 = arith.index_cast %add3A_292 : i32 to index
      %get3A_294 = tpu.vector_load %arg5[%get3A_293] {strides = array<i32>} : memref<8192xi32, #tpu.memory_space<vmem>>, vector<16xi32>,
      %get3A_295 = vector.shape_cast %get3A_294 : vector<16xi32> to vector<16xi32>
      %shift_left3A_296 = arith.constant 7 : i32
      %shift_left3A_297 = vector.broadcast %shift_left3A_296 : i32 to vector<16xi32>
      %shift_left3A_298 = arith.shli %get3A_295, %shift_left3A_297 : vector<16xi32>
      %add3A_299 = arith.addi %shift_left3A_298, %add3A_26 : vector<16xi32>
      %swap3A_300 = arith.index_cast %add3A_292 : i32 to index
      %swap3A_301 = tpu.vector_load %arg5[%swap3A_300] {strides = array<i32>} : memref<8192xi32, #tpu.memory_space<vmem>>, vector<16xi32>,
      %swap3A_302 = vector.shape_cast %swap3A_301 : vector<16xi32> to vector<16xi32>
      %swap3A_303 = vector.shape_cast %add3A_299 : vector<16xi32> to vector<16xi32>
      tpu.vector_store %arg5[%swap3A_300], %swap3A_303 {strides = array<i32>} : memref<8192xi32, #tpu.memory_space<vmem>>, vector<16xi32>,
      %scan3A_304 = arith.constant 1 : i32
      %scan3A_305 = arith.addi %scan3A_200, %scan3A_304 : i32
      %mul3A_306 = arith.constant 128 : i32
      %mul3A_307 = arith.muli %scan3A_305, %mul3A_306 : i32
      %multiple_of3A_308 = tpu.assume_multiple %mul3A_307, 128 : i32
      %add3A_309 = arith.constant 0 : i32
      %add3A_310 = arith.addi %multiple_of3A_308, %add3A_309 : i32
      %get3A_311 = arith.index_cast %add3A_310 : i32 to index
      %get3A_312 = tpu.vector_load %arg5[%get3A_311] {strides = array<i32>} : memref<8192xi32, #tpu.memory_space<vmem>>, vector<16xi32>,
      %get3A_313 = vector.shape_cast %get3A_312 : vector<16xi32> to vector<16xi32>
      %shift_left3A_314 = arith.constant 7 : i32
      %shift_left3A_315 = vector.broadcast %shift_left3A_314 : i32 to vector<16xi32>
      %shift_left3A_316 = arith.shli %get3A_313, %shift_left3A_315 : vector<16xi32>
      %add3A_317 = arith.addi %shift_left3A_316, %add3A_5 : vector<16xi32>
      %swap3A_318 = arith.index_cast %add3A_310 : i32 to index
      %swap3A_319 = tpu.vector_load %arg5[%swap3A_318] {strides = array<i32>} : memref<8192xi32, #tpu.memory_space<vmem>>, vector<16xi32>,
      %swap3A_320 = vector.shape_cast %swap3A_319 : vector<16xi32> to vector<16xi32>
      %swap3A_321 = vector.shape_cast %add3A_317 : vector<16xi32> to vector<16xi32>
      tpu.vector_store %arg5[%swap3A_318], %swap3A_321 {strides = array<i32>} : memref<8192xi32, #tpu.memory_space<vmem>>, vector<16xi32>,
      %add3A_322 = arith.constant 16 : i32
      %add3A_323 = arith.addi %multiple_of3A_308, %add3A_322 : i32
      %get3A_324 = arith.index_cast %add3A_323 : i32 to index
      %get3A_325 = tpu.vector_load %arg5[%get3A_324] {strides = array<i32>} : memref<8192xi32, #tpu.memory_space<vmem>>, vector<16xi32>,
      %get3A_326 = vector.shape_cast %get3A_325 : vector<16xi32> to vector<16xi32>
      %shift_left3A_327 = arith.constant 7 : i32
      %shift_left3A_328 = vector.broadcast %shift_left3A_327 : i32 to vector<16xi32>
      %shift_left3A_329 = arith.shli %get3A_326, %shift_left3A_328 : vector<16xi32>
      %add3A_330 = arith.addi %shift_left3A_329, %add3A_8 : vector<16xi32>
      %swap3A_331 = arith.index_cast %add3A_323 : i32 to index
      %swap3A_332 = tpu.vector_load %arg5[%swap3A_331] {strides = array<i32>} : memref<8192xi32, #tpu.memory_space<vmem>>, vector<16xi32>,
      %swap3A_333 = vector.shape_cast %swap3A_332 : vector<16xi32> to vector<16xi32>
      %swap3A_334 = vector.shape_cast %add3A_330 : vector<16xi32> to vector<16xi32>
      tpu.vector_store %arg5[%swap3A_331], %swap3A_334 {strides = array<i32>} : memref<8192xi32, #tpu.memory_space<vmem>>, vector<16xi32>,
      %add3A_335 = arith.constant 32 : i32
      %add3A_336 = arith.addi %multiple_of3A_308, %add3A_335 : i32
      %get3A_337 = arith.index_cast %add3A_336 : i32 to index
      %get3A_338 = tpu.vector_load %arg5[%get3A_337] {strides = array<i32>} : memref<8192xi32, #tpu.memory_space<vmem>>, vector<16xi32>,
      %get3A_339 = vector.shape_cast %get3A_338 : vector<16xi32> to vector<16xi32>
      %shift_left3A_340 = arith.constant 7 : i32
      %shift_left3A_341 = vector.broadcast %shift_left3A_340 : i32 to vector<16xi32>
      %shift_left3A_342 = arith.shli %get3A_339, %shift_left3A_341 : vector<16xi32>
      %add3A_343 = arith.addi %shift_left3A_342, %add3A_11 : vector<16xi32>
      %swap3A_344 = arith.index_cast %add3A_336 : i32 to index
      %swap3A_345 = tpu.vector_load %arg5[%swap3A_344] {strides = array<i32>} : memref<8192xi32, #tpu.memory_space<vmem>>, vector<16xi32>,
      %swap3A_346 = vector.shape_cast %swap3A_345 : vector<16xi32> to vector<16xi32>
      %swap3A_347 = vector.shape_cast %add3A_343 : vector<16xi32> to vector<16xi32>
      tpu.vector_store %arg5[%swap3A_344], %swap3A_347 {strides = array<i32>} : memref<8192xi32, #tpu.memory_space<vmem>>, vector<16xi32>,
      %add3A_348 = arith.constant 48 : i32
      %add3A_349 = arith.addi %multiple_of3A_308, %add3A_348 : i32
      %get3A_350 = arith.index_cast %add3A_349 : i32 to index
      %get3A_351 = tpu.vector_load %arg5[%get3A_350] {strides = array<i32>} : memref<8192xi32, #tpu.memory_space<vmem>>, vector<16xi32>,
      %get3A_352 = vector.shape_cast %get3A_351 : vector<16xi32> to vector<16xi32>
      %shift_left3A_353 = arith.constant 7 : i32
      %shift_left3A_354 = vector.broadcast %shift_left3A_353 : i32 to vector<16xi32>
      %shift_left3A_355 = arith.shli %get3A_352, %shift_left3A_354 : vector<16xi32>
      %add3A_356 = arith.addi %shift_left3A_355, %add3A_14 : vector<16xi32>
      %swap3A_357 = arith.index_cast %add3A_349 : i32 to index
      %swap3A_358 = tpu.vector_load %arg5[%swap3A_357] {strides = array<i32>} : memref<8192xi32, #tpu.memory_space<vmem>>, vector<16xi32>,
      %swap3A_359 = vector.shape_cast %swap3A_358 : vector<16xi32> to vector<16xi32>
      %swap3A_360 = vector.shape_cast %add3A_356 : vector<16xi32> to vector<16xi32>
      tpu.vector_store %arg5[%swap3A_357], %swap3A_360 {strides = array<i32>} : memref<8192xi32, #tpu.memory_space<vmem>>, vector<16xi32>,
      %add3A_361 = arith.constant 64 : i32
      %add3A_362 = arith.addi %multiple_of3A_308, %add3A_361 : i32
      %get3A_363 = arith.index_cast %add3A_362 : i32 to index
      %get3A_364 = tpu.vector_load %arg5[%get3A_363] {strides = array<i32>} : memref<8192xi32, #tpu.memory_space<vmem>>, vector<16xi32>,
      %get3A_365 = vector.shape_cast %get3A_364 : vector<16xi32> to vector<16xi32>
      %shift_left3A_366 = arith.constant 7 : i32
      %shift_left3A_367 = vector.broadcast %shift_left3A_366 : i32 to vector<16xi32>
      %shift_left3A_368 = arith.shli %get3A_365, %shift_left3A_367 : vector<16xi32>
      %add3A_369 = arith.addi %shift_left3A_368, %add3A_17 : vector<16xi32>
      %swap3A_370 = arith.index_cast %add3A_362 : i32 to index
      %swap3A_371 = tpu.vector_load %arg5[%swap3A_370] {strides = array<i32>} : memref<8192xi32, #tpu.memory_space<vmem>>, vector<16xi32>,
      %swap3A_372 = vector.shape_cast %swap3A_371 : vector<16xi32> to vector<16xi32>
      %swap3A_373 = vector.shape_cast %add3A_369 : vector<16xi32> to vector<16xi32>
      tpu.vector_store %arg5[%swap3A_370], %swap3A_373 {strides = array<i32>} : memref<8192xi32, #tpu.memory_space<vmem>>, vector<16xi32>,
      %add3A_374 = arith.constant 80 : i32
      %add3A_375 = arith.addi %multiple_of3A_308, %add3A_374 : i32
      %get3A_376 = arith.index_cast %add3A_375 : i32 to index
      %get3A_377 = tpu.vector_load %arg5[%get3A_376] {strides = array<i32>} : memref<8192xi32, #tpu.memory_space<vmem>>, vector<16xi32>,
      %get3A_378 = vector.shape_cast %get3A_377 : vector<16xi32> to vector<16xi32>
      %shift_left3A_379 = arith.constant 7 : i32
      %shift_left3A_380 = vector.broadcast %shift_left3A_379 : i32 to vector<16xi32>
      %shift_left3A_381 = arith.shli %get3A_378, %shift_left3A_380 : vector<16xi32>
      %add3A_382 = arith.addi %shift_left3A_381, %add3A_20 : vector<16xi32>
      %swap3A_383 = arith.index_cast %add3A_375 : i32 to index
      %swap3A_384 = tpu.vector_load %arg5[%swap3A_383] {strides = array<i32>} : memref<8192xi32, #tpu.memory_space<vmem>>, vector<16xi32>,
      %swap3A_385 = vector.shape_cast %swap3A_384 : vector<16xi32> to vector<16xi32>
      %swap3A_386 = vector.shape_cast %add3A_382 : vector<16xi32> to vector<16xi32>
      tpu.vector_store %arg5[%swap3A_383], %swap3A_386 {strides = array<i32>} : memref<8192xi32, #tpu.memory_space<vmem>>, vector<16xi32>,
      %add3A_387 = arith.constant 96 : i32
      %add3A_388 = arith.addi %multiple_of3A_308, %add3A_387 : i32
      %get3A_389 = arith.index_cast %add3A_388 : i32 to index
      %get3A_390 = tpu.vector_load %arg5[%get3A_389] {strides = array<i32>} : memref<8192xi32, #tpu.memory_space<vmem>>, vector<16xi32>,
      %get3A_391 = vector.shape_cast %get3A_390 : vector<16xi32> to vector<16xi32>
      %shift_left3A_392 = arith.constant 7 : i32
      %shift_left3A_393 = vector.broadcast %shift_left3A_392 : i32 to vector<16xi32>
      %shift_left3A_394 = arith.shli %get3A_391, %shift_left3A_393 : vector<16xi32>
      %add3A_395 = arith.addi %shift_left3A_394, %add3A_23 : vector<16xi32>
      %swap3A_396 = arith.index_cast %add3A_388 : i32 to index
      %swap3A_397 = tpu.vector_load %arg5[%swap3A_396] {strides = array<i32>} : memref<8192xi32, #tpu.memory_space<vmem>>, vector<16xi32>,
      %swap3A_398 = vector.shape_cast %swap3A_397 : vector<16xi32> to vector<16xi32>
      %swap3A_399 = vector.shape_cast %add3A_395 : vector<16xi32> to vector<16xi32>
      tpu.vector_store %arg5[%swap3A_396], %swap3A_399 {strides = array<i32>} : memref<8192xi32, #tpu.memory_space<vmem>>, vector<16xi32>,
      %add3A_400 = arith.constant 112 : i32
      %add3A_401 = arith.addi %multiple_of3A_308, %add3A_400 : i32
      %get3A_402 = arith.index_cast %add3A_401 : i32 to index
      %get3A_403 = tpu.vector_load %arg5[%get3A_402] {strides = array<i32>} : memref<8192xi32, #tpu.memory_space<vmem>>, vector<16xi32>,
      %get3A_404 = vector.shape_cast %get3A_403 : vector<16xi32> to vector<16xi32>
      %shift_left3A_405 = arith.constant 7 : i32
      %shift_left3A_406 = vector.broadcast %shift_left3A_405 : i32 to vector<16xi32>
      %shift_left3A_407 = arith.shli %get3A_404, %shift_left3A_406 : vector<16xi32>
      %add3A_408 = arith.addi %shift_left3A_407, %add3A_26 : vector<16xi32>
      %swap3A_409 = arith.index_cast %add3A_401 : i32 to index
      %swap3A_410 = tpu.vector_load %arg5[%swap3A_409] {strides = array<i32>} : memref<8192xi32, #tpu.memory_space<vmem>>, vector<16xi32>,
      %swap3A_411 = vector.shape_cast %swap3A_410 : vector<16xi32> to vector<16xi32>
      %swap3A_412 = vector.shape_cast %add3A_408 : vector<16xi32> to vector<16xi32>
      tpu.vector_store %arg5[%swap3A_409], %swap3A_412 {strides = array<i32>} : memref<8192xi32, #tpu.memory_space<vmem>>, vector<16xi32>,
    }
    %scan3A_39 = arith.constant 64 : i32
    %dma_start3A_40 = arith.constant 0 : i32
    %dma_start3A_41 = tpu.memref_slice %arg3[%dma_start3A_40] : memref<12800000xf32, #tpu.memory_space<hbm>> -> memref<12800000xf32, #tpu.memory_space<hbm>>
    tpu.enqueue_indirect_dma source(%dma_start3A_41 : memref<12800000xf32, #tpu.memory_space<hbm>>) target(%arg13 : memref<8192xf32, #tpu.memory_space<vmem>>) offsets(%arg5 : memref<8192xi32, #tpu.memory_space<vmem>>) semaphore(%arg25 : memref<!tpu.dma_semaphore, #tpu.memory_space<semaphore_mem>>)
    %add3A_42 = arith.constant 16384 : i32
    %add3A_43 = arith.addi %mul3A_2, %add3A_42 : i32
    %dma_start3A_44 = tpu.memref_slice %arg2[%add3A_43] : memref<2097152xi32, #tpu.memory_space<hbm>> -> memref<8192xi32, #tpu.memory_space<hbm>>
    %dma_start3A_45 = tpu.memref_slice %arg2[%add3A_43] : memref<2097152xi32, #tpu.memory_space<hbm>> -> memref<8192xi32, #tpu.memory_space<hbm>>
    tpu.enqueue_dma source(%dma_start3A_45 : memref<8192xi32, #tpu.memory_space<hbm>>) target(%arg7 : memref<8192xi32, #tpu.memory_space<vmem>>) target_semaphore(%arg19 : memref<!tpu.dma_semaphore, #tpu.memory_space<semaphore_mem>>)
    %dma_wait3A_46 = tpu.memref_slice %arg2[%add3A_31] : memref<2097152xi32, #tpu.memory_space<hbm>> -> memref<8192xi32, #tpu.memory_space<hbm>>
    %dma_wait3A_47 = tpu.memref_slice %arg2[%add3A_31] : memref<2097152xi32, #tpu.memory_space<hbm>> -> memref<8192xi32, #tpu.memory_space<hbm>>
    tpu.wait_dma2 semaphore(%arg18 : memref<!tpu.dma_semaphore, #tpu.memory_space<semaphore_mem>>) src(%dma_wait3A_47 : memref<8192xi32, #tpu.memory_space<hbm>>) dst(%arg6 : memref<8192xi32, #tpu.memory_space<vmem>>)
    %scan3A_48 = arith.constant 0 : i32
    %scan3A_49 = arith.constant 0 : i32
    %scan3A_50 = arith.constant 64 : i32
    %scan3A_51 = arith.addi %scan3A_49, %scan3A_50 : i32
    %scan3A_52 = arith.constant 2 : i32
    scf.for %scan3A_200 = %scan3A_49 to %scan3A_51 step %scan3A_52  : i32 {
      %mul3A_201 = arith.constant 128 : i32
      %mul3A_202 = arith.muli %scan3A_200, %mul3A_201 : i32
      %multiple_of3A = tpu.assume_multiple %mul3A_202, 128 : i32
      %add3A_203 = arith.constant 0 : i32
      %add3A_204 = arith.addi %multiple_of3A, %add3A_203 : i32
      %get3A = arith.index_cast %add3A_204 : i32 to index
      %get3A_205 = tpu.vector_load %arg6[%get3A] {strides = array<i32>} : memref<8192xi32, #tpu.memory_space<vmem>>, vector<16xi32>,
      %get3A_206 = vector.shape_cast %get3A_205 : vector<16xi32> to vector<16xi32>
      %shift_left3A = arith.constant 7 : i32
      %shift_left3A_207 = vector.broadcast %shift_left3A : i32 to vector<16xi32>
      %shift_left3A_208 = arith.shli %get3A_206, %shift_left3A_207 : vector<16xi32>
      %add3A_209 = arith.addi %shift_left3A_208, %add3A_5 : vector<16xi32>
      %swap3A = arith.index_cast %add3A_204 : i32 to index
      %swap3A_210 = tpu.vector_load %arg6[%swap3A] {strides = array<i32>} : memref<8192xi32, #tpu.memory_space<vmem>>, vector<16xi32>,
      %swap3A_211 = vector.shape_cast %swap3A_210 : vector<16xi32> to vector<16xi32>
      %swap3A_212 = vector.shape_cast %add3A_209 : vector<16xi32> to vector<16xi32>
      tpu.vector_store %arg6[%swap3A], %swap3A_212 {strides = array<i32>} : memref<8192xi32, #tpu.memory_space<vmem>>, vector<16xi32>,
      %add3A_213 = arith.constant 16 : i32
      %add3A_214 = arith.addi %multiple_of3A, %add3A_213 : i32
      %get3A_215 = arith.index_cast %add3A_214 : i32 to index
      %get3A_216 = tpu.vector_load %arg6[%get3A_215] {strides = array<i32>} : memref<8192xi32, #tpu.memory_space<vmem>>, vector<16xi32>,
      %get3A_217 = vector.shape_cast %get3A_216 : vector<16xi32> to vector<16xi32>
      %shift_left3A_218 = arith.constant 7 : i32
      %shift_left3A_219 = vector.broadcast %shift_left3A_218 : i32 to vector<16xi32>
      %shift_left3A_220 = arith.shli %get3A_217, %shift_left3A_219 : vector<16xi32>
      %add3A_221 = arith.addi %shift_left3A_220, %add3A_8 : vector<16xi32>
      %swap3A_222 = arith.index_cast %add3A_214 : i32 to index
      %swap3A_223 = tpu.vector_load %arg6[%swap3A_222] {strides = array<i32>} : memref<8192xi32, #tpu.memory_space<vmem>>, vector<16xi32>,
      %swap3A_224 = vector.shape_cast %swap3A_223 : vector<16xi32> to vector<16xi32>
      %swap3A_225 = vector.shape_cast %add3A_221 : vector<16xi32> to vector<16xi32>
      tpu.vector_store %arg6[%swap3A_222], %swap3A_225 {strides = array<i32>} : memref<8192xi32, #tpu.memory_space<vmem>>, vector<16xi32>,
      %add3A_226 = arith.constant 32 : i32
      %add3A_227 = arith.addi %multiple_of3A, %add3A_226 : i32
      %get3A_228 = arith.index_cast %add3A_227 : i32 to index
      %get3A_229 = tpu.vector_load %arg6[%get3A_228] {strides = array<i32>} : memref<8192xi32, #tpu.memory_space<vmem>>, vector<16xi32>,
      %get3A_230 = vector.shape_cast %get3A_229 : vector<16xi32> to vector<16xi32>
      %shift_left3A_231 = arith.constant 7 : i32
      %shift_left3A_232 = vector.broadcast %shift_left3A_231 : i32 to vector<16xi32>
      %shift_left3A_233 = arith.shli %get3A_230, %shift_left3A_232 : vector<16xi32>
      %add3A_234 = arith.addi %shift_left3A_233, %add3A_11 : vector<16xi32>
      %swap3A_235 = arith.index_cast %add3A_227 : i32 to index
      %swap3A_236 = tpu.vector_load %arg6[%swap3A_235] {strides = array<i32>} : memref<8192xi32, #tpu.memory_space<vmem>>, vector<16xi32>,
      %swap3A_237 = vector.shape_cast %swap3A_236 : vector<16xi32> to vector<16xi32>
      %swap3A_238 = vector.shape_cast %add3A_234 : vector<16xi32> to vector<16xi32>
      tpu.vector_store %arg6[%swap3A_235], %swap3A_238 {strides = array<i32>} : memref<8192xi32, #tpu.memory_space<vmem>>, vector<16xi32>,
      %add3A_239 = arith.constant 48 : i32
      %add3A_240 = arith.addi %multiple_of3A, %add3A_239 : i32
      %get3A_241 = arith.index_cast %add3A_240 : i32 to index
      %get3A_242 = tpu.vector_load %arg6[%get3A_241] {strides = array<i32>} : memref<8192xi32, #tpu.memory_space<vmem>>, vector<16xi32>,
      %get3A_243 = vector.shape_cast %get3A_242 : vector<16xi32> to vector<16xi32>
      %shift_left3A_244 = arith.constant 7 : i32
      %shift_left3A_245 = vector.broadcast %shift_left3A_244 : i32 to vector<16xi32>
      %shift_left3A_246 = arith.shli %get3A_243, %shift_left3A_245 : vector<16xi32>
      %add3A_247 = arith.addi %shift_left3A_246, %add3A_14 : vector<16xi32>
      %swap3A_248 = arith.index_cast %add3A_240 : i32 to index
      %swap3A_249 = tpu.vector_load %arg6[%swap3A_248] {strides = array<i32>} : memref<8192xi32, #tpu.memory_space<vmem>>, vector<16xi32>,
      %swap3A_250 = vector.shape_cast %swap3A_249 : vector<16xi32> to vector<16xi32>
      %swap3A_251 = vector.shape_cast %add3A_247 : vector<16xi32> to vector<16xi32>
      tpu.vector_store %arg6[%swap3A_248], %swap3A_251 {strides = array<i32>} : memref<8192xi32, #tpu.memory_space<vmem>>, vector<16xi32>,
      %add3A_252 = arith.constant 64 : i32
      %add3A_253 = arith.addi %multiple_of3A, %add3A_252 : i32
      %get3A_254 = arith.index_cast %add3A_253 : i32 to index
      %get3A_255 = tpu.vector_load %arg6[%get3A_254] {strides = array<i32>} : memref<8192xi32, #tpu.memory_space<vmem>>, vector<16xi32>,
      %get3A_256 = vector.shape_cast %get3A_255 : vector<16xi32> to vector<16xi32>
      %shift_left3A_257 = arith.constant 7 : i32
      %shift_left3A_258 = vector.broadcast %shift_left3A_257 : i32 to vector<16xi32>
      %shift_left3A_259 = arith.shli %get3A_256, %shift_left3A_258 : vector<16xi32>
      %add3A_260 = arith.addi %shift_left3A_259, %add3A_17 : vector<16xi32>
      %swap3A_261 = arith.index_cast %add3A_253 : i32 to index
      %swap3A_262 = tpu.vector_load %arg6[%swap3A_261] {strides = array<i32>} : memref<8192xi32, #tpu.memory_space<vmem>>, vector<16xi32>,
      %swap3A_263 = vector.shape_cast %swap3A_262 : vector<16xi32> to vector<16xi32>
      %swap3A_264 = vector.shape_cast %add3A_260 : vector<16xi32> to vector<16xi32>
      tpu.vector_store %arg6[%swap3A_261], %swap3A_264 {strides = array<i32>} : memref<8192xi32, #tpu.memory_space<vmem>>, vector<16xi32>,
      %add3A_265 = arith.constant 80 : i32
      %add3A_266 = arith.addi %multiple_of3A, %add3A_265 : i32
      %get3A_267 = arith.index_cast %add3A_266 : i32 to index
      %get3A_268 = tpu.vector_load %arg6[%get3A_267] {strides = array<i32>} : memref<8192xi32, #tpu.memory_space<vmem>>, vector<16xi32>,
      %get3A_269 = vector.shape_cast %get3A_268 : vector<16xi32> to vector<16xi32>
      %shift_left3A_270 = arith.constant 7 : i32
      %shift_left3A_271 = vector.broadcast %shift_left3A_270 : i32 to vector<16xi32>
      %shift_left3A_272 = arith.shli %get3A_269, %shift_left3A_271 : vector<16xi32>
      %add3A_273 = arith.addi %shift_left3A_272, %add3A_20 : vector<16xi32>
      %swap3A_274 = arith.index_cast %add3A_266 : i32 to index
      %swap3A_275 = tpu.vector_load %arg6[%swap3A_274] {strides = array<i32>} : memref<8192xi32, #tpu.memory_space<vmem>>, vector<16xi32>,
      %swap3A_276 = vector.shape_cast %swap3A_275 : vector<16xi32> to vector<16xi32>
      %swap3A_277 = vector.shape_cast %add3A_273 : vector<16xi32> to vector<16xi32>
      tpu.vector_store %arg6[%swap3A_274], %swap3A_277 {strides = array<i32>} : memref<8192xi32, #tpu.memory_space<vmem>>, vector<16xi32>,
      %add3A_278 = arith.constant 96 : i32
      %add3A_279 = arith.addi %multiple_of3A, %add3A_278 : i32
      %get3A_280 = arith.index_cast %add3A_279 : i32 to index
      %get3A_281 = tpu.vector_load %arg6[%get3A_280] {strides = array<i32>} : memref<8192xi32, #tpu.memory_space<vmem>>, vector<16xi32>,
      %get3A_282 = vector.shape_cast %get3A_281 : vector<16xi32> to vector<16xi32>
      %shift_left3A_283 = arith.constant 7 : i32
      %shift_left3A_284 = vector.broadcast %shift_left3A_283 : i32 to vector<16xi32>
      %shift_left3A_285 = arith.shli %get3A_282, %shift_left3A_284 : vector<16xi32>
      %add3A_286 = arith.addi %shift_left3A_285, %add3A_23 : vector<16xi32>
      %swap3A_287 = arith.index_cast %add3A_279 : i32 to index
      %swap3A_288 = tpu.vector_load %arg6[%swap3A_287] {strides = array<i32>} : memref<8192xi32, #tpu.memory_space<vmem>>, vector<16xi32>,
      %swap3A_289 = vector.shape_cast %swap3A_288 : vector<16xi32> to vector<16xi32>
      %swap3A_290 = vector.shape_cast %add3A_286 : vector<16xi32> to vector<16xi32>
      tpu.vector_store %arg6[%swap3A_287], %swap3A_290 {strides = array<i32>} : memref<8192xi32, #tpu.memory_space<vmem>>, vector<16xi32>,
      %add3A_291 = arith.constant 112 : i32
      %add3A_292 = arith.addi %multiple_of3A, %add3A_291 : i32
      %get3A_293 = arith.index_cast %add3A_292 : i32 to index
      %get3A_294 = tpu.vector_load %arg6[%get3A_293] {strides = array<i32>} : memref<8192xi32, #tpu.memory_space<vmem>>, vector<16xi32>,
      %get3A_295 = vector.shape_cast %get3A_294 : vector<16xi32> to vector<16xi32>
      %shift_left3A_296 = arith.constant 7 : i32
      %shift_left3A_297 = vector.broadcast %shift_left3A_296 : i32 to vector<16xi32>
      %shift_left3A_298 = arith.shli %get3A_295, %shift_left3A_297 : vector<16xi32>
      %add3A_299 = arith.addi %shift_left3A_298, %add3A_26 : vector<16xi32>
      %swap3A_300 = arith.index_cast %add3A_292 : i32 to index
      %swap3A_301 = tpu.vector_load %arg6[%swap3A_300] {strides = array<i32>} : memref<8192xi32, #tpu.memory_space<vmem>>, vector<16xi32>,
      %swap3A_302 = vector.shape_cast %swap3A_301 : vector<16xi32> to vector<16xi32>
      %swap3A_303 = vector.shape_cast %add3A_299 : vector<16xi32> to vector<16xi32>
      tpu.vector_store %arg6[%swap3A_300], %swap3A_303 {strides = array<i32>} : memref<8192xi32, #tpu.memory_space<vmem>>, vector<16xi32>,
      %scan3A_304 = arith.constant 1 : i32
      %scan3A_305 = arith.addi %scan3A_200, %scan3A_304 : i32
      %mul3A_306 = arith.constant 128 : i32
      %mul3A_307 = arith.muli %scan3A_305, %mul3A_306 : i32
      %multiple_of3A_308 = tpu.assume_multiple %mul3A_307, 128 : i32
      %add3A_309 = arith.constant 0 : i32
      %add3A_310 = arith.addi %multiple_of3A_308, %add3A_309 : i32
      %get3A_311 = arith.index_cast %add3A_310 : i32 to index
      %get3A_312 = tpu.vector_load %arg6[%get3A_311] {strides = array<i32>} : memref<8192xi32, #tpu.memory_space<vmem>>, vector<16xi32>,
      %get3A_313 = vector.shape_cast %get3A_312 : vector<16xi32> to vector<16xi32>
      %shift_left3A_314 = arith.constant 7 : i32
      %shift_left3A_315 = vector.broadcast %shift_left3A_314 : i32 to vector<16xi32>
      %shift_left3A_316 = arith.shli %get3A_313, %shift_left3A_315 : vector<16xi32>
      %add3A_317 = arith.addi %shift_left3A_316, %add3A_5 : vector<16xi32>
      %swap3A_318 = arith.index_cast %add3A_310 : i32 to index
      %swap3A_319 = tpu.vector_load %arg6[%swap3A_318] {strides = array<i32>} : memref<8192xi32, #tpu.memory_space<vmem>>, vector<16xi32>,
      %swap3A_320 = vector.shape_cast %swap3A_319 : vector<16xi32> to vector<16xi32>
      %swap3A_321 = vector.shape_cast %add3A_317 : vector<16xi32> to vector<16xi32>
      tpu.vector_store %arg6[%swap3A_318], %swap3A_321 {strides = array<i32>} : memref<8192xi32, #tpu.memory_space<vmem>>, vector<16xi32>,
      %add3A_322 = arith.constant 16 : i32
      %add3A_323 = arith.addi %multiple_of3A_308, %add3A_322 : i32
      %get3A_324 = arith.index_cast %add3A_323 : i32 to index
      %get3A_325 = tpu.vector_load %arg6[%get3A_324] {strides = array<i32>} : memref<8192xi32, #tpu.memory_space<vmem>>, vector<16xi32>,
      %get3A_326 = vector.shape_cast %get3A_325 : vector<16xi32> to vector<16xi32>
      %shift_left3A_327 = arith.constant 7 : i32
      %shift_left3A_328 = vector.broadcast %shift_left3A_327 : i32 to vector<16xi32>
      %shift_left3A_329 = arith.shli %get3A_326, %shift_left3A_328 : vector<16xi32>
      %add3A_330 = arith.addi %shift_left3A_329, %add3A_8 : vector<16xi32>
      %swap3A_331 = arith.index_cast %add3A_323 : i32 to index
      %swap3A_332 = tpu.vector_load %arg6[%swap3A_331] {strides = array<i32>} : memref<8192xi32, #tpu.memory_space<vmem>>, vector<16xi32>,
      %swap3A_333 = vector.shape_cast %swap3A_332 : vector<16xi32> to vector<16xi32>
      %swap3A_334 = vector.shape_cast %add3A_330 : vector<16xi32> to vector<16xi32>
      tpu.vector_store %arg6[%swap3A_331], %swap3A_334 {strides = array<i32>} : memref<8192xi32, #tpu.memory_space<vmem>>, vector<16xi32>,
      %add3A_335 = arith.constant 32 : i32
      %add3A_336 = arith.addi %multiple_of3A_308, %add3A_335 : i32
      %get3A_337 = arith.index_cast %add3A_336 : i32 to index
      %get3A_338 = tpu.vector_load %arg6[%get3A_337] {strides = array<i32>} : memref<8192xi32, #tpu.memory_space<vmem>>, vector<16xi32>,
      %get3A_339 = vector.shape_cast %get3A_338 : vector<16xi32> to vector<16xi32>
      %shift_left3A_340 = arith.constant 7 : i32
      %shift_left3A_341 = vector.broadcast %shift_left3A_340 : i32 to vector<16xi32>
      %shift_left3A_342 = arith.shli %get3A_339, %shift_left3A_341 : vector<16xi32>
      %add3A_343 = arith.addi %shift_left3A_342, %add3A_11 : vector<16xi32>
      %swap3A_344 = arith.index_cast %add3A_336 : i32 to index
      %swap3A_345 = tpu.vector_load %arg6[%swap3A_344] {strides = array<i32>} : memref<8192xi32, #tpu.memory_space<vmem>>, vector<16xi32>,
      %swap3A_346 = vector.shape_cast %swap3A_345 : vector<16xi32> to vector<16xi32>
      %swap3A_347 = vector.shape_cast %add3A_343 : vector<16xi32> to vector<16xi32>
      tpu.vector_store %arg6[%swap3A_344], %swap3A_347 {strides = array<i32>} : memref<8192xi32, #tpu.memory_space<vmem>>, vector<16xi32>,
      %add3A_348 = arith.constant 48 : i32
      %add3A_349 = arith.addi %multiple_of3A_308, %add3A_348 : i32
      %get3A_350 = arith.index_cast %add3A_349 : i32 to index
      %get3A_351 = tpu.vector_load %arg6[%get3A_350] {strides = array<i32>} : memref<8192xi32, #tpu.memory_space<vmem>>, vector<16xi32>,
      %get3A_352 = vector.shape_cast %get3A_351 : vector<16xi32> to vector<16xi32>
      %shift_left3A_353 = arith.constant 7 : i32
      %shift_left3A_354 = vector.broadcast %shift_left3A_353 : i32 to vector<16xi32>
      %shift_left3A_355 = arith.shli %get3A_352, %shift_left3A_354 : vector<16xi32>
      %add3A_356 = arith.addi %shift_left3A_355, %add3A_14 : vector<16xi32>
      %swap3A_357 = arith.index_cast %add3A_349 : i32 to index
      %swap3A_358 = tpu.vector_load %arg6[%swap3A_357] {strides = array<i32>} : memref<8192xi32, #tpu.memory_space<vmem>>, vector<16xi32>,
      %swap3A_359 = vector.shape_cast %swap3A_358 : vector<16xi32> to vector<16xi32>
      %swap3A_360 = vector.shape_cast %add3A_356 : vector<16xi32> to vector<16xi32>
      tpu.vector_store %arg6[%swap3A_357], %swap3A_360 {strides = array<i32>} : memref<8192xi32, #tpu.memory_space<vmem>>, vector<16xi32>,
      %add3A_361 = arith.constant 64 : i32
      %add3A_362 = arith.addi %multiple_of3A_308, %add3A_361 : i32
      %get3A_363 = arith.index_cast %add3A_362 : i32 to index
      %get3A_364 = tpu.vector_load %arg6[%get3A_363] {strides = array<i32>} : memref<8192xi32, #tpu.memory_space<vmem>>, vector<16xi32>,
      %get3A_365 = vector.shape_cast %get3A_364 : vector<16xi32> to vector<16xi32>
      %shift_left3A_366 = arith.constant 7 : i32
      %shift_left3A_367 = vector.broadcast %shift_left3A_366 : i32 to vector<16xi32>
      %shift_left3A_368 = arith.shli %get3A_365, %shift_left3A_367 : vector<16xi32>
      %add3A_369 = arith.addi %shift_left3A_368, %add3A_17 : vector<16xi32>
      %swap3A_370 = arith.index_cast %add3A_362 : i32 to index
      %swap3A_371 = tpu.vector_load %arg6[%swap3A_370] {strides = array<i32>} : memref<8192xi32, #tpu.memory_space<vmem>>, vector<16xi32>,
      %swap3A_372 = vector.shape_cast %swap3A_371 : vector<16xi32> to vector<16xi32>
      %swap3A_373 = vector.shape_cast %add3A_369 : vector<16xi32> to vector<16xi32>
      tpu.vector_store %arg6[%swap3A_370], %swap3A_373 {strides = array<i32>} : memref<8192xi32, #tpu.memory_space<vmem>>, vector<16xi32>,
      %add3A_374 = arith.constant 80 : i32
      %add3A_375 = arith.addi %multiple_of3A_308, %add3A_374 : i32
      %get3A_376 = arith.index_cast %add3A_375 : i32 to index
      %get3A_377 = tpu.vector_load %arg6[%get3A_376] {strides = array<i32>} : memref<8192xi32, #tpu.memory_space<vmem>>, vector<16xi32>,
      %get3A_378 = vector.shape_cast %get3A_377 : vector<16xi32> to vector<16xi32>
      %shift_left3A_379 = arith.constant 7 : i32
      %shift_left3A_380 = vector.broadcast %shift_left3A_379 : i32 to vector<16xi32>
      %shift_left3A_381 = arith.shli %get3A_378, %shift_left3A_380 : vector<16xi32>
      %add3A_382 = arith.addi %shift_left3A_381, %add3A_20 : vector<16xi32>
      %swap3A_383 = arith.index_cast %add3A_375 : i32 to index
      %swap3A_384 = tpu.vector_load %arg6[%swap3A_383] {strides = array<i32>} : memref<8192xi32, #tpu.memory_space<vmem>>, vector<16xi32>,
      %swap3A_385 = vector.shape_cast %swap3A_384 : vector<16xi32> to vector<16xi32>
      %swap3A_386 = vector.shape_cast %add3A_382 : vector<16xi32> to vector<16xi32>
      tpu.vector_store %arg6[%swap3A_383], %swap3A_386 {strides = array<i32>} : memref<8192xi32, #tpu.memory_space<vmem>>, vector<16xi32>,
      %add3A_387 = arith.constant 96 : i32
      %add3A_388 = arith.addi %multiple_of3A_308, %add3A_387 : i32
      %get3A_389 = arith.index_cast %add3A_388 : i32 to index
      %get3A_390 = tpu.vector_load %arg6[%get3A_389] {strides = array<i32>} : memref<8192xi32, #tpu.memory_space<vmem>>, vector<16xi32>,
      %get3A_391 = vector.shape_cast %get3A_390 : vector<16xi32> to vector<16xi32>
      %shift_left3A_392 = arith.constant 7 : i32
      %shift_left3A_393 = vector.broadcast %shift_left3A_392 : i32 to vector<16xi32>
      %shift_left3A_394 = arith.shli %get3A_391, %shift_left3A_393 : vector<16xi32>
      %add3A_395 = arith.addi %shift_left3A_394, %add3A_23 : vector<16xi32>
      %swap3A_396 = arith.index_cast %add3A_388 : i32 to index
      %swap3A_397 = tpu.vector_load %arg6[%swap3A_396] {strides = array<i32>} : memref<8192xi32, #tpu.memory_space<vmem>>, vector<16xi32>,
      %swap3A_398 = vector.shape_cast %swap3A_397 : vector<16xi32> to vector<16xi32>
      %swap3A_399 = vector.shape_cast %add3A_395 : vector<16xi32> to vector<16xi32>
      tpu.vector_store %arg6[%swap3A_396], %swap3A_399 {strides = array<i32>} : memref<8192xi32, #tpu.memory_space<vmem>>, vector<16xi32>,
      %add3A_400 = arith.constant 112 : i32
      %add3A_401 = arith.addi %multiple_of3A_308, %add3A_400 : i32
      %get3A_402 = arith.index_cast %add3A_401 : i32 to index
      %get3A_403 = tpu.vector_load %arg6[%get3A_402] {strides = array<i32>} : memref<8192xi32, #tpu.memory_space<vmem>>, vector<16xi32>,
      %get3A_404 = vector.shape_cast %get3A_403 : vector<16xi32> to vector<16xi32>
      %shift_left3A_405 = arith.constant 7 : i32
      %shift_left3A_406 = vector.broadcast %shift_left3A_405 : i32 to vector<16xi32>
      %shift_left3A_407 = arith.shli %get3A_404, %shift_left3A_406 : vector<16xi32>
      %add3A_408 = arith.addi %shift_left3A_407, %add3A_26 : vector<16xi32>
      %swap3A_409 = arith.index_cast %add3A_401 : i32 to index
      %swap3A_410 = tpu.vector_load %arg6[%swap3A_409] {strides = array<i32>} : memref<8192xi32, #tpu.memory_space<vmem>>, vector<16xi32>,
      %swap3A_411 = vector.shape_cast %swap3A_410 : vector<16xi32> to vector<16xi32>
      %swap3A_412 = vector.shape_cast %add3A_408 : vector<16xi32> to vector<16xi32>
      tpu.vector_store %arg6[%swap3A_409], %swap3A_412 {strides = array<i32>} : memref<8192xi32, #tpu.memory_space<vmem>>, vector<16xi32>,
    }
    %scan3A_53 = arith.constant 64 : i32
    %dma_start3A_54 = arith.constant 0 : i32
    %dma_start3A_55 = tpu.memref_slice %arg3[%dma_start3A_54] : memref<12800000xf32, #tpu.memory_space<hbm>> -> memref<12800000xf32, #tpu.memory_space<hbm>>
    tpu.enqueue_indirect_dma source(%dma_start3A_55 : memref<12800000xf32, #tpu.memory_space<hbm>>) target(%arg14 : memref<8192xf32, #tpu.memory_space<vmem>>) offsets(%arg6 : memref<8192xi32, #tpu.memory_space<vmem>>) semaphore(%arg26 : memref<!tpu.dma_semaphore, #tpu.memory_space<semaphore_mem>>)
    %add3A_56 = arith.constant 24576 : i32
    %add3A_57 = arith.addi %mul3A_2, %add3A_56 : i32
    %dma_start3A_58 = tpu.memref_slice %arg2[%add3A_57] : memref<2097152xi32, #tpu.memory_space<hbm>> -> memref<8192xi32, #tpu.memory_space<hbm>>
    %dma_start3A_59 = tpu.memref_slice %arg2[%add3A_57] : memref<2097152xi32, #tpu.memory_space<hbm>> -> memref<8192xi32, #tpu.memory_space<hbm>>
    tpu.enqueue_dma source(%dma_start3A_59 : memref<8192xi32, #tpu.memory_space<hbm>>) target(%arg8 : memref<8192xi32, #tpu.memory_space<vmem>>) target_semaphore(%arg20 : memref<!tpu.dma_semaphore, #tpu.memory_space<semaphore_mem>>)
    %dma_wait3A_60 = arith.constant 0 : i32
    %dma_wait3A_61 = tpu.memref_slice %arg3[%dma_wait3A_60] : memref<12800000xf32, #tpu.memory_space<hbm>> -> memref<12800000xf32, #tpu.memory_space<hbm>>
    tpu.wait_indirect_dma semaphore(%arg25 : memref<!tpu.dma_semaphore, #tpu.memory_space<semaphore_mem>>) src(%dma_wait3A_61 : memref<12800000xf32, #tpu.memory_space<hbm>>) dst(%arg13 : memref<8192xf32, #tpu.memory_space<vmem>>)
    %add3A_62 = arith.constant 0 : i32
    %add3A_63 = arith.addi %mul3A_2, %add3A_62 : i32
    %dma_start3A_64 = tpu.memref_slice %arg4[%add3A_63] : memref<2097152xf32, #tpu.memory_space<hbm>> -> memref<8192xf32, #tpu.memory_space<hbm>>
    %dma_start3A_65 = tpu.memref_slice %arg4[%add3A_63] : memref<2097152xf32, #tpu.memory_space<hbm>> -> memref<8192xf32, #tpu.memory_space<hbm>>
    tpu.enqueue_dma source(%arg13 : memref<8192xf32, #tpu.memory_space<vmem>>) target(%dma_start3A_65 : memref<8192xf32, #tpu.memory_space<hbm>>) target_semaphore(%arg33 : memref<!tpu.dma_semaphore, #tpu.memory_space<semaphore_mem>>)
    %dma_wait3A_66 = tpu.memref_slice %arg2[%add3A_43] : memref<2097152xi32, #tpu.memory_space<hbm>> -> memref<8192xi32, #tpu.memory_space<hbm>>
    %dma_wait3A_67 = tpu.memref_slice %arg2[%add3A_43] : memref<2097152xi32, #tpu.memory_space<hbm>> -> memref<8192xi32, #tpu.memory_space<hbm>>
    tpu.wait_dma2 semaphore(%arg19 : memref<!tpu.dma_semaphore, #tpu.memory_space<semaphore_mem>>) src(%dma_wait3A_67 : memref<8192xi32, #tpu.memory_space<hbm>>) dst(%arg7 : memref<8192xi32, #tpu.memory_space<vmem>>)
    %scan3A_68 = arith.constant 0 : i32
    %scan3A_69 = arith.constant 0 : i32
    %scan3A_70 = arith.constant 64 : i32
    %scan3A_71 = arith.addi %scan3A_69, %scan3A_70 : i32
    %scan3A_72 = arith.constant 2 : i32
    scf.for %scan3A_200 = %scan3A_69 to %scan3A_71 step %scan3A_72  : i32 {
      %mul3A_201 = arith.constant 128 : i32
      %mul3A_202 = arith.muli %scan3A_200, %mul3A_201 : i32
      %multiple_of3A = tpu.assume_multiple %mul3A_202, 128 : i32
      %add3A_203 = arith.constant 0 : i32
      %add3A_204 = arith.addi %multiple_of3A, %add3A_203 : i32
      %get3A = arith.index_cast %add3A_204 : i32 to index
      %get3A_205 = tpu.vector_load %arg7[%get3A] {strides = array<i32>} : memref<8192xi32, #tpu.memory_space<vmem>>, vector<16xi32>,
      %get3A_206 = vector.shape_cast %get3A_205 : vector<16xi32> to vector<16xi32>
      %shift_left3A = arith.constant 7 : i32
      %shift_left3A_207 = vector.broadcast %shift_left3A : i32 to vector<16xi32>
      %shift_left3A_208 = arith.shli %get3A_206, %shift_left3A_207 : vector<16xi32>
      %add3A_209 = arith.addi %shift_left3A_208, %add3A_5 : vector<16xi32>
      %swap3A = arith.index_cast %add3A_204 : i32 to index
      %swap3A_210 = tpu.vector_load %arg7[%swap3A] {strides = array<i32>} : memref<8192xi32, #tpu.memory_space<vmem>>, vector<16xi32>,
      %swap3A_211 = vector.shape_cast %swap3A_210 : vector<16xi32> to vector<16xi32>
      %swap3A_212 = vector.shape_cast %add3A_209 : vector<16xi32> to vector<16xi32>
      tpu.vector_store %arg7[%swap3A], %swap3A_212 {strides = array<i32>} : memref<8192xi32, #tpu.memory_space<vmem>>, vector<16xi32>,
      %add3A_213 = arith.constant 16 : i32
      %add3A_214 = arith.addi %multiple_of3A, %add3A_213 : i32
      %get3A_215 = arith.index_cast %add3A_214 : i32 to index
      %get3A_216 = tpu.vector_load %arg7[%get3A_215] {strides = array<i32>} : memref<8192xi32, #tpu.memory_space<vmem>>, vector<16xi32>,
      %get3A_217 = vector.shape_cast %get3A_216 : vector<16xi32> to vector<16xi32>
      %shift_left3A_218 = arith.constant 7 : i32
      %shift_left3A_219 = vector.broadcast %shift_left3A_218 : i32 to vector<16xi32>
      %shift_left3A_220 = arith.shli %get3A_217, %shift_left3A_219 : vector<16xi32>
      %add3A_221 = arith.addi %shift_left3A_220, %add3A_8 : vector<16xi32>
      %swap3A_222 = arith.index_cast %add3A_214 : i32 to index
      %swap3A_223 = tpu.vector_load %arg7[%swap3A_222] {strides = array<i32>} : memref<8192xi32, #tpu.memory_space<vmem>>, vector<16xi32>,
      %swap3A_224 = vector.shape_cast %swap3A_223 : vector<16xi32> to vector<16xi32>
      %swap3A_225 = vector.shape_cast %add3A_221 : vector<16xi32> to vector<16xi32>
      tpu.vector_store %arg7[%swap3A_222], %swap3A_225 {strides = array<i32>} : memref<8192xi32, #tpu.memory_space<vmem>>, vector<16xi32>,
      %add3A_226 = arith.constant 32 : i32
      %add3A_227 = arith.addi %multiple_of3A, %add3A_226 : i32
      %get3A_228 = arith.index_cast %add3A_227 : i32 to index
      %get3A_229 = tpu.vector_load %arg7[%get3A_228] {strides = array<i32>} : memref<8192xi32, #tpu.memory_space<vmem>>, vector<16xi32>,
      %get3A_230 = vector.shape_cast %get3A_229 : vector<16xi32> to vector<16xi32>
      %shift_left3A_231 = arith.constant 7 : i32
      %shift_left3A_232 = vector.broadcast %shift_left3A_231 : i32 to vector<16xi32>
      %shift_left3A_233 = arith.shli %get3A_230, %shift_left3A_232 : vector<16xi32>
      %add3A_234 = arith.addi %shift_left3A_233, %add3A_11 : vector<16xi32>
      %swap3A_235 = arith.index_cast %add3A_227 : i32 to index
      %swap3A_236 = tpu.vector_load %arg7[%swap3A_235] {strides = array<i32>} : memref<8192xi32, #tpu.memory_space<vmem>>, vector<16xi32>,
      %swap3A_237 = vector.shape_cast %swap3A_236 : vector<16xi32> to vector<16xi32>
      %swap3A_238 = vector.shape_cast %add3A_234 : vector<16xi32> to vector<16xi32>
      tpu.vector_store %arg7[%swap3A_235], %swap3A_238 {strides = array<i32>} : memref<8192xi32, #tpu.memory_space<vmem>>, vector<16xi32>,
      %add3A_239 = arith.constant 48 : i32
      %add3A_240 = arith.addi %multiple_of3A, %add3A_239 : i32
      %get3A_241 = arith.index_cast %add3A_240 : i32 to index
      %get3A_242 = tpu.vector_load %arg7[%get3A_241] {strides = array<i32>} : memref<8192xi32, #tpu.memory_space<vmem>>, vector<16xi32>,
      %get3A_243 = vector.shape_cast %get3A_242 : vector<16xi32> to vector<16xi32>
      %shift_left3A_244 = arith.constant 7 : i32
      %shift_left3A_245 = vector.broadcast %shift_left3A_244 : i32 to vector<16xi32>
      %shift_left3A_246 = arith.shli %get3A_243, %shift_left3A_245 : vector<16xi32>
      %add3A_247 = arith.addi %shift_left3A_246, %add3A_14 : vector<16xi32>
      %swap3A_248 = arith.index_cast %add3A_240 : i32 to index
      %swap3A_249 = tpu.vector_load %arg7[%swap3A_248] {strides = array<i32>} : memref<8192xi32, #tpu.memory_space<vmem>>, vector<16xi32>,
      %swap3A_250 = vector.shape_cast %swap3A_249 : vector<16xi32> to vector<16xi32>
      %swap3A_251 = vector.shape_cast %add3A_247 : vector<16xi32> to vector<16xi32>
      tpu.vector_store %arg7[%swap3A_248], %swap3A_251 {strides = array<i32>} : memref<8192xi32, #tpu.memory_space<vmem>>, vector<16xi32>,
      %add3A_252 = arith.constant 64 : i32
      %add3A_253 = arith.addi %multiple_of3A, %add3A_252 : i32
      %get3A_254 = arith.index_cast %add3A_253 : i32 to index
      %get3A_255 = tpu.vector_load %arg7[%get3A_254] {strides = array<i32>} : memref<8192xi32, #tpu.memory_space<vmem>>, vector<16xi32>,
      %get3A_256 = vector.shape_cast %get3A_255 : vector<16xi32> to vector<16xi32>
      %shift_left3A_257 = arith.constant 7 : i32
      %shift_left3A_258 = vector.broadcast %shift_left3A_257 : i32 to vector<16xi32>
      %shift_left3A_259 = arith.shli %get3A_256, %shift_left3A_258 : vector<16xi32>
      %add3A_260 = arith.addi %shift_left3A_259, %add3A_17 : vector<16xi32>
      %swap3A_261 = arith.index_cast %add3A_253 : i32 to index
      %swap3A_262 = tpu.vector_load %arg7[%swap3A_261] {strides = array<i32>} : memref<8192xi32, #tpu.memory_space<vmem>>, vector<16xi32>,
      %swap3A_263 = vector.shape_cast %swap3A_262 : vector<16xi32> to vector<16xi32>
      %swap3A_264 = vector.shape_cast %add3A_260 : vector<16xi32> to vector<16xi32>
      tpu.vector_store %arg7[%swap3A_261], %swap3A_264 {strides = array<i32>} : memref<8192xi32, #tpu.memory_space<vmem>>, vector<16xi32>,
      %add3A_265 = arith.constant 80 : i32
      %add3A_266 = arith.addi %multiple_of3A, %add3A_265 : i32
      %get3A_267 = arith.index_cast %add3A_266 : i32 to index
      %get3A_268 = tpu.vector_load %arg7[%get3A_267] {strides = array<i32>} : memref<8192xi32, #tpu.memory_space<vmem>>, vector<16xi32>,
      %get3A_269 = vector.shape_cast %get3A_268 : vector<16xi32> to vector<16xi32>
      %shift_left3A_270 = arith.constant 7 : i32
      %shift_left3A_271 = vector.broadcast %shift_left3A_270 : i32 to vector<16xi32>
      %shift_left3A_272 = arith.shli %get3A_269, %shift_left3A_271 : vector<16xi32>
      %add3A_273 = arith.addi %shift_left3A_272, %add3A_20 : vector<16xi32>
      %swap3A_274 = arith.index_cast %add3A_266 : i32 to index
      %swap3A_275 = tpu.vector_load %arg7[%swap3A_274] {strides = array<i32>} : memref<8192xi32, #tpu.memory_space<vmem>>, vector<16xi32>,
      %swap3A_276 = vector.shape_cast %swap3A_275 : vector<16xi32> to vector<16xi32>
      %swap3A_277 = vector.shape_cast %add3A_273 : vector<16xi32> to vector<16xi32>
      tpu.vector_store %arg7[%swap3A_274], %swap3A_277 {strides = array<i32>} : memref<8192xi32, #tpu.memory_space<vmem>>, vector<16xi32>,
      %add3A_278 = arith.constant 96 : i32
      %add3A_279 = arith.addi %multiple_of3A, %add3A_278 : i32
      %get3A_280 = arith.index_cast %add3A_279 : i32 to index
      %get3A_281 = tpu.vector_load %arg7[%get3A_280] {strides = array<i32>} : memref<8192xi32, #tpu.memory_space<vmem>>, vector<16xi32>,
      %get3A_282 = vector.shape_cast %get3A_281 : vector<16xi32> to vector<16xi32>
      %shift_left3A_283 = arith.constant 7 : i32
      %shift_left3A_284 = vector.broadcast %shift_left3A_283 : i32 to vector<16xi32>
      %shift_left3A_285 = arith.shli %get3A_282, %shift_left3A_284 : vector<16xi32>
      %add3A_286 = arith.addi %shift_left3A_285, %add3A_23 : vector<16xi32>
      %swap3A_287 = arith.index_cast %add3A_279 : i32 to index
      %swap3A_288 = tpu.vector_load %arg7[%swap3A_287] {strides = array<i32>} : memref<8192xi32, #tpu.memory_space<vmem>>, vector<16xi32>,
      %swap3A_289 = vector.shape_cast %swap3A_288 : vector<16xi32> to vector<16xi32>
      %swap3A_290 = vector.shape_cast %add3A_286 : vector<16xi32> to vector<16xi32>
      tpu.vector_store %arg7[%swap3A_287], %swap3A_290 {strides = array<i32>} : memref<8192xi32, #tpu.memory_space<vmem>>, vector<16xi32>,
      %add3A_291 = arith.constant 112 : i32
      %add3A_292 = arith.addi %multiple_of3A, %add3A_291 : i32
      %get3A_293 = arith.index_cast %add3A_292 : i32 to index
      %get3A_294 = tpu.vector_load %arg7[%get3A_293] {strides = array<i32>} : memref<8192xi32, #tpu.memory_space<vmem>>, vector<16xi32>,
      %get3A_295 = vector.shape_cast %get3A_294 : vector<16xi32> to vector<16xi32>
      %shift_left3A_296 = arith.constant 7 : i32
      %shift_left3A_297 = vector.broadcast %shift_left3A_296 : i32 to vector<16xi32>
      %shift_left3A_298 = arith.shli %get3A_295, %shift_left3A_297 : vector<16xi32>
      %add3A_299 = arith.addi %shift_left3A_298, %add3A_26 : vector<16xi32>
      %swap3A_300 = arith.index_cast %add3A_292 : i32 to index
      %swap3A_301 = tpu.vector_load %arg7[%swap3A_300] {strides = array<i32>} : memref<8192xi32, #tpu.memory_space<vmem>>, vector<16xi32>,
      %swap3A_302 = vector.shape_cast %swap3A_301 : vector<16xi32> to vector<16xi32>
      %swap3A_303 = vector.shape_cast %add3A_299 : vector<16xi32> to vector<16xi32>
      tpu.vector_store %arg7[%swap3A_300], %swap3A_303 {strides = array<i32>} : memref<8192xi32, #tpu.memory_space<vmem>>, vector<16xi32>,
      %scan3A_304 = arith.constant 1 : i32
      %scan3A_305 = arith.addi %scan3A_200, %scan3A_304 : i32
      %mul3A_306 = arith.constant 128 : i32
      %mul3A_307 = arith.muli %scan3A_305, %mul3A_306 : i32
      %multiple_of3A_308 = tpu.assume_multiple %mul3A_307, 128 : i32
      %add3A_309 = arith.constant 0 : i32
      %add3A_310 = arith.addi %multiple_of3A_308, %add3A_309 : i32
      %get3A_311 = arith.index_cast %add3A_310 : i32 to index
      %get3A_312 = tpu.vector_load %arg7[%get3A_311] {strides = array<i32>} : memref<8192xi32, #tpu.memory_space<vmem>>, vector<16xi32>,
      %get3A_313 = vector.shape_cast %get3A_312 : vector<16xi32> to vector<16xi32>
      %shift_left3A_314 = arith.constant 7 : i32
      %shift_left3A_315 = vector.broadcast %shift_left3A_314 : i32 to vector<16xi32>
      %shift_left3A_316 = arith.shli %get3A_313, %shift_left3A_315 : vector<16xi32>
      %add3A_317 = arith.addi %shift_left3A_316, %add3A_5 : vector<16xi32>
      %swap3A_318 = arith.index_cast %add3A_310 : i32 to index
      %swap3A_319 = tpu.vector_load %arg7[%swap3A_318] {strides = array<i32>} : memref<8192xi32, #tpu.memory_space<vmem>>, vector<16xi32>,
      %swap3A_320 = vector.shape_cast %swap3A_319 : vector<16xi32> to vector<16xi32>
      %swap3A_321 = vector.shape_cast %add3A_317 : vector<16xi32> to vector<16xi32>
      tpu.vector_store %arg7[%swap3A_318], %swap3A_321 {strides = array<i32>} : memref<8192xi32, #tpu.memory_space<vmem>>, vector<16xi32>,
      %add3A_322 = arith.constant 16 : i32
      %add3A_323 = arith.addi %multiple_of3A_308, %add3A_322 : i32
      %get3A_324 = arith.index_cast %add3A_323 : i32 to index
      %get3A_325 = tpu.vector_load %arg7[%get3A_324] {strides = array<i32>} : memref<8192xi32, #tpu.memory_space<vmem>>, vector<16xi32>,
      %get3A_326 = vector.shape_cast %get3A_325 : vector<16xi32> to vector<16xi32>
      %shift_left3A_327 = arith.constant 7 : i32
      %shift_left3A_328 = vector.broadcast %shift_left3A_327 : i32 to vector<16xi32>
      %shift_left3A_329 = arith.shli %get3A_326, %shift_left3A_328 : vector<16xi32>
      %add3A_330 = arith.addi %shift_left3A_329, %add3A_8 : vector<16xi32>
      %swap3A_331 = arith.index_cast %add3A_323 : i32 to index
      %swap3A_332 = tpu.vector_load %arg7[%swap3A_331] {strides = array<i32>} : memref<8192xi32, #tpu.memory_space<vmem>>, vector<16xi32>,
      %swap3A_333 = vector.shape_cast %swap3A_332 : vector<16xi32> to vector<16xi32>
      %swap3A_334 = vector.shape_cast %add3A_330 : vector<16xi32> to vector<16xi32>
      tpu.vector_store %arg7[%swap3A_331], %swap3A_334 {strides = array<i32>} : memref<8192xi32, #tpu.memory_space<vmem>>, vector<16xi32>,
      %add3A_335 = arith.constant 32 : i32
      %add3A_336 = arith.addi %multiple_of3A_308, %add3A_335 : i32
      %get3A_337 = arith.index_cast %add3A_336 : i32 to index
      %get3A_338 = tpu.vector_load %arg7[%get3A_337] {strides = array<i32>} : memref<8192xi32, #tpu.memory_space<vmem>>, vector<16xi32>,
      %get3A_339 = vector.shape_cast %get3A_338 : vector<16xi32> to vector<16xi32>
      %shift_left3A_340 = arith.constant 7 : i32
      %shift_left3A_341 = vector.broadcast %shift_left3A_340 : i32 to vector<16xi32>
      %shift_left3A_342 = arith.shli %get3A_339, %shift_left3A_341 : vector<16xi32>
      %add3A_343 = arith.addi %shift_left3A_342, %add3A_11 : vector<16xi32>
      %swap3A_344 = arith.index_cast %add3A_336 : i32 to index
      %swap3A_345 = tpu.vector_load %arg7[%swap3A_344] {strides = array<i32>} : memref<8192xi32, #tpu.memory_space<vmem>>, vector<16xi32>,
      %swap3A_346 = vector.shape_cast %swap3A_345 : vector<16xi32> to vector<16xi32>
      %swap3A_347 = vector.shape_cast %add3A_343 : vector<16xi32> to vector<16xi32>
      tpu.vector_store %arg7[%swap3A_344], %swap3A_347 {strides = array<i32>} : memref<8192xi32, #tpu.memory_space<vmem>>, vector<16xi32>,
      %add3A_348 = arith.constant 48 : i32
      %add3A_349 = arith.addi %multiple_of3A_308, %add3A_348 : i32
      %get3A_350 = arith.index_cast %add3A_349 : i32 to index
      %get3A_351 = tpu.vector_load %arg7[%get3A_350] {strides = array<i32>} : memref<8192xi32, #tpu.memory_space<vmem>>, vector<16xi32>,
      %get3A_352 = vector.shape_cast %get3A_351 : vector<16xi32> to vector<16xi32>
      %shift_left3A_353 = arith.constant 7 : i32
      %shift_left3A_354 = vector.broadcast %shift_left3A_353 : i32 to vector<16xi32>
      %shift_left3A_355 = arith.shli %get3A_352, %shift_left3A_354 : vector<16xi32>
      %add3A_356 = arith.addi %shift_left3A_355, %add3A_14 : vector<16xi32>
      %swap3A_357 = arith.index_cast %add3A_349 : i32 to index
      %swap3A_358 = tpu.vector_load %arg7[%swap3A_357] {strides = array<i32>} : memref<8192xi32, #tpu.memory_space<vmem>>, vector<16xi32>,
      %swap3A_359 = vector.shape_cast %swap3A_358 : vector<16xi32> to vector<16xi32>
      %swap3A_360 = vector.shape_cast %add3A_356 : vector<16xi32> to vector<16xi32>
      tpu.vector_store %arg7[%swap3A_357], %swap3A_360 {strides = array<i32>} : memref<8192xi32, #tpu.memory_space<vmem>>, vector<16xi32>,
      %add3A_361 = arith.constant 64 : i32
      %add3A_362 = arith.addi %multiple_of3A_308, %add3A_361 : i32
      %get3A_363 = arith.index_cast %add3A_362 : i32 to index
      %get3A_364 = tpu.vector_load %arg7[%get3A_363] {strides = array<i32>} : memref<8192xi32, #tpu.memory_space<vmem>>, vector<16xi32>,
      %get3A_365 = vector.shape_cast %get3A_364 : vector<16xi32> to vector<16xi32>
      %shift_left3A_366 = arith.constant 7 : i32
      %shift_left3A_367 = vector.broadcast %shift_left3A_366 : i32 to vector<16xi32>
      %shift_left3A_368 = arith.shli %get3A_365, %shift_left3A_367 : vector<16xi32>
      %add3A_369 = arith.addi %shift_left3A_368, %add3A_17 : vector<16xi32>
      %swap3A_370 = arith.index_cast %add3A_362 : i32 to index
      %swap3A_371 = tpu.vector_load %arg7[%swap3A_370] {strides = array<i32>} : memref<8192xi32, #tpu.memory_space<vmem>>, vector<16xi32>,
      %swap3A_372 = vector.shape_cast %swap3A_371 : vector<16xi32> to vector<16xi32>
      %swap3A_373 = vector.shape_cast %add3A_369 : vector<16xi32> to vector<16xi32>
      tpu.vector_store %arg7[%swap3A_370], %swap3A_373 {strides = array<i32>} : memref<8192xi32, #tpu.memory_space<vmem>>, vector<16xi32>,
      %add3A_374 = arith.constant 80 : i32
      %add3A_375 = arith.addi %multiple_of3A_308, %add3A_374 : i32
      %get3A_376 = arith.index_cast %add3A_375 : i32 to index
      %get3A_377 = tpu.vector_load %arg7[%get3A_376] {strides = array<i32>} : memref<8192xi32, #tpu.memory_space<vmem>>, vector<16xi32>,
      %get3A_378 = vector.shape_cast %get3A_377 : vector<16xi32> to vector<16xi32>
      %shift_left3A_379 = arith.constant 7 : i32
      %shift_left3A_380 = vector.broadcast %shift_left3A_379 : i32 to vector<16xi32>
      %shift_left3A_381 = arith.shli %get3A_378, %shift_left3A_380 : vector<16xi32>
      %add3A_382 = arith.addi %shift_left3A_381, %add3A_20 : vector<16xi32>
      %swap3A_383 = arith.index_cast %add3A_375 : i32 to index
      %swap3A_384 = tpu.vector_load %arg7[%swap3A_383] {strides = array<i32>} : memref<8192xi32, #tpu.memory_space<vmem>>, vector<16xi32>,
      %swap3A_385 = vector.shape_cast %swap3A_384 : vector<16xi32> to vector<16xi32>
      %swap3A_386 = vector.shape_cast %add3A_382 : vector<16xi32> to vector<16xi32>
      tpu.vector_store %arg7[%swap3A_383], %swap3A_386 {strides = array<i32>} : memref<8192xi32, #tpu.memory_space<vmem>>, vector<16xi32>,
      %add3A_387 = arith.constant 96 : i32
      %add3A_388 = arith.addi %multiple_of3A_308, %add3A_387 : i32
      %get3A_389 = arith.index_cast %add3A_388 : i32 to index
      %get3A_390 = tpu.vector_load %arg7[%get3A_389] {strides = array<i32>} : memref<8192xi32, #tpu.memory_space<vmem>>, vector<16xi32>,
      %get3A_391 = vector.shape_cast %get3A_390 : vector<16xi32> to vector<16xi32>
      %shift_left3A_392 = arith.constant 7 : i32
      %shift_left3A_393 = vector.broadcast %shift_left3A_392 : i32 to vector<16xi32>
      %shift_left3A_394 = arith.shli %get3A_391, %shift_left3A_393 : vector<16xi32>
      %add3A_395 = arith.addi %shift_left3A_394, %add3A_23 : vector<16xi32>
      %swap3A_396 = arith.index_cast %add3A_388 : i32 to index
      %swap3A_397 = tpu.vector_load %arg7[%swap3A_396] {strides = array<i32>} : memref<8192xi32, #tpu.memory_space<vmem>>, vector<16xi32>,
      %swap3A_398 = vector.shape_cast %swap3A_397 : vector<16xi32> to vector<16xi32>
      %swap3A_399 = vector.shape_cast %add3A_395 : vector<16xi32> to vector<16xi32>
      tpu.vector_store %arg7[%swap3A_396], %swap3A_399 {strides = array<i32>} : memref<8192xi32, #tpu.memory_space<vmem>>, vector<16xi32>,
      %add3A_400 = arith.constant 112 : i32
      %add3A_401 = arith.addi %multiple_of3A_308, %add3A_400 : i32
      %get3A_402 = arith.index_cast %add3A_401 : i32 to index
      %get3A_403 = tpu.vector_load %arg7[%get3A_402] {strides = array<i32>} : memref<8192xi32, #tpu.memory_space<vmem>>, vector<16xi32>,
      %get3A_404 = vector.shape_cast %get3A_403 : vector<16xi32> to vector<16xi32>
      %shift_left3A_405 = arith.constant 7 : i32
      %shift_left3A_406 = vector.broadcast %shift_left3A_405 : i32 to vector<16xi32>
      %shift_left3A_407 = arith.shli %get3A_404, %shift_left3A_406 : vector<16xi32>
      %add3A_408 = arith.addi %shift_left3A_407, %add3A_26 : vector<16xi32>
      %swap3A_409 = arith.index_cast %add3A_401 : i32 to index
      %swap3A_410 = tpu.vector_load %arg7[%swap3A_409] {strides = array<i32>} : memref<8192xi32, #tpu.memory_space<vmem>>, vector<16xi32>,
      %swap3A_411 = vector.shape_cast %swap3A_410 : vector<16xi32> to vector<16xi32>
      %swap3A_412 = vector.shape_cast %add3A_408 : vector<16xi32> to vector<16xi32>
      tpu.vector_store %arg7[%swap3A_409], %swap3A_412 {strides = array<i32>} : memref<8192xi32, #tpu.memory_space<vmem>>, vector<16xi32>,
    }
    %scan3A_73 = arith.constant 64 : i32
    %dma_start3A_74 = arith.constant 0 : i32
    %dma_start3A_75 = tpu.memref_slice %arg3[%dma_start3A_74] : memref<12800000xf32, #tpu.memory_space<hbm>> -> memref<12800000xf32, #tpu.memory_space<hbm>>
    tpu.enqueue_indirect_dma source(%dma_start3A_75 : memref<12800000xf32, #tpu.memory_space<hbm>>) target(%arg15 : memref<8192xf32, #tpu.memory_space<vmem>>) offsets(%arg7 : memref<8192xi32, #tpu.memory_space<vmem>>) semaphore(%arg27 : memref<!tpu.dma_semaphore, #tpu.memory_space<semaphore_mem>>)
    %add3A_76 = arith.constant 32768 : i32
    %add3A_77 = arith.addi %mul3A_2, %add3A_76 : i32
    %dma_start3A_78 = tpu.memref_slice %arg2[%add3A_77] : memref<2097152xi32, #tpu.memory_space<hbm>> -> memref<8192xi32, #tpu.memory_space<hbm>>
    %dma_start3A_79 = tpu.memref_slice %arg2[%add3A_77] : memref<2097152xi32, #tpu.memory_space<hbm>> -> memref<8192xi32, #tpu.memory_space<hbm>>
    tpu.enqueue_dma source(%dma_start3A_79 : memref<8192xi32, #tpu.memory_space<hbm>>) target(%arg9 : memref<8192xi32, #tpu.memory_space<vmem>>) target_semaphore(%arg21 : memref<!tpu.dma_semaphore, #tpu.memory_space<semaphore_mem>>)
    %dma_wait3A_80 = arith.constant 0 : i32
    %dma_wait3A_81 = tpu.memref_slice %arg3[%dma_wait3A_80] : memref<12800000xf32, #tpu.memory_space<hbm>> -> memref<12800000xf32, #tpu.memory_space<hbm>>
    tpu.wait_indirect_dma semaphore(%arg26 : memref<!tpu.dma_semaphore, #tpu.memory_space<semaphore_mem>>) src(%dma_wait3A_81 : memref<12800000xf32, #tpu.memory_space<hbm>>) dst(%arg14 : memref<8192xf32, #tpu.memory_space<vmem>>)
    %add3A_82 = arith.constant 8192 : i32
    %add3A_83 = arith.addi %mul3A_2, %add3A_82 : i32
    %dma_start3A_84 = tpu.memref_slice %arg4[%add3A_83] : memref<2097152xf32, #tpu.memory_space<hbm>> -> memref<8192xf32, #tpu.memory_space<hbm>>
    %dma_start3A_85 = tpu.memref_slice %arg4[%add3A_83] : memref<2097152xf32, #tpu.memory_space<hbm>> -> memref<8192xf32, #tpu.memory_space<hbm>>
    tpu.enqueue_dma source(%arg14 : memref<8192xf32, #tpu.memory_space<vmem>>) target(%dma_start3A_85 : memref<8192xf32, #tpu.memory_space<hbm>>) target_semaphore(%arg34 : memref<!tpu.dma_semaphore, #tpu.memory_space<semaphore_mem>>)
    %dma_wait3A_86 = tpu.memref_slice %arg2[%add3A_57] : memref<2097152xi32, #tpu.memory_space<hbm>> -> memref<8192xi32, #tpu.memory_space<hbm>>
    %dma_wait3A_87 = tpu.memref_slice %arg2[%add3A_57] : memref<2097152xi32, #tpu.memory_space<hbm>> -> memref<8192xi32, #tpu.memory_space<hbm>>
    tpu.wait_dma2 semaphore(%arg20 : memref<!tpu.dma_semaphore, #tpu.memory_space<semaphore_mem>>) src(%dma_wait3A_87 : memref<8192xi32, #tpu.memory_space<hbm>>) dst(%arg8 : memref<8192xi32, #tpu.memory_space<vmem>>)
    %scan3A_88 = arith.constant 0 : i32
    %scan3A_89 = arith.constant 0 : i32
    %scan3A_90 = arith.constant 64 : i32
    %scan3A_91 = arith.addi %scan3A_89, %scan3A_90 : i32
    %scan3A_92 = arith.constant 2 : i32
    scf.for %scan3A_200 = %scan3A_89 to %scan3A_91 step %scan3A_92  : i32 {
      %mul3A_201 = arith.constant 128 : i32
      %mul3A_202 = arith.muli %scan3A_200, %mul3A_201 : i32
      %multiple_of3A = tpu.assume_multiple %mul3A_202, 128 : i32
      %add3A_203 = arith.constant 0 : i32
      %add3A_204 = arith.addi %multiple_of3A, %add3A_203 : i32
      %get3A = arith.index_cast %add3A_204 : i32 to index
      %get3A_205 = tpu.vector_load %arg8[%get3A] {strides = array<i32>} : memref<8192xi32, #tpu.memory_space<vmem>>, vector<16xi32>,
      %get3A_206 = vector.shape_cast %get3A_205 : vector<16xi32> to vector<16xi32>
      %shift_left3A = arith.constant 7 : i32
      %shift_left3A_207 = vector.broadcast %shift_left3A : i32 to vector<16xi32>
      %shift_left3A_208 = arith.shli %get3A_206, %shift_left3A_207 : vector<16xi32>
      %add3A_209 = arith.addi %shift_left3A_208, %add3A_5 : vector<16xi32>
      %swap3A = arith.index_cast %add3A_204 : i32 to index
      %swap3A_210 = tpu.vector_load %arg8[%swap3A] {strides = array<i32>} : memref<8192xi32, #tpu.memory_space<vmem>>, vector<16xi32>,
      %swap3A_211 = vector.shape_cast %swap3A_210 : vector<16xi32> to vector<16xi32>
      %swap3A_212 = vector.shape_cast %add3A_209 : vector<16xi32> to vector<16xi32>
      tpu.vector_store %arg8[%swap3A], %swap3A_212 {strides = array<i32>} : memref<8192xi32, #tpu.memory_space<vmem>>, vector<16xi32>,
      %add3A_213 = arith.constant 16 : i32
      %add3A_214 = arith.addi %multiple_of3A, %add3A_213 : i32
      %get3A_215 = arith.index_cast %add3A_214 : i32 to index
      %get3A_216 = tpu.vector_load %arg8[%get3A_215] {strides = array<i32>} : memref<8192xi32, #tpu.memory_space<vmem>>, vector<16xi32>,
      %get3A_217 = vector.shape_cast %get3A_216 : vector<16xi32> to vector<16xi32>
      %shift_left3A_218 = arith.constant 7 : i32
      %shift_left3A_219 = vector.broadcast %shift_left3A_218 : i32 to vector<16xi32>
      %shift_left3A_220 = arith.shli %get3A_217, %shift_left3A_219 : vector<16xi32>
      %add3A_221 = arith.addi %shift_left3A_220, %add3A_8 : vector<16xi32>
      %swap3A_222 = arith.index_cast %add3A_214 : i32 to index
      %swap3A_223 = tpu.vector_load %arg8[%swap3A_222] {strides = array<i32>} : memref<8192xi32, #tpu.memory_space<vmem>>, vector<16xi32>,
      %swap3A_224 = vector.shape_cast %swap3A_223 : vector<16xi32> to vector<16xi32>
      %swap3A_225 = vector.shape_cast %add3A_221 : vector<16xi32> to vector<16xi32>
      tpu.vector_store %arg8[%swap3A_222], %swap3A_225 {strides = array<i32>} : memref<8192xi32, #tpu.memory_space<vmem>>, vector<16xi32>,
      %add3A_226 = arith.constant 32 : i32
      %add3A_227 = arith.addi %multiple_of3A, %add3A_226 : i32
      %get3A_228 = arith.index_cast %add3A_227 : i32 to index
      %get3A_229 = tpu.vector_load %arg8[%get3A_228] {strides = array<i32>} : memref<8192xi32, #tpu.memory_space<vmem>>, vector<16xi32>,
      %get3A_230 = vector.shape_cast %get3A_229 : vector<16xi32> to vector<16xi32>
      %shift_left3A_231 = arith.constant 7 : i32
      %shift_left3A_232 = vector.broadcast %shift_left3A_231 : i32 to vector<16xi32>
      %shift_left3A_233 = arith.shli %get3A_230, %shift_left3A_232 : vector<16xi32>
      %add3A_234 = arith.addi %shift_left3A_233, %add3A_11 : vector<16xi32>
      %swap3A_235 = arith.index_cast %add3A_227 : i32 to index
      %swap3A_236 = tpu.vector_load %arg8[%swap3A_235] {strides = array<i32>} : memref<8192xi32, #tpu.memory_space<vmem>>, vector<16xi32>,
      %swap3A_237 = vector.shape_cast %swap3A_236 : vector<16xi32> to vector<16xi32>
      %swap3A_238 = vector.shape_cast %add3A_234 : vector<16xi32> to vector<16xi32>
      tpu.vector_store %arg8[%swap3A_235], %swap3A_238 {strides = array<i32>} : memref<8192xi32, #tpu.memory_space<vmem>>, vector<16xi32>,
      %add3A_239 = arith.constant 48 : i32
      %add3A_240 = arith.addi %multiple_of3A, %add3A_239 : i32
      %get3A_241 = arith.index_cast %add3A_240 : i32 to index
      %get3A_242 = tpu.vector_load %arg8[%get3A_241] {strides = array<i32>} : memref<8192xi32, #tpu.memory_space<vmem>>, vector<16xi32>,
      %get3A_243 = vector.shape_cast %get3A_242 : vector<16xi32> to vector<16xi32>
      %shift_left3A_244 = arith.constant 7 : i32
      %shift_left3A_245 = vector.broadcast %shift_left3A_244 : i32 to vector<16xi32>
      %shift_left3A_246 = arith.shli %get3A_243, %shift_left3A_245 : vector<16xi32>
      %add3A_247 = arith.addi %shift_left3A_246, %add3A_14 : vector<16xi32>
      %swap3A_248 = arith.index_cast %add3A_240 : i32 to index
      %swap3A_249 = tpu.vector_load %arg8[%swap3A_248] {strides = array<i32>} : memref<8192xi32, #tpu.memory_space<vmem>>, vector<16xi32>,
      %swap3A_250 = vector.shape_cast %swap3A_249 : vector<16xi32> to vector<16xi32>
      %swap3A_251 = vector.shape_cast %add3A_247 : vector<16xi32> to vector<16xi32>
      tpu.vector_store %arg8[%swap3A_248], %swap3A_251 {strides = array<i32>} : memref<8192xi32, #tpu.memory_space<vmem>>, vector<16xi32>,
      %add3A_252 = arith.constant 64 : i32
      %add3A_253 = arith.addi %multiple_of3A, %add3A_252 : i32
      %get3A_254 = arith.index_cast %add3A_253 : i32 to index
      %get3A_255 = tpu.vector_load %arg8[%get3A_254] {strides = array<i32>} : memref<8192xi32, #tpu.memory_space<vmem>>, vector<16xi32>,
      %get3A_256 = vector.shape_cast %get3A_255 : vector<16xi32> to vector<16xi32>
      %shift_left3A_257 = arith.constant 7 : i32
      %shift_left3A_258 = vector.broadcast %shift_left3A_257 : i32 to vector<16xi32>
      %shift_left3A_259 = arith.shli %get3A_256, %shift_left3A_258 : vector<16xi32>
      %add3A_260 = arith.addi %shift_left3A_259, %add3A_17 : vector<16xi32>
      %swap3A_261 = arith.index_cast %add3A_253 : i32 to index
      %swap3A_262 = tpu.vector_load %arg8[%swap3A_261] {strides = array<i32>} : memref<8192xi32, #tpu.memory_space<vmem>>, vector<16xi32>,
      %swap3A_263 = vector.shape_cast %swap3A_262 : vector<16xi32> to vector<16xi32>
      %swap3A_264 = vector.shape_cast %add3A_260 : vector<16xi32> to vector<16xi32>
      tpu.vector_store %arg8[%swap3A_261], %swap3A_264 {strides = array<i32>} : memref<8192xi32, #tpu.memory_space<vmem>>, vector<16xi32>,
      %add3A_265 = arith.constant 80 : i32
      %add3A_266 = arith.addi %multiple_of3A, %add3A_265 : i32
      %get3A_267 = arith.index_cast %add3A_266 : i32 to index
      %get3A_268 = tpu.vector_load %arg8[%get3A_267] {strides = array<i32>} : memref<8192xi32, #tpu.memory_space<vmem>>, vector<16xi32>,
      %get3A_269 = vector.shape_cast %get3A_268 : vector<16xi32> to vector<16xi32>
      %shift_left3A_270 = arith.constant 7 : i32
      %shift_left3A_271 = vector.broadcast %shift_left3A_270 : i32 to vector<16xi32>
      %shift_left3A_272 = arith.shli %get3A_269, %shift_left3A_271 : vector<16xi32>
      %add3A_273 = arith.addi %shift_left3A_272, %add3A_20 : vector<16xi32>
      %swap3A_274 = arith.index_cast %add3A_266 : i32 to index
      %swap3A_275 = tpu.vector_load %arg8[%swap3A_274] {strides = array<i32>} : memref<8192xi32, #tpu.memory_space<vmem>>, vector<16xi32>,
      %swap3A_276 = vector.shape_cast %swap3A_275 : vector<16xi32> to vector<16xi32>
      %swap3A_277 = vector.shape_cast %add3A_273 : vector<16xi32> to vector<16xi32>
      tpu.vector_store %arg8[%swap3A_274], %swap3A_277 {strides = array<i32>} : memref<8192xi32, #tpu.memory_space<vmem>>, vector<16xi32>,
      %add3A_278 = arith.constant 96 : i32
      %add3A_279 = arith.addi %multiple_of3A, %add3A_278 : i32
      %get3A_280 = arith.index_cast %add3A_279 : i32 to index
      %get3A_281 = tpu.vector_load %arg8[%get3A_280] {strides = array<i32>} : memref<8192xi32, #tpu.memory_space<vmem>>, vector<16xi32>,
      %get3A_282 = vector.shape_cast %get3A_281 : vector<16xi32> to vector<16xi32>
      %shift_left3A_283 = arith.constant 7 : i32
      %shift_left3A_284 = vector.broadcast %shift_left3A_283 : i32 to vector<16xi32>
      %shift_left3A_285 = arith.shli %get3A_282, %shift_left3A_284 : vector<16xi32>
      %add3A_286 = arith.addi %shift_left3A_285, %add3A_23 : vector<16xi32>
      %swap3A_287 = arith.index_cast %add3A_279 : i32 to index
      %swap3A_288 = tpu.vector_load %arg8[%swap3A_287] {strides = array<i32>} : memref<8192xi32, #tpu.memory_space<vmem>>, vector<16xi32>,
      %swap3A_289 = vector.shape_cast %swap3A_288 : vector<16xi32> to vector<16xi32>
      %swap3A_290 = vector.shape_cast %add3A_286 : vector<16xi32> to vector<16xi32>
      tpu.vector_store %arg8[%swap3A_287], %swap3A_290 {strides = array<i32>} : memref<8192xi32, #tpu.memory_space<vmem>>, vector<16xi32>,
      %add3A_291 = arith.constant 112 : i32
      %add3A_292 = arith.addi %multiple_of3A, %add3A_291 : i32
      %get3A_293 = arith.index_cast %add3A_292 : i32 to index
      %get3A_294 = tpu.vector_load %arg8[%get3A_293] {strides = array<i32>} : memref<8192xi32, #tpu.memory_space<vmem>>, vector<16xi32>,
      %get3A_295 = vector.shape_cast %get3A_294 : vector<16xi32> to vector<16xi32>
      %shift_left3A_296 = arith.constant 7 : i32
      %shift_left3A_297 = vector.broadcast %shift_left3A_296 : i32 to vector<16xi32>
      %shift_left3A_298 = arith.shli %get3A_295, %shift_left3A_297 : vector<16xi32>
      %add3A_299 = arith.addi %shift_left3A_298, %add3A_26 : vector<16xi32>
      %swap3A_300 = arith.index_cast %add3A_292 : i32 to index
      %swap3A_301 = tpu.vector_load %arg8[%swap3A_300] {strides = array<i32>} : memref<8192xi32, #tpu.memory_space<vmem>>, vector<16xi32>,
      %swap3A_302 = vector.shape_cast %swap3A_301 : vector<16xi32> to vector<16xi32>
      %swap3A_303 = vector.shape_cast %add3A_299 : vector<16xi32> to vector<16xi32>
      tpu.vector_store %arg8[%swap3A_300], %swap3A_303 {strides = array<i32>} : memref<8192xi32, #tpu.memory_space<vmem>>, vector<16xi32>,
      %scan3A_304 = arith.constant 1 : i32
      %scan3A_305 = arith.addi %scan3A_200, %scan3A_304 : i32
      %mul3A_306 = arith.constant 128 : i32
      %mul3A_307 = arith.muli %scan3A_305, %mul3A_306 : i32
      %multiple_of3A_308 = tpu.assume_multiple %mul3A_307, 128 : i32
      %add3A_309 = arith.constant 0 : i32
      %add3A_310 = arith.addi %multiple_of3A_308, %add3A_309 : i32
      %get3A_311 = arith.index_cast %add3A_310 : i32 to index
      %get3A_312 = tpu.vector_load %arg8[%get3A_311] {strides = array<i32>} : memref<8192xi32, #tpu.memory_space<vmem>>, vector<16xi32>,
      %get3A_313 = vector.shape_cast %get3A_312 : vector<16xi32> to vector<16xi32>
      %shift_left3A_314 = arith.constant 7 : i32
      %shift_left3A_315 = vector.broadcast %shift_left3A_314 : i32 to vector<16xi32>
      %shift_left3A_316 = arith.shli %get3A_313, %shift_left3A_315 : vector<16xi32>
      %add3A_317 = arith.addi %shift_left3A_316, %add3A_5 : vector<16xi32>
      %swap3A_318 = arith.index_cast %add3A_310 : i32 to index
      %swap3A_319 = tpu.vector_load %arg8[%swap3A_318] {strides = array<i32>} : memref<8192xi32, #tpu.memory_space<vmem>>, vector<16xi32>,
      %swap3A_320 = vector.shape_cast %swap3A_319 : vector<16xi32> to vector<16xi32>
      %swap3A_321 = vector.shape_cast %add3A_317 : vector<16xi32> to vector<16xi32>
      tpu.vector_store %arg8[%swap3A_318], %swap3A_321 {strides = array<i32>} : memref<8192xi32, #tpu.memory_space<vmem>>, vector<16xi32>,
      %add3A_322 = arith.constant 16 : i32
      %add3A_323 = arith.addi %multiple_of3A_308, %add3A_322 : i32
      %get3A_324 = arith.index_cast %add3A_323 : i32 to index
      %get3A_325 = tpu.vector_load %arg8[%get3A_324] {strides = array<i32>} : memref<8192xi32, #tpu.memory_space<vmem>>, vector<16xi32>,
      %get3A_326 = vector.shape_cast %get3A_325 : vector<16xi32> to vector<16xi32>
      %shift_left3A_327 = arith.constant 7 : i32
      %shift_left3A_328 = vector.broadcast %shift_left3A_327 : i32 to vector<16xi32>
      %shift_left3A_329 = arith.shli %get3A_326, %shift_left3A_328 : vector<16xi32>
      %add3A_330 = arith.addi %shift_left3A_329, %add3A_8 : vector<16xi32>
      %swap3A_331 = arith.index_cast %add3A_323 : i32 to index
      %swap3A_332 = tpu.vector_load %arg8[%swap3A_331] {strides = array<i32>} : memref<8192xi32, #tpu.memory_space<vmem>>, vector<16xi32>,
      %swap3A_333 = vector.shape_cast %swap3A_332 : vector<16xi32> to vector<16xi32>
      %swap3A_334 = vector.shape_cast %add3A_330 : vector<16xi32> to vector<16xi32>
      tpu.vector_store %arg8[%swap3A_331], %swap3A_334 {strides = array<i32>} : memref<8192xi32, #tpu.memory_space<vmem>>, vector<16xi32>,
      %add3A_335 = arith.constant 32 : i32
      %add3A_336 = arith.addi %multiple_of3A_308, %add3A_335 : i32
      %get3A_337 = arith.index_cast %add3A_336 : i32 to index
      %get3A_338 = tpu.vector_load %arg8[%get3A_337] {strides = array<i32>} : memref<8192xi32, #tpu.memory_space<vmem>>, vector<16xi32>,
      %get3A_339 = vector.shape_cast %get3A_338 : vector<16xi32> to vector<16xi32>
      %shift_left3A_340 = arith.constant 7 : i32
      %shift_left3A_341 = vector.broadcast %shift_left3A_340 : i32 to vector<16xi32>
      %shift_left3A_342 = arith.shli %get3A_339, %shift_left3A_341 : vector<16xi32>
      %add3A_343 = arith.addi %shift_left3A_342, %add3A_11 : vector<16xi32>
      %swap3A_344 = arith.index_cast %add3A_336 : i32 to index
      %swap3A_345 = tpu.vector_load %arg8[%swap3A_344] {strides = array<i32>} : memref<8192xi32, #tpu.memory_space<vmem>>, vector<16xi32>,
      %swap3A_346 = vector.shape_cast %swap3A_345 : vector<16xi32> to vector<16xi32>
      %swap3A_347 = vector.shape_cast %add3A_343 : vector<16xi32> to vector<16xi32>
      tpu.vector_store %arg8[%swap3A_344], %swap3A_347 {strides = array<i32>} : memref<8192xi32, #tpu.memory_space<vmem>>, vector<16xi32>,
      %add3A_348 = arith.constant 48 : i32
      %add3A_349 = arith.addi %multiple_of3A_308, %add3A_348 : i32
      %get3A_350 = arith.index_cast %add3A_349 : i32 to index
      %get3A_351 = tpu.vector_load %arg8[%get3A_350] {strides = array<i32>} : memref<8192xi32, #tpu.memory_space<vmem>>, vector<16xi32>,
      %get3A_352 = vector.shape_cast %get3A_351 : vector<16xi32> to vector<16xi32>
      %shift_left3A_353 = arith.constant 7 : i32
      %shift_left3A_354 = vector.broadcast %shift_left3A_353 : i32 to vector<16xi32>
      %shift_left3A_355 = arith.shli %get3A_352, %shift_left3A_354 : vector<16xi32>
      %add3A_356 = arith.addi %shift_left3A_355, %add3A_14 : vector<16xi32>
      %swap3A_357 = arith.index_cast %add3A_349 : i32 to index
      %swap3A_358 = tpu.vector_load %arg8[%swap3A_357] {strides = array<i32>} : memref<8192xi32, #tpu.memory_space<vmem>>, vector<16xi32>,
      %swap3A_359 = vector.shape_cast %swap3A_358 : vector<16xi32> to vector<16xi32>
      %swap3A_360 = vector.shape_cast %add3A_356 : vector<16xi32> to vector<16xi32>
      tpu.vector_store %arg8[%swap3A_357], %swap3A_360 {strides = array<i32>} : memref<8192xi32, #tpu.memory_space<vmem>>, vector<16xi32>,
      %add3A_361 = arith.constant 64 : i32
      %add3A_362 = arith.addi %multiple_of3A_308, %add3A_361 : i32
      %get3A_363 = arith.index_cast %add3A_362 : i32 to index
      %get3A_364 = tpu.vector_load %arg8[%get3A_363] {strides = array<i32>} : memref<8192xi32, #tpu.memory_space<vmem>>, vector<16xi32>,
      %get3A_365 = vector.shape_cast %get3A_364 : vector<16xi32> to vector<16xi32>
      %shift_left3A_366 = arith.constant 7 : i32
      %shift_left3A_367 = vector.broadcast %shift_left3A_366 : i32 to vector<16xi32>
      %shift_left3A_368 = arith.shli %get3A_365, %shift_left3A_367 : vector<16xi32>
      %add3A_369 = arith.addi %shift_left3A_368, %add3A_17 : vector<16xi32>
      %swap3A_370 = arith.index_cast %add3A_362 : i32 to index
      %swap3A_371 = tpu.vector_load %arg8[%swap3A_370] {strides = array<i32>} : memref<8192xi32, #tpu.memory_space<vmem>>, vector<16xi32>,
      %swap3A_372 = vector.shape_cast %swap3A_371 : vector<16xi32> to vector<16xi32>
      %swap3A_373 = vector.shape_cast %add3A_369 : vector<16xi32> to vector<16xi32>
      tpu.vector_store %arg8[%swap3A_370], %swap3A_373 {strides = array<i32>} : memref<8192xi32, #tpu.memory_space<vmem>>, vector<16xi32>,
      %add3A_374 = arith.constant 80 : i32
      %add3A_375 = arith.addi %multiple_of3A_308, %add3A_374 : i32
      %get3A_376 = arith.index_cast %add3A_375 : i32 to index
      %get3A_377 = tpu.vector_load %arg8[%get3A_376] {strides = array<i32>} : memref<8192xi32, #tpu.memory_space<vmem>>, vector<16xi32>,
      %get3A_378 = vector.shape_cast %get3A_377 : vector<16xi32> to vector<16xi32>
      %shift_left3A_379 = arith.constant 7 : i32
      %shift_left3A_380 = vector.broadcast %shift_left3A_379 : i32 to vector<16xi32>
      %shift_left3A_381 = arith.shli %get3A_378, %shift_left3A_380 : vector<16xi32>
      %add3A_382 = arith.addi %shift_left3A_381, %add3A_20 : vector<16xi32>
      %swap3A_383 = arith.index_cast %add3A_375 : i32 to index
      %swap3A_384 = tpu.vector_load %arg8[%swap3A_383] {strides = array<i32>} : memref<8192xi32, #tpu.memory_space<vmem>>, vector<16xi32>,
      %swap3A_385 = vector.shape_cast %swap3A_384 : vector<16xi32> to vector<16xi32>
      %swap3A_386 = vector.shape_cast %add3A_382 : vector<16xi32> to vector<16xi32>
      tpu.vector_store %arg8[%swap3A_383], %swap3A_386 {strides = array<i32>} : memref<8192xi32, #tpu.memory_space<vmem>>, vector<16xi32>,
      %add3A_387 = arith.constant 96 : i32
      %add3A_388 = arith.addi %multiple_of3A_308, %add3A_387 : i32
      %get3A_389 = arith.index_cast %add3A_388 : i32 to index
      %get3A_390 = tpu.vector_load %arg8[%get3A_389] {strides = array<i32>} : memref<8192xi32, #tpu.memory_space<vmem>>, vector<16xi32>,
      %get3A_391 = vector.shape_cast %get3A_390 : vector<16xi32> to vector<16xi32>
      %shift_left3A_392 = arith.constant 7 : i32
      %shift_left3A_393 = vector.broadcast %shift_left3A_392 : i32 to vector<16xi32>
      %shift_left3A_394 = arith.shli %get3A_391, %shift_left3A_393 : vector<16xi32>
      %add3A_395 = arith.addi %shift_left3A_394, %add3A_23 : vector<16xi32>
      %swap3A_396 = arith.index_cast %add3A_388 : i32 to index
      %swap3A_397 = tpu.vector_load %arg8[%swap3A_396] {strides = array<i32>} : memref<8192xi32, #tpu.memory_space<vmem>>, vector<16xi32>,
      %swap3A_398 = vector.shape_cast %swap3A_397 : vector<16xi32> to vector<16xi32>
      %swap3A_399 = vector.shape_cast %add3A_395 : vector<16xi32> to vector<16xi32>
      tpu.vector_store %arg8[%swap3A_396], %swap3A_399 {strides = array<i32>} : memref<8192xi32, #tpu.memory_space<vmem>>, vector<16xi32>,
      %add3A_400 = arith.constant 112 : i32
      %add3A_401 = arith.addi %multiple_of3A_308, %add3A_400 : i32
      %get3A_402 = arith.index_cast %add3A_401 : i32 to index
      %get3A_403 = tpu.vector_load %arg8[%get3A_402] {strides = array<i32>} : memref<8192xi32, #tpu.memory_space<vmem>>, vector<16xi32>,
      %get3A_404 = vector.shape_cast %get3A_403 : vector<16xi32> to vector<16xi32>
      %shift_left3A_405 = arith.constant 7 : i32
      %shift_left3A_406 = vector.broadcast %shift_left3A_405 : i32 to vector<16xi32>
      %shift_left3A_407 = arith.shli %get3A_404, %shift_left3A_406 : vector<16xi32>
      %add3A_408 = arith.addi %shift_left3A_407, %add3A_26 : vector<16xi32>
      %swap3A_409 = arith.index_cast %add3A_401 : i32 to index
      %swap3A_410 = tpu.vector_load %arg8[%swap3A_409] {strides = array<i32>} : memref<8192xi32, #tpu.memory_space<vmem>>, vector<16xi32>,
      %swap3A_411 = vector.shape_cast %swap3A_410 : vector<16xi32> to vector<16xi32>
      %swap3A_412 = vector.shape_cast %add3A_408 : vector<16xi32> to vector<16xi32>
      tpu.vector_store %arg8[%swap3A_409], %swap3A_412 {strides = array<i32>} : memref<8192xi32, #tpu.memory_space<vmem>>, vector<16xi32>,
    }
    %scan3A_93 = arith.constant 64 : i32
    %dma_start3A_94 = arith.constant 0 : i32
    %dma_start3A_95 = tpu.memref_slice %arg3[%dma_start3A_94] : memref<12800000xf32, #tpu.memory_space<hbm>> -> memref<12800000xf32, #tpu.memory_space<hbm>>
    tpu.enqueue_indirect_dma source(%dma_start3A_95 : memref<12800000xf32, #tpu.memory_space<hbm>>) target(%arg16 : memref<8192xf32, #tpu.memory_space<vmem>>) offsets(%arg8 : memref<8192xi32, #tpu.memory_space<vmem>>) semaphore(%arg28 : memref<!tpu.dma_semaphore, #tpu.memory_space<semaphore_mem>>)
    %add3A_96 = arith.constant 40960 : i32
    %add3A_97 = arith.addi %mul3A_2, %add3A_96 : i32
    %dma_start3A_98 = tpu.memref_slice %arg2[%add3A_97] : memref<2097152xi32, #tpu.memory_space<hbm>> -> memref<8192xi32, #tpu.memory_space<hbm>>
    %dma_start3A_99 = tpu.memref_slice %arg2[%add3A_97] : memref<2097152xi32, #tpu.memory_space<hbm>> -> memref<8192xi32, #tpu.memory_space<hbm>>
    tpu.enqueue_dma source(%dma_start3A_99 : memref<8192xi32, #tpu.memory_space<hbm>>) target(%arg10 : memref<8192xi32, #tpu.memory_space<vmem>>) target_semaphore(%arg22 : memref<!tpu.dma_semaphore, #tpu.memory_space<semaphore_mem>>)
    %dma_wait3A_100 = arith.constant 0 : i32
    %dma_wait3A_101 = tpu.memref_slice %arg3[%dma_wait3A_100] : memref<12800000xf32, #tpu.memory_space<hbm>> -> memref<12800000xf32, #tpu.memory_space<hbm>>
    tpu.wait_indirect_dma semaphore(%arg27 : memref<!tpu.dma_semaphore, #tpu.memory_space<semaphore_mem>>) src(%dma_wait3A_101 : memref<12800000xf32, #tpu.memory_space<hbm>>) dst(%arg15 : memref<8192xf32, #tpu.memory_space<vmem>>)
    %add3A_102 = arith.constant 16384 : i32
    %add3A_103 = arith.addi %mul3A_2, %add3A_102 : i32
    %dma_start3A_104 = tpu.memref_slice %arg4[%add3A_103] : memref<2097152xf32, #tpu.memory_space<hbm>> -> memref<8192xf32, #tpu.memory_space<hbm>>
    %dma_start3A_105 = tpu.memref_slice %arg4[%add3A_103] : memref<2097152xf32, #tpu.memory_space<hbm>> -> memref<8192xf32, #tpu.memory_space<hbm>>
    tpu.enqueue_dma source(%arg15 : memref<8192xf32, #tpu.memory_space<vmem>>) target(%dma_start3A_105 : memref<8192xf32, #tpu.memory_space<hbm>>) target_semaphore(%arg35 : memref<!tpu.dma_semaphore, #tpu.memory_space<semaphore_mem>>)
    %dma_wait3A_106 = tpu.memref_slice %arg2[%add3A_77] : memref<2097152xi32, #tpu.memory_space<hbm>> -> memref<8192xi32, #tpu.memory_space<hbm>>
    %dma_wait3A_107 = tpu.memref_slice %arg2[%add3A_77] : memref<2097152xi32, #tpu.memory_space<hbm>> -> memref<8192xi32, #tpu.memory_space<hbm>>
    tpu.wait_dma2 semaphore(%arg21 : memref<!tpu.dma_semaphore, #tpu.memory_space<semaphore_mem>>) src(%dma_wait3A_107 : memref<8192xi32, #tpu.memory_space<hbm>>) dst(%arg9 : memref<8192xi32, #tpu.memory_space<vmem>>)
    %scan3A_108 = arith.constant 0 : i32
    %scan3A_109 = arith.constant 0 : i32
    %scan3A_110 = arith.constant 64 : i32
    %scan3A_111 = arith.addi %scan3A_109, %scan3A_110 : i32
    %scan3A_112 = arith.constant 2 : i32
    scf.for %scan3A_200 = %scan3A_109 to %scan3A_111 step %scan3A_112  : i32 {
      %mul3A_201 = arith.constant 128 : i32
      %mul3A_202 = arith.muli %scan3A_200, %mul3A_201 : i32
      %multiple_of3A = tpu.assume_multiple %mul3A_202, 128 : i32
      %add3A_203 = arith.constant 0 : i32
      %add3A_204 = arith.addi %multiple_of3A, %add3A_203 : i32
      %get3A = arith.index_cast %add3A_204 : i32 to index
      %get3A_205 = tpu.vector_load %arg9[%get3A] {strides = array<i32>} : memref<8192xi32, #tpu.memory_space<vmem>>, vector<16xi32>,
      %get3A_206 = vector.shape_cast %get3A_205 : vector<16xi32> to vector<16xi32>
      %shift_left3A = arith.constant 7 : i32
      %shift_left3A_207 = vector.broadcast %shift_left3A : i32 to vector<16xi32>
      %shift_left3A_208 = arith.shli %get3A_206, %shift_left3A_207 : vector<16xi32>
      %add3A_209 = arith.addi %shift_left3A_208, %add3A_5 : vector<16xi32>
      %swap3A = arith.index_cast %add3A_204 : i32 to index
      %swap3A_210 = tpu.vector_load %arg9[%swap3A] {strides = array<i32>} : memref<8192xi32, #tpu.memory_space<vmem>>, vector<16xi32>,
      %swap3A_211 = vector.shape_cast %swap3A_210 : vector<16xi32> to vector<16xi32>
      %swap3A_212 = vector.shape_cast %add3A_209 : vector<16xi32> to vector<16xi32>
      tpu.vector_store %arg9[%swap3A], %swap3A_212 {strides = array<i32>} : memref<8192xi32, #tpu.memory_space<vmem>>, vector<16xi32>,
      %add3A_213 = arith.constant 16 : i32
      %add3A_214 = arith.addi %multiple_of3A, %add3A_213 : i32
      %get3A_215 = arith.index_cast %add3A_214 : i32 to index
      %get3A_216 = tpu.vector_load %arg9[%get3A_215] {strides = array<i32>} : memref<8192xi32, #tpu.memory_space<vmem>>, vector<16xi32>,
      %get3A_217 = vector.shape_cast %get3A_216 : vector<16xi32> to vector<16xi32>
      %shift_left3A_218 = arith.constant 7 : i32
      %shift_left3A_219 = vector.broadcast %shift_left3A_218 : i32 to vector<16xi32>
      %shift_left3A_220 = arith.shli %get3A_217, %shift_left3A_219 : vector<16xi32>
      %add3A_221 = arith.addi %shift_left3A_220, %add3A_8 : vector<16xi32>
      %swap3A_222 = arith.index_cast %add3A_214 : i32 to index
      %swap3A_223 = tpu.vector_load %arg9[%swap3A_222] {strides = array<i32>} : memref<8192xi32, #tpu.memory_space<vmem>>, vector<16xi32>,
      %swap3A_224 = vector.shape_cast %swap3A_223 : vector<16xi32> to vector<16xi32>
      %swap3A_225 = vector.shape_cast %add3A_221 : vector<16xi32> to vector<16xi32>
      tpu.vector_store %arg9[%swap3A_222], %swap3A_225 {strides = array<i32>} : memref<8192xi32, #tpu.memory_space<vmem>>, vector<16xi32>,
      %add3A_226 = arith.constant 32 : i32
      %add3A_227 = arith.addi %multiple_of3A, %add3A_226 : i32
      %get3A_228 = arith.index_cast %add3A_227 : i32 to index
      %get3A_229 = tpu.vector_load %arg9[%get3A_228] {strides = array<i32>} : memref<8192xi32, #tpu.memory_space<vmem>>, vector<16xi32>,
      %get3A_230 = vector.shape_cast %get3A_229 : vector<16xi32> to vector<16xi32>
      %shift_left3A_231 = arith.constant 7 : i32
      %shift_left3A_232 = vector.broadcast %shift_left3A_231 : i32 to vector<16xi32>
      %shift_left3A_233 = arith.shli %get3A_230, %shift_left3A_232 : vector<16xi32>
      %add3A_234 = arith.addi %shift_left3A_233, %add3A_11 : vector<16xi32>
      %swap3A_235 = arith.index_cast %add3A_227 : i32 to index
      %swap3A_236 = tpu.vector_load %arg9[%swap3A_235] {strides = array<i32>} : memref<8192xi32, #tpu.memory_space<vmem>>, vector<16xi32>,
      %swap3A_237 = vector.shape_cast %swap3A_236 : vector<16xi32> to vector<16xi32>
      %swap3A_238 = vector.shape_cast %add3A_234 : vector<16xi32> to vector<16xi32>
      tpu.vector_store %arg9[%swap3A_235], %swap3A_238 {strides = array<i32>} : memref<8192xi32, #tpu.memory_space<vmem>>, vector<16xi32>,
      %add3A_239 = arith.constant 48 : i32
      %add3A_240 = arith.addi %multiple_of3A, %add3A_239 : i32
      %get3A_241 = arith.index_cast %add3A_240 : i32 to index
      %get3A_242 = tpu.vector_load %arg9[%get3A_241] {strides = array<i32>} : memref<8192xi32, #tpu.memory_space<vmem>>, vector<16xi32>,
      %get3A_243 = vector.shape_cast %get3A_242 : vector<16xi32> to vector<16xi32>
      %shift_left3A_244 = arith.constant 7 : i32
      %shift_left3A_245 = vector.broadcast %shift_left3A_244 : i32 to vector<16xi32>
      %shift_left3A_246 = arith.shli %get3A_243, %shift_left3A_245 : vector<16xi32>
      %add3A_247 = arith.addi %shift_left3A_246, %add3A_14 : vector<16xi32>
      %swap3A_248 = arith.index_cast %add3A_240 : i32 to index
      %swap3A_249 = tpu.vector_load %arg9[%swap3A_248] {strides = array<i32>} : memref<8192xi32, #tpu.memory_space<vmem>>, vector<16xi32>,
      %swap3A_250 = vector.shape_cast %swap3A_249 : vector<16xi32> to vector<16xi32>
      %swap3A_251 = vector.shape_cast %add3A_247 : vector<16xi32> to vector<16xi32>
      tpu.vector_store %arg9[%swap3A_248], %swap3A_251 {strides = array<i32>} : memref<8192xi32, #tpu.memory_space<vmem>>, vector<16xi32>,
      %add3A_252 = arith.constant 64 : i32
      %add3A_253 = arith.addi %multiple_of3A, %add3A_252 : i32
      %get3A_254 = arith.index_cast %add3A_253 : i32 to index
      %get3A_255 = tpu.vector_load %arg9[%get3A_254] {strides = array<i32>} : memref<8192xi32, #tpu.memory_space<vmem>>, vector<16xi32>,
      %get3A_256 = vector.shape_cast %get3A_255 : vector<16xi32> to vector<16xi32>
      %shift_left3A_257 = arith.constant 7 : i32
      %shift_left3A_258 = vector.broadcast %shift_left3A_257 : i32 to vector<16xi32>
      %shift_left3A_259 = arith.shli %get3A_256, %shift_left3A_258 : vector<16xi32>
      %add3A_260 = arith.addi %shift_left3A_259, %add3A_17 : vector<16xi32>
      %swap3A_261 = arith.index_cast %add3A_253 : i32 to index
      %swap3A_262 = tpu.vector_load %arg9[%swap3A_261] {strides = array<i32>} : memref<8192xi32, #tpu.memory_space<vmem>>, vector<16xi32>,
      %swap3A_263 = vector.shape_cast %swap3A_262 : vector<16xi32> to vector<16xi32>
      %swap3A_264 = vector.shape_cast %add3A_260 : vector<16xi32> to vector<16xi32>
      tpu.vector_store %arg9[%swap3A_261], %swap3A_264 {strides = array<i32>} : memref<8192xi32, #tpu.memory_space<vmem>>, vector<16xi32>,
      %add3A_265 = arith.constant 80 : i32
      %add3A_266 = arith.addi %multiple_of3A, %add3A_265 : i32
      %get3A_267 = arith.index_cast %add3A_266 : i32 to index
      %get3A_268 = tpu.vector_load %arg9[%get3A_267] {strides = array<i32>} : memref<8192xi32, #tpu.memory_space<vmem>>, vector<16xi32>,
      %get3A_269 = vector.shape_cast %get3A_268 : vector<16xi32> to vector<16xi32>
      %shift_left3A_270 = arith.constant 7 : i32
      %shift_left3A_271 = vector.broadcast %shift_left3A_270 : i32 to vector<16xi32>
      %shift_left3A_272 = arith.shli %get3A_269, %shift_left3A_271 : vector<16xi32>
      %add3A_273 = arith.addi %shift_left3A_272, %add3A_20 : vector<16xi32>
      %swap3A_274 = arith.index_cast %add3A_266 : i32 to index
      %swap3A_275 = tpu.vector_load %arg9[%swap3A_274] {strides = array<i32>} : memref<8192xi32, #tpu.memory_space<vmem>>, vector<16xi32>,
      %swap3A_276 = vector.shape_cast %swap3A_275 : vector<16xi32> to vector<16xi32>
      %swap3A_277 = vector.shape_cast %add3A_273 : vector<16xi32> to vector<16xi32>
      tpu.vector_store %arg9[%swap3A_274], %swap3A_277 {strides = array<i32>} : memref<8192xi32, #tpu.memory_space<vmem>>, vector<16xi32>,
      %add3A_278 = arith.constant 96 : i32
      %add3A_279 = arith.addi %multiple_of3A, %add3A_278 : i32
      %get3A_280 = arith.index_cast %add3A_279 : i32 to index
      %get3A_281 = tpu.vector_load %arg9[%get3A_280] {strides = array<i32>} : memref<8192xi32, #tpu.memory_space<vmem>>, vector<16xi32>,
      %get3A_282 = vector.shape_cast %get3A_281 : vector<16xi32> to vector<16xi32>
      %shift_left3A_283 = arith.constant 7 : i32
      %shift_left3A_284 = vector.broadcast %shift_left3A_283 : i32 to vector<16xi32>
      %shift_left3A_285 = arith.shli %get3A_282, %shift_left3A_284 : vector<16xi32>
      %add3A_286 = arith.addi %shift_left3A_285, %add3A_23 : vector<16xi32>
      %swap3A_287 = arith.index_cast %add3A_279 : i32 to index
      %swap3A_288 = tpu.vector_load %arg9[%swap3A_287] {strides = array<i32>} : memref<8192xi32, #tpu.memory_space<vmem>>, vector<16xi32>,
      %swap3A_289 = vector.shape_cast %swap3A_288 : vector<16xi32> to vector<16xi32>
      %swap3A_290 = vector.shape_cast %add3A_286 : vector<16xi32> to vector<16xi32>
      tpu.vector_store %arg9[%swap3A_287], %swap3A_290 {strides = array<i32>} : memref<8192xi32, #tpu.memory_space<vmem>>, vector<16xi32>,
      %add3A_291 = arith.constant 112 : i32
      %add3A_292 = arith.addi %multiple_of3A, %add3A_291 : i32
      %get3A_293 = arith.index_cast %add3A_292 : i32 to index
      %get3A_294 = tpu.vector_load %arg9[%get3A_293] {strides = array<i32>} : memref<8192xi32, #tpu.memory_space<vmem>>, vector<16xi32>,
      %get3A_295 = vector.shape_cast %get3A_294 : vector<16xi32> to vector<16xi32>
      %shift_left3A_296 = arith.constant 7 : i32
      %shift_left3A_297 = vector.broadcast %shift_left3A_296 : i32 to vector<16xi32>
      %shift_left3A_298 = arith.shli %get3A_295, %shift_left3A_297 : vector<16xi32>
      %add3A_299 = arith.addi %shift_left3A_298, %add3A_26 : vector<16xi32>
      %swap3A_300 = arith.index_cast %add3A_292 : i32 to index
      %swap3A_301 = tpu.vector_load %arg9[%swap3A_300] {strides = array<i32>} : memref<8192xi32, #tpu.memory_space<vmem>>, vector<16xi32>,
      %swap3A_302 = vector.shape_cast %swap3A_301 : vector<16xi32> to vector<16xi32>
      %swap3A_303 = vector.shape_cast %add3A_299 : vector<16xi32> to vector<16xi32>
      tpu.vector_store %arg9[%swap3A_300], %swap3A_303 {strides = array<i32>} : memref<8192xi32, #tpu.memory_space<vmem>>, vector<16xi32>,
      %scan3A_304 = arith.constant 1 : i32
      %scan3A_305 = arith.addi %scan3A_200, %scan3A_304 : i32
      %mul3A_306 = arith.constant 128 : i32
      %mul3A_307 = arith.muli %scan3A_305, %mul3A_306 : i32
      %multiple_of3A_308 = tpu.assume_multiple %mul3A_307, 128 : i32
      %add3A_309 = arith.constant 0 : i32
      %add3A_310 = arith.addi %multiple_of3A_308, %add3A_309 : i32
      %get3A_311 = arith.index_cast %add3A_310 : i32 to index
      %get3A_312 = tpu.vector_load %arg9[%get3A_311] {strides = array<i32>} : memref<8192xi32, #tpu.memory_space<vmem>>, vector<16xi32>,
      %get3A_313 = vector.shape_cast %get3A_312 : vector<16xi32> to vector<16xi32>
      %shift_left3A_314 = arith.constant 7 : i32
      %shift_left3A_315 = vector.broadcast %shift_left3A_314 : i32 to vector<16xi32>
      %shift_left3A_316 = arith.shli %get3A_313, %shift_left3A_315 : vector<16xi32>
      %add3A_317 = arith.addi %shift_left3A_316, %add3A_5 : vector<16xi32>
      %swap3A_318 = arith.index_cast %add3A_310 : i32 to index
      %swap3A_319 = tpu.vector_load %arg9[%swap3A_318] {strides = array<i32>} : memref<8192xi32, #tpu.memory_space<vmem>>, vector<16xi32>,
      %swap3A_320 = vector.shape_cast %swap3A_319 : vector<16xi32> to vector<16xi32>
      %swap3A_321 = vector.shape_cast %add3A_317 : vector<16xi32> to vector<16xi32>
      tpu.vector_store %arg9[%swap3A_318], %swap3A_321 {strides = array<i32>} : memref<8192xi32, #tpu.memory_space<vmem>>, vector<16xi32>,
      %add3A_322 = arith.constant 16 : i32
      %add3A_323 = arith.addi %multiple_of3A_308, %add3A_322 : i32
      %get3A_324 = arith.index_cast %add3A_323 : i32 to index
      %get3A_325 = tpu.vector_load %arg9[%get3A_324] {strides = array<i32>} : memref<8192xi32, #tpu.memory_space<vmem>>, vector<16xi32>,
      %get3A_326 = vector.shape_cast %get3A_325 : vector<16xi32> to vector<16xi32>
      %shift_left3A_327 = arith.constant 7 : i32
      %shift_left3A_328 = vector.broadcast %shift_left3A_327 : i32 to vector<16xi32>
      %shift_left3A_329 = arith.shli %get3A_326, %shift_left3A_328 : vector<16xi32>
      %add3A_330 = arith.addi %shift_left3A_329, %add3A_8 : vector<16xi32>
      %swap3A_331 = arith.index_cast %add3A_323 : i32 to index
      %swap3A_332 = tpu.vector_load %arg9[%swap3A_331] {strides = array<i32>} : memref<8192xi32, #tpu.memory_space<vmem>>, vector<16xi32>,
      %swap3A_333 = vector.shape_cast %swap3A_332 : vector<16xi32> to vector<16xi32>
      %swap3A_334 = vector.shape_cast %add3A_330 : vector<16xi32> to vector<16xi32>
      tpu.vector_store %arg9[%swap3A_331], %swap3A_334 {strides = array<i32>} : memref<8192xi32, #tpu.memory_space<vmem>>, vector<16xi32>,
      %add3A_335 = arith.constant 32 : i32
      %add3A_336 = arith.addi %multiple_of3A_308, %add3A_335 : i32
      %get3A_337 = arith.index_cast %add3A_336 : i32 to index
      %get3A_338 = tpu.vector_load %arg9[%get3A_337] {strides = array<i32>} : memref<8192xi32, #tpu.memory_space<vmem>>, vector<16xi32>,
      %get3A_339 = vector.shape_cast %get3A_338 : vector<16xi32> to vector<16xi32>
      %shift_left3A_340 = arith.constant 7 : i32
      %shift_left3A_341 = vector.broadcast %shift_left3A_340 : i32 to vector<16xi32>
      %shift_left3A_342 = arith.shli %get3A_339, %shift_left3A_341 : vector<16xi32>
      %add3A_343 = arith.addi %shift_left3A_342, %add3A_11 : vector<16xi32>
      %swap3A_344 = arith.index_cast %add3A_336 : i32 to index
      %swap3A_345 = tpu.vector_load %arg9[%swap3A_344] {strides = array<i32>} : memref<8192xi32, #tpu.memory_space<vmem>>, vector<16xi32>,
      %swap3A_346 = vector.shape_cast %swap3A_345 : vector<16xi32> to vector<16xi32>
      %swap3A_347 = vector.shape_cast %add3A_343 : vector<16xi32> to vector<16xi32>
      tpu.vector_store %arg9[%swap3A_344], %swap3A_347 {strides = array<i32>} : memref<8192xi32, #tpu.memory_space<vmem>>, vector<16xi32>,
      %add3A_348 = arith.constant 48 : i32
      %add3A_349 = arith.addi %multiple_of3A_308, %add3A_348 : i32
      %get3A_350 = arith.index_cast %add3A_349 : i32 to index
      %get3A_351 = tpu.vector_load %arg9[%get3A_350] {strides = array<i32>} : memref<8192xi32, #tpu.memory_space<vmem>>, vector<16xi32>,
      %get3A_352 = vector.shape_cast %get3A_351 : vector<16xi32> to vector<16xi32>
      %shift_left3A_353 = arith.constant 7 : i32
      %shift_left3A_354 = vector.broadcast %shift_left3A_353 : i32 to vector<16xi32>
      %shift_left3A_355 = arith.shli %get3A_352, %shift_left3A_354 : vector<16xi32>
      %add3A_356 = arith.addi %shift_left3A_355, %add3A_14 : vector<16xi32>
      %swap3A_357 = arith.index_cast %add3A_349 : i32 to index
      %swap3A_358 = tpu.vector_load %arg9[%swap3A_357] {strides = array<i32>} : memref<8192xi32, #tpu.memory_space<vmem>>, vector<16xi32>,
      %swap3A_359 = vector.shape_cast %swap3A_358 : vector<16xi32> to vector<16xi32>
      %swap3A_360 = vector.shape_cast %add3A_356 : vector<16xi32> to vector<16xi32>
      tpu.vector_store %arg9[%swap3A_357], %swap3A_360 {strides = array<i32>} : memref<8192xi32, #tpu.memory_space<vmem>>, vector<16xi32>,
      %add3A_361 = arith.constant 64 : i32
      %add3A_362 = arith.addi %multiple_of3A_308, %add3A_361 : i32
      %get3A_363 = arith.index_cast %add3A_362 : i32 to index
      %get3A_364 = tpu.vector_load %arg9[%get3A_363] {strides = array<i32>} : memref<8192xi32, #tpu.memory_space<vmem>>, vector<16xi32>,
      %get3A_365 = vector.shape_cast %get3A_364 : vector<16xi32> to vector<16xi32>
      %shift_left3A_366 = arith.constant 7 : i32
      %shift_left3A_367 = vector.broadcast %shift_left3A_366 : i32 to vector<16xi32>
      %shift_left3A_368 = arith.shli %get3A_365, %shift_left3A_367 : vector<16xi32>
      %add3A_369 = arith.addi %shift_left3A_368, %add3A_17 : vector<16xi32>
      %swap3A_370 = arith.index_cast %add3A_362 : i32 to index
      %swap3A_371 = tpu.vector_load %arg9[%swap3A_370] {strides = array<i32>} : memref<8192xi32, #tpu.memory_space<vmem>>, vector<16xi32>,
      %swap3A_372 = vector.shape_cast %swap3A_371 : vector<16xi32> to vector<16xi32>
      %swap3A_373 = vector.shape_cast %add3A_369 : vector<16xi32> to vector<16xi32>
      tpu.vector_store %arg9[%swap3A_370], %swap3A_373 {strides = array<i32>} : memref<8192xi32, #tpu.memory_space<vmem>>, vector<16xi32>,
      %add3A_374 = arith.constant 80 : i32
      %add3A_375 = arith.addi %multiple_of3A_308, %add3A_374 : i32
      %get3A_376 = arith.index_cast %add3A_375 : i32 to index
      %get3A_377 = tpu.vector_load %arg9[%get3A_376] {strides = array<i32>} : memref<8192xi32, #tpu.memory_space<vmem>>, vector<16xi32>,
      %get3A_378 = vector.shape_cast %get3A_377 : vector<16xi32> to vector<16xi32>
      %shift_left3A_379 = arith.constant 7 : i32
      %shift_left3A_380 = vector.broadcast %shift_left3A_379 : i32 to vector<16xi32>
      %shift_left3A_381 = arith.shli %get3A_378, %shift_left3A_380 : vector<16xi32>
      %add3A_382 = arith.addi %shift_left3A_381, %add3A_20 : vector<16xi32>
      %swap3A_383 = arith.index_cast %add3A_375 : i32 to index
      %swap3A_384 = tpu.vector_load %arg9[%swap3A_383] {strides = array<i32>} : memref<8192xi32, #tpu.memory_space<vmem>>, vector<16xi32>,
      %swap3A_385 = vector.shape_cast %swap3A_384 : vector<16xi32> to vector<16xi32>
      %swap3A_386 = vector.shape_cast %add3A_382 : vector<16xi32> to vector<16xi32>
      tpu.vector_store %arg9[%swap3A_383], %swap3A_386 {strides = array<i32>} : memref<8192xi32, #tpu.memory_space<vmem>>, vector<16xi32>,
      %add3A_387 = arith.constant 96 : i32
      %add3A_388 = arith.addi %multiple_of3A_308, %add3A_387 : i32
      %get3A_389 = arith.index_cast %add3A_388 : i32 to index
      %get3A_390 = tpu.vector_load %arg9[%get3A_389] {strides = array<i32>} : memref<8192xi32, #tpu.memory_space<vmem>>, vector<16xi32>,
      %get3A_391 = vector.shape_cast %get3A_390 : vector<16xi32> to vector<16xi32>
      %shift_left3A_392 = arith.constant 7 : i32
      %shift_left3A_393 = vector.broadcast %shift_left3A_392 : i32 to vector<16xi32>
      %shift_left3A_394 = arith.shli %get3A_391, %shift_left3A_393 : vector<16xi32>
      %add3A_395 = arith.addi %shift_left3A_394, %add3A_23 : vector<16xi32>
      %swap3A_396 = arith.index_cast %add3A_388 : i32 to index
      %swap3A_397 = tpu.vector_load %arg9[%swap3A_396] {strides = array<i32>} : memref<8192xi32, #tpu.memory_space<vmem>>, vector<16xi32>,
      %swap3A_398 = vector.shape_cast %swap3A_397 : vector<16xi32> to vector<16xi32>
      %swap3A_399 = vector.shape_cast %add3A_395 : vector<16xi32> to vector<16xi32>
      tpu.vector_store %arg9[%swap3A_396], %swap3A_399 {strides = array<i32>} : memref<8192xi32, #tpu.memory_space<vmem>>, vector<16xi32>,
      %add3A_400 = arith.constant 112 : i32
      %add3A_401 = arith.addi %multiple_of3A_308, %add3A_400 : i32
      %get3A_402 = arith.index_cast %add3A_401 : i32 to index
      %get3A_403 = tpu.vector_load %arg9[%get3A_402] {strides = array<i32>} : memref<8192xi32, #tpu.memory_space<vmem>>, vector<16xi32>,
      %get3A_404 = vector.shape_cast %get3A_403 : vector<16xi32> to vector<16xi32>
      %shift_left3A_405 = arith.constant 7 : i32
      %shift_left3A_406 = vector.broadcast %shift_left3A_405 : i32 to vector<16xi32>
      %shift_left3A_407 = arith.shli %get3A_404, %shift_left3A_406 : vector<16xi32>
      %add3A_408 = arith.addi %shift_left3A_407, %add3A_26 : vector<16xi32>
      %swap3A_409 = arith.index_cast %add3A_401 : i32 to index
      %swap3A_410 = tpu.vector_load %arg9[%swap3A_409] {strides = array<i32>} : memref<8192xi32, #tpu.memory_space<vmem>>, vector<16xi32>,
      %swap3A_411 = vector.shape_cast %swap3A_410 : vector<16xi32> to vector<16xi32>
      %swap3A_412 = vector.shape_cast %add3A_408 : vector<16xi32> to vector<16xi32>
      tpu.vector_store %arg9[%swap3A_409], %swap3A_412 {strides = array<i32>} : memref<8192xi32, #tpu.memory_space<vmem>>, vector<16xi32>,
    }
    %scan3A_113 = arith.constant 64 : i32
    %dma_wait3A_114 = tpu.memref_slice %arg4[%add3A_63] : memref<2097152xf32, #tpu.memory_space<hbm>> -> memref<8192xf32, #tpu.memory_space<hbm>>
    %dma_wait3A_115 = tpu.memref_slice %arg4[%add3A_63] : memref<2097152xf32, #tpu.memory_space<hbm>> -> memref<8192xf32, #tpu.memory_space<hbm>>
    tpu.wait_dma2 semaphore(%arg33 : memref<!tpu.dma_semaphore, #tpu.memory_space<semaphore_mem>>) src(%arg13 : memref<8192xf32, #tpu.memory_space<vmem>>) dst(%dma_wait3A_115 : memref<8192xf32, #tpu.memory_space<hbm>>)
    %dma_start3A_116 = arith.constant 0 : i32
    %dma_start3A_117 = tpu.memref_slice %arg3[%dma_start3A_116] : memref<12800000xf32, #tpu.memory_space<hbm>> -> memref<12800000xf32, #tpu.memory_space<hbm>>
    tpu.enqueue_indirect_dma source(%dma_start3A_117 : memref<12800000xf32, #tpu.memory_space<hbm>>) target(%arg13 : memref<8192xf32, #tpu.memory_space<vmem>>) offsets(%arg9 : memref<8192xi32, #tpu.memory_space<vmem>>) semaphore(%arg29 : memref<!tpu.dma_semaphore, #tpu.memory_space<semaphore_mem>>)
    %add3A_118 = arith.constant 49152 : i32
    %add3A_119 = arith.addi %mul3A_2, %add3A_118 : i32
    %dma_start3A_120 = tpu.memref_slice %arg2[%add3A_119] : memref<2097152xi32, #tpu.memory_space<hbm>> -> memref<8192xi32, #tpu.memory_space<hbm>>
    %dma_start3A_121 = tpu.memref_slice %arg2[%add3A_119] : memref<2097152xi32, #tpu.memory_space<hbm>> -> memref<8192xi32, #tpu.memory_space<hbm>>
    tpu.enqueue_dma source(%dma_start3A_121 : memref<8192xi32, #tpu.memory_space<hbm>>) target(%arg11 : memref<8192xi32, #tpu.memory_space<vmem>>) target_semaphore(%arg23 : memref<!tpu.dma_semaphore, #tpu.memory_space<semaphore_mem>>)
    %dma_wait3A_122 = arith.constant 0 : i32
    %dma_wait3A_123 = tpu.memref_slice %arg3[%dma_wait3A_122] : memref<12800000xf32, #tpu.memory_space<hbm>> -> memref<12800000xf32, #tpu.memory_space<hbm>>
    tpu.wait_indirect_dma semaphore(%arg28 : memref<!tpu.dma_semaphore, #tpu.memory_space<semaphore_mem>>) src(%dma_wait3A_123 : memref<12800000xf32, #tpu.memory_space<hbm>>) dst(%arg16 : memref<8192xf32, #tpu.memory_space<vmem>>)
    %add3A_124 = arith.constant 24576 : i32
    %add3A_125 = arith.addi %mul3A_2, %add3A_124 : i32
    %dma_start3A_126 = tpu.memref_slice %arg4[%add3A_125] : memref<2097152xf32, #tpu.memory_space<hbm>> -> memref<8192xf32, #tpu.memory_space<hbm>>
    %dma_start3A_127 = tpu.memref_slice %arg4[%add3A_125] : memref<2097152xf32, #tpu.memory_space<hbm>> -> memref<8192xf32, #tpu.memory_space<hbm>>
    tpu.enqueue_dma source(%arg16 : memref<8192xf32, #tpu.memory_space<vmem>>) target(%dma_start3A_127 : memref<8192xf32, #tpu.memory_space<hbm>>) target_semaphore(%arg36 : memref<!tpu.dma_semaphore, #tpu.memory_space<semaphore_mem>>)
    %dma_wait3A_128 = tpu.memref_slice %arg2[%add3A_97] : memref<2097152xi32, #tpu.memory_space<hbm>> -> memref<8192xi32, #tpu.memory_space<hbm>>
    %dma_wait3A_129 = tpu.memref_slice %arg2[%add3A_97] : memref<2097152xi32, #tpu.memory_space<hbm>> -> memref<8192xi32, #tpu.memory_space<hbm>>
    tpu.wait_dma2 semaphore(%arg22 : memref<!tpu.dma_semaphore, #tpu.memory_space<semaphore_mem>>) src(%dma_wait3A_129 : memref<8192xi32, #tpu.memory_space<hbm>>) dst(%arg10 : memref<8192xi32, #tpu.memory_space<vmem>>)
    %scan3A_130 = arith.constant 0 : i32
    %scan3A_131 = arith.constant 0 : i32
    %scan3A_132 = arith.constant 64 : i32
    %scan3A_133 = arith.addi %scan3A_131, %scan3A_132 : i32
    %scan3A_134 = arith.constant 2 : i32
    scf.for %scan3A_200 = %scan3A_131 to %scan3A_133 step %scan3A_134  : i32 {
      %mul3A_201 = arith.constant 128 : i32
      %mul3A_202 = arith.muli %scan3A_200, %mul3A_201 : i32
      %multiple_of3A = tpu.assume_multiple %mul3A_202, 128 : i32
      %add3A_203 = arith.constant 0 : i32
      %add3A_204 = arith.addi %multiple_of3A, %add3A_203 : i32
      %get3A = arith.index_cast %add3A_204 : i32 to index
      %get3A_205 = tpu.vector_load %arg10[%get3A] {strides = array<i32>} : memref<8192xi32, #tpu.memory_space<vmem>>, vector<16xi32>,
      %get3A_206 = vector.shape_cast %get3A_205 : vector<16xi32> to vector<16xi32>
      %shift_left3A = arith.constant 7 : i32
      %shift_left3A_207 = vector.broadcast %shift_left3A : i32 to vector<16xi32>
      %shift_left3A_208 = arith.shli %get3A_206, %shift_left3A_207 : vector<16xi32>
      %add3A_209 = arith.addi %shift_left3A_208, %add3A_5 : vector<16xi32>
      %swap3A = arith.index_cast %add3A_204 : i32 to index
      %swap3A_210 = tpu.vector_load %arg10[%swap3A] {strides = array<i32>} : memref<8192xi32, #tpu.memory_space<vmem>>, vector<16xi32>,
      %swap3A_211 = vector.shape_cast %swap3A_210 : vector<16xi32> to vector<16xi32>
      %swap3A_212 = vector.shape_cast %add3A_209 : vector<16xi32> to vector<16xi32>
      tpu.vector_store %arg10[%swap3A], %swap3A_212 {strides = array<i32>} : memref<8192xi32, #tpu.memory_space<vmem>>, vector<16xi32>,
      %add3A_213 = arith.constant 16 : i32
      %add3A_214 = arith.addi %multiple_of3A, %add3A_213 : i32
      %get3A_215 = arith.index_cast %add3A_214 : i32 to index
      %get3A_216 = tpu.vector_load %arg10[%get3A_215] {strides = array<i32>} : memref<8192xi32, #tpu.memory_space<vmem>>, vector<16xi32>,
      %get3A_217 = vector.shape_cast %get3A_216 : vector<16xi32> to vector<16xi32>
      %shift_left3A_218 = arith.constant 7 : i32
      %shift_left3A_219 = vector.broadcast %shift_left3A_218 : i32 to vector<16xi32>
      %shift_left3A_220 = arith.shli %get3A_217, %shift_left3A_219 : vector<16xi32>
      %add3A_221 = arith.addi %shift_left3A_220, %add3A_8 : vector<16xi32>
      %swap3A_222 = arith.index_cast %add3A_214 : i32 to index
      %swap3A_223 = tpu.vector_load %arg10[%swap3A_222] {strides = array<i32>} : memref<8192xi32, #tpu.memory_space<vmem>>, vector<16xi32>,
      %swap3A_224 = vector.shape_cast %swap3A_223 : vector<16xi32> to vector<16xi32>
      %swap3A_225 = vector.shape_cast %add3A_221 : vector<16xi32> to vector<16xi32>
      tpu.vector_store %arg10[%swap3A_222], %swap3A_225 {strides = array<i32>} : memref<8192xi32, #tpu.memory_space<vmem>>, vector<16xi32>,
      %add3A_226 = arith.constant 32 : i32
      %add3A_227 = arith.addi %multiple_of3A, %add3A_226 : i32
      %get3A_228 = arith.index_cast %add3A_227 : i32 to index
      %get3A_229 = tpu.vector_load %arg10[%get3A_228] {strides = array<i32>} : memref<8192xi32, #tpu.memory_space<vmem>>, vector<16xi32>,
      %get3A_230 = vector.shape_cast %get3A_229 : vector<16xi32> to vector<16xi32>
      %shift_left3A_231 = arith.constant 7 : i32
      %shift_left3A_232 = vector.broadcast %shift_left3A_231 : i32 to vector<16xi32>
      %shift_left3A_233 = arith.shli %get3A_230, %shift_left3A_232 : vector<16xi32>
      %add3A_234 = arith.addi %shift_left3A_233, %add3A_11 : vector<16xi32>
      %swap3A_235 = arith.index_cast %add3A_227 : i32 to index
      %swap3A_236 = tpu.vector_load %arg10[%swap3A_235] {strides = array<i32>} : memref<8192xi32, #tpu.memory_space<vmem>>, vector<16xi32>,
      %swap3A_237 = vector.shape_cast %swap3A_236 : vector<16xi32> to vector<16xi32>
      %swap3A_238 = vector.shape_cast %add3A_234 : vector<16xi32> to vector<16xi32>
      tpu.vector_store %arg10[%swap3A_235], %swap3A_238 {strides = array<i32>} : memref<8192xi32, #tpu.memory_space<vmem>>, vector<16xi32>,
      %add3A_239 = arith.constant 48 : i32
      %add3A_240 = arith.addi %multiple_of3A, %add3A_239 : i32
      %get3A_241 = arith.index_cast %add3A_240 : i32 to index
      %get3A_242 = tpu.vector_load %arg10[%get3A_241] {strides = array<i32>} : memref<8192xi32, #tpu.memory_space<vmem>>, vector<16xi32>,
      %get3A_243 = vector.shape_cast %get3A_242 : vector<16xi32> to vector<16xi32>
      %shift_left3A_244 = arith.constant 7 : i32
      %shift_left3A_245 = vector.broadcast %shift_left3A_244 : i32 to vector<16xi32>
      %shift_left3A_246 = arith.shli %get3A_243, %shift_left3A_245 : vector<16xi32>
      %add3A_247 = arith.addi %shift_left3A_246, %add3A_14 : vector<16xi32>
      %swap3A_248 = arith.index_cast %add3A_240 : i32 to index
      %swap3A_249 = tpu.vector_load %arg10[%swap3A_248] {strides = array<i32>} : memref<8192xi32, #tpu.memory_space<vmem>>, vector<16xi32>,
      %swap3A_250 = vector.shape_cast %swap3A_249 : vector<16xi32> to vector<16xi32>
      %swap3A_251 = vector.shape_cast %add3A_247 : vector<16xi32> to vector<16xi32>
      tpu.vector_store %arg10[%swap3A_248], %swap3A_251 {strides = array<i32>} : memref<8192xi32, #tpu.memory_space<vmem>>, vector<16xi32>,
      %add3A_252 = arith.constant 64 : i32
      %add3A_253 = arith.addi %multiple_of3A, %add3A_252 : i32
      %get3A_254 = arith.index_cast %add3A_253 : i32 to index
      %get3A_255 = tpu.vector_load %arg10[%get3A_254] {strides = array<i32>} : memref<8192xi32, #tpu.memory_space<vmem>>, vector<16xi32>,
      %get3A_256 = vector.shape_cast %get3A_255 : vector<16xi32> to vector<16xi32>
      %shift_left3A_257 = arith.constant 7 : i32
      %shift_left3A_258 = vector.broadcast %shift_left3A_257 : i32 to vector<16xi32>
      %shift_left3A_259 = arith.shli %get3A_256, %shift_left3A_258 : vector<16xi32>
      %add3A_260 = arith.addi %shift_left3A_259, %add3A_17 : vector<16xi32>
      %swap3A_261 = arith.index_cast %add3A_253 : i32 to index
      %swap3A_262 = tpu.vector_load %arg10[%swap3A_261] {strides = array<i32>} : memref<8192xi32, #tpu.memory_space<vmem>>, vector<16xi32>,
      %swap3A_263 = vector.shape_cast %swap3A_262 : vector<16xi32> to vector<16xi32>
      %swap3A_264 = vector.shape_cast %add3A_260 : vector<16xi32> to vector<16xi32>
      tpu.vector_store %arg10[%swap3A_261], %swap3A_264 {strides = array<i32>} : memref<8192xi32, #tpu.memory_space<vmem>>, vector<16xi32>,
      %add3A_265 = arith.constant 80 : i32
      %add3A_266 = arith.addi %multiple_of3A, %add3A_265 : i32
      %get3A_267 = arith.index_cast %add3A_266 : i32 to index
      %get3A_268 = tpu.vector_load %arg10[%get3A_267] {strides = array<i32>} : memref<8192xi32, #tpu.memory_space<vmem>>, vector<16xi32>,
      %get3A_269 = vector.shape_cast %get3A_268 : vector<16xi32> to vector<16xi32>
      %shift_left3A_270 = arith.constant 7 : i32
      %shift_left3A_271 = vector.broadcast %shift_left3A_270 : i32 to vector<16xi32>
      %shift_left3A_272 = arith.shli %get3A_269, %shift_left3A_271 : vector<16xi32>
      %add3A_273 = arith.addi %shift_left3A_272, %add3A_20 : vector<16xi32>
      %swap3A_274 = arith.index_cast %add3A_266 : i32 to index
      %swap3A_275 = tpu.vector_load %arg10[%swap3A_274] {strides = array<i32>} : memref<8192xi32, #tpu.memory_space<vmem>>, vector<16xi32>,
      %swap3A_276 = vector.shape_cast %swap3A_275 : vector<16xi32> to vector<16xi32>
      %swap3A_277 = vector.shape_cast %add3A_273 : vector<16xi32> to vector<16xi32>
      tpu.vector_store %arg10[%swap3A_274], %swap3A_277 {strides = array<i32>} : memref<8192xi32, #tpu.memory_space<vmem>>, vector<16xi32>,
      %add3A_278 = arith.constant 96 : i32
      %add3A_279 = arith.addi %multiple_of3A, %add3A_278 : i32
      %get3A_280 = arith.index_cast %add3A_279 : i32 to index
      %get3A_281 = tpu.vector_load %arg10[%get3A_280] {strides = array<i32>} : memref<8192xi32, #tpu.memory_space<vmem>>, vector<16xi32>,
      %get3A_282 = vector.shape_cast %get3A_281 : vector<16xi32> to vector<16xi32>
      %shift_left3A_283 = arith.constant 7 : i32
      %shift_left3A_284 = vector.broadcast %shift_left3A_283 : i32 to vector<16xi32>
      %shift_left3A_285 = arith.shli %get3A_282, %shift_left3A_284 : vector<16xi32>
      %add3A_286 = arith.addi %shift_left3A_285, %add3A_23 : vector<16xi32>
      %swap3A_287 = arith.index_cast %add3A_279 : i32 to index
      %swap3A_288 = tpu.vector_load %arg10[%swap3A_287] {strides = array<i32>} : memref<8192xi32, #tpu.memory_space<vmem>>, vector<16xi32>,
      %swap3A_289 = vector.shape_cast %swap3A_288 : vector<16xi32> to vector<16xi32>
      %swap3A_290 = vector.shape_cast %add3A_286 : vector<16xi32> to vector<16xi32>
      tpu.vector_store %arg10[%swap3A_287], %swap3A_290 {strides = array<i32>} : memref<8192xi32, #tpu.memory_space<vmem>>, vector<16xi32>,
      %add3A_291 = arith.constant 112 : i32
      %add3A_292 = arith.addi %multiple_of3A, %add3A_291 : i32
      %get3A_293 = arith.index_cast %add3A_292 : i32 to index
      %get3A_294 = tpu.vector_load %arg10[%get3A_293] {strides = array<i32>} : memref<8192xi32, #tpu.memory_space<vmem>>, vector<16xi32>,
      %get3A_295 = vector.shape_cast %get3A_294 : vector<16xi32> to vector<16xi32>
      %shift_left3A_296 = arith.constant 7 : i32
      %shift_left3A_297 = vector.broadcast %shift_left3A_296 : i32 to vector<16xi32>
      %shift_left3A_298 = arith.shli %get3A_295, %shift_left3A_297 : vector<16xi32>
      %add3A_299 = arith.addi %shift_left3A_298, %add3A_26 : vector<16xi32>
      %swap3A_300 = arith.index_cast %add3A_292 : i32 to index
      %swap3A_301 = tpu.vector_load %arg10[%swap3A_300] {strides = array<i32>} : memref<8192xi32, #tpu.memory_space<vmem>>, vector<16xi32>,
      %swap3A_302 = vector.shape_cast %swap3A_301 : vector<16xi32> to vector<16xi32>
      %swap3A_303 = vector.shape_cast %add3A_299 : vector<16xi32> to vector<16xi32>
      tpu.vector_store %arg10[%swap3A_300], %swap3A_303 {strides = array<i32>} : memref<8192xi32, #tpu.memory_space<vmem>>, vector<16xi32>,
      %scan3A_304 = arith.constant 1 : i32
      %scan3A_305 = arith.addi %scan3A_200, %scan3A_304 : i32
      %mul3A_306 = arith.constant 128 : i32
      %mul3A_307 = arith.muli %scan3A_305, %mul3A_306 : i32
      %multiple_of3A_308 = tpu.assume_multiple %mul3A_307, 128 : i32
      %add3A_309 = arith.constant 0 : i32
      %add3A_310 = arith.addi %multiple_of3A_308, %add3A_309 : i32
      %get3A_311 = arith.index_cast %add3A_310 : i32 to index
      %get3A_312 = tpu.vector_load %arg10[%get3A_311] {strides = array<i32>} : memref<8192xi32, #tpu.memory_space<vmem>>, vector<16xi32>,
      %get3A_313 = vector.shape_cast %get3A_312 : vector<16xi32> to vector<16xi32>
      %shift_left3A_314 = arith.constant 7 : i32
      %shift_left3A_315 = vector.broadcast %shift_left3A_314 : i32 to vector<16xi32>
      %shift_left3A_316 = arith.shli %get3A_313, %shift_left3A_315 : vector<16xi32>
      %add3A_317 = arith.addi %shift_left3A_316, %add3A_5 : vector<16xi32>
      %swap3A_318 = arith.index_cast %add3A_310 : i32 to index
      %swap3A_319 = tpu.vector_load %arg10[%swap3A_318] {strides = array<i32>} : memref<8192xi32, #tpu.memory_space<vmem>>, vector<16xi32>,
      %swap3A_320 = vector.shape_cast %swap3A_319 : vector<16xi32> to vector<16xi32>
      %swap3A_321 = vector.shape_cast %add3A_317 : vector<16xi32> to vector<16xi32>
      tpu.vector_store %arg10[%swap3A_318], %swap3A_321 {strides = array<i32>} : memref<8192xi32, #tpu.memory_space<vmem>>, vector<16xi32>,
      %add3A_322 = arith.constant 16 : i32
      %add3A_323 = arith.addi %multiple_of3A_308, %add3A_322 : i32
      %get3A_324 = arith.index_cast %add3A_323 : i32 to index
      %get3A_325 = tpu.vector_load %arg10[%get3A_324] {strides = array<i32>} : memref<8192xi32, #tpu.memory_space<vmem>>, vector<16xi32>,
      %get3A_326 = vector.shape_cast %get3A_325 : vector<16xi32> to vector<16xi32>
      %shift_left3A_327 = arith.constant 7 : i32
      %shift_left3A_328 = vector.broadcast %shift_left3A_327 : i32 to vector<16xi32>
      %shift_left3A_329 = arith.shli %get3A_326, %shift_left3A_328 : vector<16xi32>
      %add3A_330 = arith.addi %shift_left3A_329, %add3A_8 : vector<16xi32>
      %swap3A_331 = arith.index_cast %add3A_323 : i32 to index
      %swap3A_332 = tpu.vector_load %arg10[%swap3A_331] {strides = array<i32>} : memref<8192xi32, #tpu.memory_space<vmem>>, vector<16xi32>,
      %swap3A_333 = vector.shape_cast %swap3A_332 : vector<16xi32> to vector<16xi32>
      %swap3A_334 = vector.shape_cast %add3A_330 : vector<16xi32> to vector<16xi32>
      tpu.vector_store %arg10[%swap3A_331], %swap3A_334 {strides = array<i32>} : memref<8192xi32, #tpu.memory_space<vmem>>, vector<16xi32>,
      %add3A_335 = arith.constant 32 : i32
      %add3A_336 = arith.addi %multiple_of3A_308, %add3A_335 : i32
      %get3A_337 = arith.index_cast %add3A_336 : i32 to index
      %get3A_338 = tpu.vector_load %arg10[%get3A_337] {strides = array<i32>} : memref<8192xi32, #tpu.memory_space<vmem>>, vector<16xi32>,
      %get3A_339 = vector.shape_cast %get3A_338 : vector<16xi32> to vector<16xi32>
      %shift_left3A_340 = arith.constant 7 : i32
      %shift_left3A_341 = vector.broadcast %shift_left3A_340 : i32 to vector<16xi32>
      %shift_left3A_342 = arith.shli %get3A_339, %shift_left3A_341 : vector<16xi32>
      %add3A_343 = arith.addi %shift_left3A_342, %add3A_11 : vector<16xi32>
      %swap3A_344 = arith.index_cast %add3A_336 : i32 to index
      %swap3A_345 = tpu.vector_load %arg10[%swap3A_344] {strides = array<i32>} : memref<8192xi32, #tpu.memory_space<vmem>>, vector<16xi32>,
      %swap3A_346 = vector.shape_cast %swap3A_345 : vector<16xi32> to vector<16xi32>
      %swap3A_347 = vector.shape_cast %add3A_343 : vector<16xi32> to vector<16xi32>
      tpu.vector_store %arg10[%swap3A_344], %swap3A_347 {strides = array<i32>} : memref<8192xi32, #tpu.memory_space<vmem>>, vector<16xi32>,
      %add3A_348 = arith.constant 48 : i32
      %add3A_349 = arith.addi %multiple_of3A_308, %add3A_348 : i32
      %get3A_350 = arith.index_cast %add3A_349 : i32 to index
      %get3A_351 = tpu.vector_load %arg10[%get3A_350] {strides = array<i32>} : memref<8192xi32, #tpu.memory_space<vmem>>, vector<16xi32>,
      %get3A_352 = vector.shape_cast %get3A_351 : vector<16xi32> to vector<16xi32>
      %shift_left3A_353 = arith.constant 7 : i32
      %shift_left3A_354 = vector.broadcast %shift_left3A_353 : i32 to vector<16xi32>
      %shift_left3A_355 = arith.shli %get3A_352, %shift_left3A_354 : vector<16xi32>
      %add3A_356 = arith.addi %shift_left3A_355, %add3A_14 : vector<16xi32>
      %swap3A_357 = arith.index_cast %add3A_349 : i32 to index
      %swap3A_358 = tpu.vector_load %arg10[%swap3A_357] {strides = array<i32>} : memref<8192xi32, #tpu.memory_space<vmem>>, vector<16xi32>,
      %swap3A_359 = vector.shape_cast %swap3A_358 : vector<16xi32> to vector<16xi32>
      %swap3A_360 = vector.shape_cast %add3A_356 : vector<16xi32> to vector<16xi32>
      tpu.vector_store %arg10[%swap3A_357], %swap3A_360 {strides = array<i32>} : memref<8192xi32, #tpu.memory_space<vmem>>, vector<16xi32>,
      %add3A_361 = arith.constant 64 : i32
      %add3A_362 = arith.addi %multiple_of3A_308, %add3A_361 : i32
      %get3A_363 = arith.index_cast %add3A_362 : i32 to index
      %get3A_364 = tpu.vector_load %arg10[%get3A_363] {strides = array<i32>} : memref<8192xi32, #tpu.memory_space<vmem>>, vector<16xi32>,
      %get3A_365 = vector.shape_cast %get3A_364 : vector<16xi32> to vector<16xi32>
      %shift_left3A_366 = arith.constant 7 : i32
      %shift_left3A_367 = vector.broadcast %shift_left3A_366 : i32 to vector<16xi32>
      %shift_left3A_368 = arith.shli %get3A_365, %shift_left3A_367 : vector<16xi32>
      %add3A_369 = arith.addi %shift_left3A_368, %add3A_17 : vector<16xi32>
      %swap3A_370 = arith.index_cast %add3A_362 : i32 to index
      %swap3A_371 = tpu.vector_load %arg10[%swap3A_370] {strides = array<i32>} : memref<8192xi32, #tpu.memory_space<vmem>>, vector<16xi32>,
      %swap3A_372 = vector.shape_cast %swap3A_371 : vector<16xi32> to vector<16xi32>
      %swap3A_373 = vector.shape_cast %add3A_369 : vector<16xi32> to vector<16xi32>
      tpu.vector_store %arg10[%swap3A_370], %swap3A_373 {strides = array<i32>} : memref<8192xi32, #tpu.memory_space<vmem>>, vector<16xi32>,
      %add3A_374 = arith.constant 80 : i32
      %add3A_375 = arith.addi %multiple_of3A_308, %add3A_374 : i32
      %get3A_376 = arith.index_cast %add3A_375 : i32 to index
      %get3A_377 = tpu.vector_load %arg10[%get3A_376] {strides = array<i32>} : memref<8192xi32, #tpu.memory_space<vmem>>, vector<16xi32>,
      %get3A_378 = vector.shape_cast %get3A_377 : vector<16xi32> to vector<16xi32>
      %shift_left3A_379 = arith.constant 7 : i32
      %shift_left3A_380 = vector.broadcast %shift_left3A_379 : i32 to vector<16xi32>
      %shift_left3A_381 = arith.shli %get3A_378, %shift_left3A_380 : vector<16xi32>
      %add3A_382 = arith.addi %shift_left3A_381, %add3A_20 : vector<16xi32>
      %swap3A_383 = arith.index_cast %add3A_375 : i32 to index
      %swap3A_384 = tpu.vector_load %arg10[%swap3A_383] {strides = array<i32>} : memref<8192xi32, #tpu.memory_space<vmem>>, vector<16xi32>,
      %swap3A_385 = vector.shape_cast %swap3A_384 : vector<16xi32> to vector<16xi32>
      %swap3A_386 = vector.shape_cast %add3A_382 : vector<16xi32> to vector<16xi32>
      tpu.vector_store %arg10[%swap3A_383], %swap3A_386 {strides = array<i32>} : memref<8192xi32, #tpu.memory_space<vmem>>, vector<16xi32>,
      %add3A_387 = arith.constant 96 : i32
      %add3A_388 = arith.addi %multiple_of3A_308, %add3A_387 : i32
      %get3A_389 = arith.index_cast %add3A_388 : i32 to index
      %get3A_390 = tpu.vector_load %arg10[%get3A_389] {strides = array<i32>} : memref<8192xi32, #tpu.memory_space<vmem>>, vector<16xi32>,
      %get3A_391 = vector.shape_cast %get3A_390 : vector<16xi32> to vector<16xi32>
      %shift_left3A_392 = arith.constant 7 : i32
      %shift_left3A_393 = vector.broadcast %shift_left3A_392 : i32 to vector<16xi32>
      %shift_left3A_394 = arith.shli %get3A_391, %shift_left3A_393 : vector<16xi32>
      %add3A_395 = arith.addi %shift_left3A_394, %add3A_23 : vector<16xi32>
      %swap3A_396 = arith.index_cast %add3A_388 : i32 to index
      %swap3A_397 = tpu.vector_load %arg10[%swap3A_396] {strides = array<i32>} : memref<8192xi32, #tpu.memory_space<vmem>>, vector<16xi32>,
      %swap3A_398 = vector.shape_cast %swap3A_397 : vector<16xi32> to vector<16xi32>
      %swap3A_399 = vector.shape_cast %add3A_395 : vector<16xi32> to vector<16xi32>
      tpu.vector_store %arg10[%swap3A_396], %swap3A_399 {strides = array<i32>} : memref<8192xi32, #tpu.memory_space<vmem>>, vector<16xi32>,
      %add3A_400 = arith.constant 112 : i32
      %add3A_401 = arith.addi %multiple_of3A_308, %add3A_400 : i32
      %get3A_402 = arith.index_cast %add3A_401 : i32 to index
      %get3A_403 = tpu.vector_load %arg10[%get3A_402] {strides = array<i32>} : memref<8192xi32, #tpu.memory_space<vmem>>, vector<16xi32>,
      %get3A_404 = vector.shape_cast %get3A_403 : vector<16xi32> to vector<16xi32>
      %shift_left3A_405 = arith.constant 7 : i32
      %shift_left3A_406 = vector.broadcast %shift_left3A_405 : i32 to vector<16xi32>
      %shift_left3A_407 = arith.shli %get3A_404, %shift_left3A_406 : vector<16xi32>
      %add3A_408 = arith.addi %shift_left3A_407, %add3A_26 : vector<16xi32>
      %swap3A_409 = arith.index_cast %add3A_401 : i32 to index
      %swap3A_410 = tpu.vector_load %arg10[%swap3A_409] {strides = array<i32>} : memref<8192xi32, #tpu.memory_space<vmem>>, vector<16xi32>,
      %swap3A_411 = vector.shape_cast %swap3A_410 : vector<16xi32> to vector<16xi32>
      %swap3A_412 = vector.shape_cast %add3A_408 : vector<16xi32> to vector<16xi32>
      tpu.vector_store %arg10[%swap3A_409], %swap3A_412 {strides = array<i32>} : memref<8192xi32, #tpu.memory_space<vmem>>, vector<16xi32>,
    }
    %scan3A_135 = arith.constant 64 : i32
    %dma_wait3A_136 = tpu.memref_slice %arg4[%add3A_83] : memref<2097152xf32, #tpu.memory_space<hbm>> -> memref<8192xf32, #tpu.memory_space<hbm>>
    %dma_wait3A_137 = tpu.memref_slice %arg4[%add3A_83] : memref<2097152xf32, #tpu.memory_space<hbm>> -> memref<8192xf32, #tpu.memory_space<hbm>>
    tpu.wait_dma2 semaphore(%arg34 : memref<!tpu.dma_semaphore, #tpu.memory_space<semaphore_mem>>) src(%arg14 : memref<8192xf32, #tpu.memory_space<vmem>>) dst(%dma_wait3A_137 : memref<8192xf32, #tpu.memory_space<hbm>>)
    %dma_start3A_138 = arith.constant 0 : i32
    %dma_start3A_139 = tpu.memref_slice %arg3[%dma_start3A_138] : memref<12800000xf32, #tpu.memory_space<hbm>> -> memref<12800000xf32, #tpu.memory_space<hbm>>
    tpu.enqueue_indirect_dma source(%dma_start3A_139 : memref<12800000xf32, #tpu.memory_space<hbm>>) target(%arg14 : memref<8192xf32, #tpu.memory_space<vmem>>) offsets(%arg10 : memref<8192xi32, #tpu.memory_space<vmem>>) semaphore(%arg30 : memref<!tpu.dma_semaphore, #tpu.memory_space<semaphore_mem>>)
    %add3A_140 = arith.constant 57344 : i32
    %add3A_141 = arith.addi %mul3A_2, %add3A_140 : i32
    %dma_start3A_142 = tpu.memref_slice %arg2[%add3A_141] : memref<2097152xi32, #tpu.memory_space<hbm>> -> memref<8192xi32, #tpu.memory_space<hbm>>
    %dma_start3A_143 = tpu.memref_slice %arg2[%add3A_141] : memref<2097152xi32, #tpu.memory_space<hbm>> -> memref<8192xi32, #tpu.memory_space<hbm>>
    tpu.enqueue_dma source(%dma_start3A_143 : memref<8192xi32, #tpu.memory_space<hbm>>) target(%arg12 : memref<8192xi32, #tpu.memory_space<vmem>>) target_semaphore(%arg24 : memref<!tpu.dma_semaphore, #tpu.memory_space<semaphore_mem>>)
    %dma_wait3A_144 = arith.constant 0 : i32
    %dma_wait3A_145 = tpu.memref_slice %arg3[%dma_wait3A_144] : memref<12800000xf32, #tpu.memory_space<hbm>> -> memref<12800000xf32, #tpu.memory_space<hbm>>
    tpu.wait_indirect_dma semaphore(%arg29 : memref<!tpu.dma_semaphore, #tpu.memory_space<semaphore_mem>>) src(%dma_wait3A_145 : memref<12800000xf32, #tpu.memory_space<hbm>>) dst(%arg13 : memref<8192xf32, #tpu.memory_space<vmem>>)
    %add3A_146 = arith.constant 32768 : i32
    %add3A_147 = arith.addi %mul3A_2, %add3A_146 : i32
    %dma_start3A_148 = tpu.memref_slice %arg4[%add3A_147] : memref<2097152xf32, #tpu.memory_space<hbm>> -> memref<8192xf32, #tpu.memory_space<hbm>>
    %dma_start3A_149 = tpu.memref_slice %arg4[%add3A_147] : memref<2097152xf32, #tpu.memory_space<hbm>> -> memref<8192xf32, #tpu.memory_space<hbm>>
    tpu.enqueue_dma source(%arg13 : memref<8192xf32, #tpu.memory_space<vmem>>) target(%dma_start3A_149 : memref<8192xf32, #tpu.memory_space<hbm>>) target_semaphore(%arg37 : memref<!tpu.dma_semaphore, #tpu.memory_space<semaphore_mem>>)
    %dma_wait3A_150 = tpu.memref_slice %arg2[%add3A_119] : memref<2097152xi32, #tpu.memory_space<hbm>> -> memref<8192xi32, #tpu.memory_space<hbm>>
    %dma_wait3A_151 = tpu.memref_slice %arg2[%add3A_119] : memref<2097152xi32, #tpu.memory_space<hbm>> -> memref<8192xi32, #tpu.memory_space<hbm>>
    tpu.wait_dma2 semaphore(%arg23 : memref<!tpu.dma_semaphore, #tpu.memory_space<semaphore_mem>>) src(%dma_wait3A_151 : memref<8192xi32, #tpu.memory_space<hbm>>) dst(%arg11 : memref<8192xi32, #tpu.memory_space<vmem>>)
    %scan3A_152 = arith.constant 0 : i32
    %scan3A_153 = arith.constant 0 : i32
    %scan3A_154 = arith.constant 64 : i32
    %scan3A_155 = arith.addi %scan3A_153, %scan3A_154 : i32
    %scan3A_156 = arith.constant 2 : i32
    scf.for %scan3A_200 = %scan3A_153 to %scan3A_155 step %scan3A_156  : i32 {
      %mul3A_201 = arith.constant 128 : i32
      %mul3A_202 = arith.muli %scan3A_200, %mul3A_201 : i32
      %multiple_of3A = tpu.assume_multiple %mul3A_202, 128 : i32
      %add3A_203 = arith.constant 0 : i32
      %add3A_204 = arith.addi %multiple_of3A, %add3A_203 : i32
      %get3A = arith.index_cast %add3A_204 : i32 to index
      %get3A_205 = tpu.vector_load %arg11[%get3A] {strides = array<i32>} : memref<8192xi32, #tpu.memory_space<vmem>>, vector<16xi32>,
      %get3A_206 = vector.shape_cast %get3A_205 : vector<16xi32> to vector<16xi32>
      %shift_left3A = arith.constant 7 : i32
      %shift_left3A_207 = vector.broadcast %shift_left3A : i32 to vector<16xi32>
      %shift_left3A_208 = arith.shli %get3A_206, %shift_left3A_207 : vector<16xi32>
      %add3A_209 = arith.addi %shift_left3A_208, %add3A_5 : vector<16xi32>
      %swap3A = arith.index_cast %add3A_204 : i32 to index
      %swap3A_210 = tpu.vector_load %arg11[%swap3A] {strides = array<i32>} : memref<8192xi32, #tpu.memory_space<vmem>>, vector<16xi32>,
      %swap3A_211 = vector.shape_cast %swap3A_210 : vector<16xi32> to vector<16xi32>
      %swap3A_212 = vector.shape_cast %add3A_209 : vector<16xi32> to vector<16xi32>
      tpu.vector_store %arg11[%swap3A], %swap3A_212 {strides = array<i32>} : memref<8192xi32, #tpu.memory_space<vmem>>, vector<16xi32>,
      %add3A_213 = arith.constant 16 : i32
      %add3A_214 = arith.addi %multiple_of3A, %add3A_213 : i32
      %get3A_215 = arith.index_cast %add3A_214 : i32 to index
      %get3A_216 = tpu.vector_load %arg11[%get3A_215] {strides = array<i32>} : memref<8192xi32, #tpu.memory_space<vmem>>, vector<16xi32>,
      %get3A_217 = vector.shape_cast %get3A_216 : vector<16xi32> to vector<16xi32>
      %shift_left3A_218 = arith.constant 7 : i32
      %shift_left3A_219 = vector.broadcast %shift_left3A_218 : i32 to vector<16xi32>
      %shift_left3A_220 = arith.shli %get3A_217, %shift_left3A_219 : vector<16xi32>
      %add3A_221 = arith.addi %shift_left3A_220, %add3A_8 : vector<16xi32>
      %swap3A_222 = arith.index_cast %add3A_214 : i32 to index
      %swap3A_223 = tpu.vector_load %arg11[%swap3A_222] {strides = array<i32>} : memref<8192xi32, #tpu.memory_space<vmem>>, vector<16xi32>,
      %swap3A_224 = vector.shape_cast %swap3A_223 : vector<16xi32> to vector<16xi32>
      %swap3A_225 = vector.shape_cast %add3A_221 : vector<16xi32> to vector<16xi32>
      tpu.vector_store %arg11[%swap3A_222], %swap3A_225 {strides = array<i32>} : memref<8192xi32, #tpu.memory_space<vmem>>, vector<16xi32>,
      %add3A_226 = arith.constant 32 : i32
      %add3A_227 = arith.addi %multiple_of3A, %add3A_226 : i32
      %get3A_228 = arith.index_cast %add3A_227 : i32 to index
      %get3A_229 = tpu.vector_load %arg11[%get3A_228] {strides = array<i32>} : memref<8192xi32, #tpu.memory_space<vmem>>, vector<16xi32>,
      %get3A_230 = vector.shape_cast %get3A_229 : vector<16xi32> to vector<16xi32>
      %shift_left3A_231 = arith.constant 7 : i32
      %shift_left3A_232 = vector.broadcast %shift_left3A_231 : i32 to vector<16xi32>
      %shift_left3A_233 = arith.shli %get3A_230, %shift_left3A_232 : vector<16xi32>
      %add3A_234 = arith.addi %shift_left3A_233, %add3A_11 : vector<16xi32>
      %swap3A_235 = arith.index_cast %add3A_227 : i32 to index
      %swap3A_236 = tpu.vector_load %arg11[%swap3A_235] {strides = array<i32>} : memref<8192xi32, #tpu.memory_space<vmem>>, vector<16xi32>,
      %swap3A_237 = vector.shape_cast %swap3A_236 : vector<16xi32> to vector<16xi32>
      %swap3A_238 = vector.shape_cast %add3A_234 : vector<16xi32> to vector<16xi32>
      tpu.vector_store %arg11[%swap3A_235], %swap3A_238 {strides = array<i32>} : memref<8192xi32, #tpu.memory_space<vmem>>, vector<16xi32>,
      %add3A_239 = arith.constant 48 : i32
      %add3A_240 = arith.addi %multiple_of3A, %add3A_239 : i32
      %get3A_241 = arith.index_cast %add3A_240 : i32 to index
      %get3A_242 = tpu.vector_load %arg11[%get3A_241] {strides = array<i32>} : memref<8192xi32, #tpu.memory_space<vmem>>, vector<16xi32>,
      %get3A_243 = vector.shape_cast %get3A_242 : vector<16xi32> to vector<16xi32>
      %shift_left3A_244 = arith.constant 7 : i32
      %shift_left3A_245 = vector.broadcast %shift_left3A_244 : i32 to vector<16xi32>
      %shift_left3A_246 = arith.shli %get3A_243, %shift_left3A_245 : vector<16xi32>
      %add3A_247 = arith.addi %shift_left3A_246, %add3A_14 : vector<16xi32>
      %swap3A_248 = arith.index_cast %add3A_240 : i32 to index
      %swap3A_249 = tpu.vector_load %arg11[%swap3A_248] {strides = array<i32>} : memref<8192xi32, #tpu.memory_space<vmem>>, vector<16xi32>,
      %swap3A_250 = vector.shape_cast %swap3A_249 : vector<16xi32> to vector<16xi32>
      %swap3A_251 = vector.shape_cast %add3A_247 : vector<16xi32> to vector<16xi32>
      tpu.vector_store %arg11[%swap3A_248], %swap3A_251 {strides = array<i32>} : memref<8192xi32, #tpu.memory_space<vmem>>, vector<16xi32>,
      %add3A_252 = arith.constant 64 : i32
      %add3A_253 = arith.addi %multiple_of3A, %add3A_252 : i32
      %get3A_254 = arith.index_cast %add3A_253 : i32 to index
      %get3A_255 = tpu.vector_load %arg11[%get3A_254] {strides = array<i32>} : memref<8192xi32, #tpu.memory_space<vmem>>, vector<16xi32>,
      %get3A_256 = vector.shape_cast %get3A_255 : vector<16xi32> to vector<16xi32>
      %shift_left3A_257 = arith.constant 7 : i32
      %shift_left3A_258 = vector.broadcast %shift_left3A_257 : i32 to vector<16xi32>
      %shift_left3A_259 = arith.shli %get3A_256, %shift_left3A_258 : vector<16xi32>
      %add3A_260 = arith.addi %shift_left3A_259, %add3A_17 : vector<16xi32>
      %swap3A_261 = arith.index_cast %add3A_253 : i32 to index
      %swap3A_262 = tpu.vector_load %arg11[%swap3A_261] {strides = array<i32>} : memref<8192xi32, #tpu.memory_space<vmem>>, vector<16xi32>,
      %swap3A_263 = vector.shape_cast %swap3A_262 : vector<16xi32> to vector<16xi32>
      %swap3A_264 = vector.shape_cast %add3A_260 : vector<16xi32> to vector<16xi32>
      tpu.vector_store %arg11[%swap3A_261], %swap3A_264 {strides = array<i32>} : memref<8192xi32, #tpu.memory_space<vmem>>, vector<16xi32>,
      %add3A_265 = arith.constant 80 : i32
      %add3A_266 = arith.addi %multiple_of3A, %add3A_265 : i32
      %get3A_267 = arith.index_cast %add3A_266 : i32 to index
      %get3A_268 = tpu.vector_load %arg11[%get3A_267] {strides = array<i32>} : memref<8192xi32, #tpu.memory_space<vmem>>, vector<16xi32>,
      %get3A_269 = vector.shape_cast %get3A_268 : vector<16xi32> to vector<16xi32>
      %shift_left3A_270 = arith.constant 7 : i32
      %shift_left3A_271 = vector.broadcast %shift_left3A_270 : i32 to vector<16xi32>
      %shift_left3A_272 = arith.shli %get3A_269, %shift_left3A_271 : vector<16xi32>
      %add3A_273 = arith.addi %shift_left3A_272, %add3A_20 : vector<16xi32>
      %swap3A_274 = arith.index_cast %add3A_266 : i32 to index
      %swap3A_275 = tpu.vector_load %arg11[%swap3A_274] {strides = array<i32>} : memref<8192xi32, #tpu.memory_space<vmem>>, vector<16xi32>,
      %swap3A_276 = vector.shape_cast %swap3A_275 : vector<16xi32> to vector<16xi32>
      %swap3A_277 = vector.shape_cast %add3A_273 : vector<16xi32> to vector<16xi32>
      tpu.vector_store %arg11[%swap3A_274], %swap3A_277 {strides = array<i32>} : memref<8192xi32, #tpu.memory_space<vmem>>, vector<16xi32>,
      %add3A_278 = arith.constant 96 : i32
      %add3A_279 = arith.addi %multiple_of3A, %add3A_278 : i32
      %get3A_280 = arith.index_cast %add3A_279 : i32 to index
      %get3A_281 = tpu.vector_load %arg11[%get3A_280] {strides = array<i32>} : memref<8192xi32, #tpu.memory_space<vmem>>, vector<16xi32>,
      %get3A_282 = vector.shape_cast %get3A_281 : vector<16xi32> to vector<16xi32>
      %shift_left3A_283 = arith.constant 7 : i32
      %shift_left3A_284 = vector.broadcast %shift_left3A_283 : i32 to vector<16xi32>
      %shift_left3A_285 = arith.shli %get3A_282, %shift_left3A_284 : vector<16xi32>
      %add3A_286 = arith.addi %shift_left3A_285, %add3A_23 : vector<16xi32>
      %swap3A_287 = arith.index_cast %add3A_279 : i32 to index
      %swap3A_288 = tpu.vector_load %arg11[%swap3A_287] {strides = array<i32>} : memref<8192xi32, #tpu.memory_space<vmem>>, vector<16xi32>,
      %swap3A_289 = vector.shape_cast %swap3A_288 : vector<16xi32> to vector<16xi32>
      %swap3A_290 = vector.shape_cast %add3A_286 : vector<16xi32> to vector<16xi32>
      tpu.vector_store %arg11[%swap3A_287], %swap3A_290 {strides = array<i32>} : memref<8192xi32, #tpu.memory_space<vmem>>, vector<16xi32>,
      %add3A_291 = arith.constant 112 : i32
      %add3A_292 = arith.addi %multiple_of3A, %add3A_291 : i32
      %get3A_293 = arith.index_cast %add3A_292 : i32 to index
      %get3A_294 = tpu.vector_load %arg11[%get3A_293] {strides = array<i32>} : memref<8192xi32, #tpu.memory_space<vmem>>, vector<16xi32>,
      %get3A_295 = vector.shape_cast %get3A_294 : vector<16xi32> to vector<16xi32>
      %shift_left3A_296 = arith.constant 7 : i32
      %shift_left3A_297 = vector.broadcast %shift_left3A_296 : i32 to vector<16xi32>
      %shift_left3A_298 = arith.shli %get3A_295, %shift_left3A_297 : vector<16xi32>
      %add3A_299 = arith.addi %shift_left3A_298, %add3A_26 : vector<16xi32>
      %swap3A_300 = arith.index_cast %add3A_292 : i32 to index
      %swap3A_301 = tpu.vector_load %arg11[%swap3A_300] {strides = array<i32>} : memref<8192xi32, #tpu.memory_space<vmem>>, vector<16xi32>,
      %swap3A_302 = vector.shape_cast %swap3A_301 : vector<16xi32> to vector<16xi32>
      %swap3A_303 = vector.shape_cast %add3A_299 : vector<16xi32> to vector<16xi32>
      tpu.vector_store %arg11[%swap3A_300], %swap3A_303 {strides = array<i32>} : memref<8192xi32, #tpu.memory_space<vmem>>, vector<16xi32>,
      %scan3A_304 = arith.constant 1 : i32
      %scan3A_305 = arith.addi %scan3A_200, %scan3A_304 : i32
      %mul3A_306 = arith.constant 128 : i32
      %mul3A_307 = arith.muli %scan3A_305, %mul3A_306 : i32
      %multiple_of3A_308 = tpu.assume_multiple %mul3A_307, 128 : i32
      %add3A_309 = arith.constant 0 : i32
      %add3A_310 = arith.addi %multiple_of3A_308, %add3A_309 : i32
      %get3A_311 = arith.index_cast %add3A_310 : i32 to index
      %get3A_312 = tpu.vector_load %arg11[%get3A_311] {strides = array<i32>} : memref<8192xi32, #tpu.memory_space<vmem>>, vector<16xi32>,
      %get3A_313 = vector.shape_cast %get3A_312 : vector<16xi32> to vector<16xi32>
      %shift_left3A_314 = arith.constant 7 : i32
      %shift_left3A_315 = vector.broadcast %shift_left3A_314 : i32 to vector<16xi32>
      %shift_left3A_316 = arith.shli %get3A_313, %shift_left3A_315 : vector<16xi32>
      %add3A_317 = arith.addi %shift_left3A_316, %add3A_5 : vector<16xi32>
      %swap3A_318 = arith.index_cast %add3A_310 : i32 to index
      %swap3A_319 = tpu.vector_load %arg11[%swap3A_318] {strides = array<i32>} : memref<8192xi32, #tpu.memory_space<vmem>>, vector<16xi32>,
      %swap3A_320 = vector.shape_cast %swap3A_319 : vector<16xi32> to vector<16xi32>
      %swap3A_321 = vector.shape_cast %add3A_317 : vector<16xi32> to vector<16xi32>
      tpu.vector_store %arg11[%swap3A_318], %swap3A_321 {strides = array<i32>} : memref<8192xi32, #tpu.memory_space<vmem>>, vector<16xi32>,
      %add3A_322 = arith.constant 16 : i32
      %add3A_323 = arith.addi %multiple_of3A_308, %add3A_322 : i32
      %get3A_324 = arith.index_cast %add3A_323 : i32 to index
      %get3A_325 = tpu.vector_load %arg11[%get3A_324] {strides = array<i32>} : memref<8192xi32, #tpu.memory_space<vmem>>, vector<16xi32>,
      %get3A_326 = vector.shape_cast %get3A_325 : vector<16xi32> to vector<16xi32>
      %shift_left3A_327 = arith.constant 7 : i32
      %shift_left3A_328 = vector.broadcast %shift_left3A_327 : i32 to vector<16xi32>
      %shift_left3A_329 = arith.shli %get3A_326, %shift_left3A_328 : vector<16xi32>
      %add3A_330 = arith.addi %shift_left3A_329, %add3A_8 : vector<16xi32>
      %swap3A_331 = arith.index_cast %add3A_323 : i32 to index
      %swap3A_332 = tpu.vector_load %arg11[%swap3A_331] {strides = array<i32>} : memref<8192xi32, #tpu.memory_space<vmem>>, vector<16xi32>,
      %swap3A_333 = vector.shape_cast %swap3A_332 : vector<16xi32> to vector<16xi32>
      %swap3A_334 = vector.shape_cast %add3A_330 : vector<16xi32> to vector<16xi32>
      tpu.vector_store %arg11[%swap3A_331], %swap3A_334 {strides = array<i32>} : memref<8192xi32, #tpu.memory_space<vmem>>, vector<16xi32>,
      %add3A_335 = arith.constant 32 : i32
      %add3A_336 = arith.addi %multiple_of3A_308, %add3A_335 : i32
      %get3A_337 = arith.index_cast %add3A_336 : i32 to index
      %get3A_338 = tpu.vector_load %arg11[%get3A_337] {strides = array<i32>} : memref<8192xi32, #tpu.memory_space<vmem>>, vector<16xi32>,
      %get3A_339 = vector.shape_cast %get3A_338 : vector<16xi32> to vector<16xi32>
      %shift_left3A_340 = arith.constant 7 : i32
      %shift_left3A_341 = vector.broadcast %shift_left3A_340 : i32 to vector<16xi32>
      %shift_left3A_342 = arith.shli %get3A_339, %shift_left3A_341 : vector<16xi32>
      %add3A_343 = arith.addi %shift_left3A_342, %add3A_11 : vector<16xi32>
      %swap3A_344 = arith.index_cast %add3A_336 : i32 to index
      %swap3A_345 = tpu.vector_load %arg11[%swap3A_344] {strides = array<i32>} : memref<8192xi32, #tpu.memory_space<vmem>>, vector<16xi32>,
      %swap3A_346 = vector.shape_cast %swap3A_345 : vector<16xi32> to vector<16xi32>
      %swap3A_347 = vector.shape_cast %add3A_343 : vector<16xi32> to vector<16xi32>
      tpu.vector_store %arg11[%swap3A_344], %swap3A_347 {strides = array<i32>} : memref<8192xi32, #tpu.memory_space<vmem>>, vector<16xi32>,
      %add3A_348 = arith.constant 48 : i32
      %add3A_349 = arith.addi %multiple_of3A_308, %add3A_348 : i32
      %get3A_350 = arith.index_cast %add3A_349 : i32 to index
      %get3A_351 = tpu.vector_load %arg11[%get3A_350] {strides = array<i32>} : memref<8192xi32, #tpu.memory_space<vmem>>, vector<16xi32>,
      %get3A_352 = vector.shape_cast %get3A_351 : vector<16xi32> to vector<16xi32>
      %shift_left3A_353 = arith.constant 7 : i32
      %shift_left3A_354 = vector.broadcast %shift_left3A_353 : i32 to vector<16xi32>
      %shift_left3A_355 = arith.shli %get3A_352, %shift_left3A_354 : vector<16xi32>
      %add3A_356 = arith.addi %shift_left3A_355, %add3A_14 : vector<16xi32>
      %swap3A_357 = arith.index_cast %add3A_349 : i32 to index
      %swap3A_358 = tpu.vector_load %arg11[%swap3A_357] {strides = array<i32>} : memref<8192xi32, #tpu.memory_space<vmem>>, vector<16xi32>,
      %swap3A_359 = vector.shape_cast %swap3A_358 : vector<16xi32> to vector<16xi32>
      %swap3A_360 = vector.shape_cast %add3A_356 : vector<16xi32> to vector<16xi32>
      tpu.vector_store %arg11[%swap3A_357], %swap3A_360 {strides = array<i32>} : memref<8192xi32, #tpu.memory_space<vmem>>, vector<16xi32>,
      %add3A_361 = arith.constant 64 : i32
      %add3A_362 = arith.addi %multiple_of3A_308, %add3A_361 : i32
      %get3A_363 = arith.index_cast %add3A_362 : i32 to index
      %get3A_364 = tpu.vector_load %arg11[%get3A_363] {strides = array<i32>} : memref<8192xi32, #tpu.memory_space<vmem>>, vector<16xi32>,
      %get3A_365 = vector.shape_cast %get3A_364 : vector<16xi32> to vector<16xi32>
      %shift_left3A_366 = arith.constant 7 : i32
      %shift_left3A_367 = vector.broadcast %shift_left3A_366 : i32 to vector<16xi32>
      %shift_left3A_368 = arith.shli %get3A_365, %shift_left3A_367 : vector<16xi32>
      %add3A_369 = arith.addi %shift_left3A_368, %add3A_17 : vector<16xi32>
      %swap3A_370 = arith.index_cast %add3A_362 : i32 to index
      %swap3A_371 = tpu.vector_load %arg11[%swap3A_370] {strides = array<i32>} : memref<8192xi32, #tpu.memory_space<vmem>>, vector<16xi32>,
      %swap3A_372 = vector.shape_cast %swap3A_371 : vector<16xi32> to vector<16xi32>
      %swap3A_373 = vector.shape_cast %add3A_369 : vector<16xi32> to vector<16xi32>
      tpu.vector_store %arg11[%swap3A_370], %swap3A_373 {strides = array<i32>} : memref<8192xi32, #tpu.memory_space<vmem>>, vector<16xi32>,
      %add3A_374 = arith.constant 80 : i32
      %add3A_375 = arith.addi %multiple_of3A_308, %add3A_374 : i32
      %get3A_376 = arith.index_cast %add3A_375 : i32 to index
      %get3A_377 = tpu.vector_load %arg11[%get3A_376] {strides = array<i32>} : memref<8192xi32, #tpu.memory_space<vmem>>, vector<16xi32>,
      %get3A_378 = vector.shape_cast %get3A_377 : vector<16xi32> to vector<16xi32>
      %shift_left3A_379 = arith.constant 7 : i32
      %shift_left3A_380 = vector.broadcast %shift_left3A_379 : i32 to vector<16xi32>
      %shift_left3A_381 = arith.shli %get3A_378, %shift_left3A_380 : vector<16xi32>
      %add3A_382 = arith.addi %shift_left3A_381, %add3A_20 : vector<16xi32>
      %swap3A_383 = arith.index_cast %add3A_375 : i32 to index
      %swap3A_384 = tpu.vector_load %arg11[%swap3A_383] {strides = array<i32>} : memref<8192xi32, #tpu.memory_space<vmem>>, vector<16xi32>,
      %swap3A_385 = vector.shape_cast %swap3A_384 : vector<16xi32> to vector<16xi32>
      %swap3A_386 = vector.shape_cast %add3A_382 : vector<16xi32> to vector<16xi32>
      tpu.vector_store %arg11[%swap3A_383], %swap3A_386 {strides = array<i32>} : memref<8192xi32, #tpu.memory_space<vmem>>, vector<16xi32>,
      %add3A_387 = arith.constant 96 : i32
      %add3A_388 = arith.addi %multiple_of3A_308, %add3A_387 : i32
      %get3A_389 = arith.index_cast %add3A_388 : i32 to index
      %get3A_390 = tpu.vector_load %arg11[%get3A_389] {strides = array<i32>} : memref<8192xi32, #tpu.memory_space<vmem>>, vector<16xi32>,
      %get3A_391 = vector.shape_cast %get3A_390 : vector<16xi32> to vector<16xi32>
      %shift_left3A_392 = arith.constant 7 : i32
      %shift_left3A_393 = vector.broadcast %shift_left3A_392 : i32 to vector<16xi32>
      %shift_left3A_394 = arith.shli %get3A_391, %shift_left3A_393 : vector<16xi32>
      %add3A_395 = arith.addi %shift_left3A_394, %add3A_23 : vector<16xi32>
      %swap3A_396 = arith.index_cast %add3A_388 : i32 to index
      %swap3A_397 = tpu.vector_load %arg11[%swap3A_396] {strides = array<i32>} : memref<8192xi32, #tpu.memory_space<vmem>>, vector<16xi32>,
      %swap3A_398 = vector.shape_cast %swap3A_397 : vector<16xi32> to vector<16xi32>
      %swap3A_399 = vector.shape_cast %add3A_395 : vector<16xi32> to vector<16xi32>
      tpu.vector_store %arg11[%swap3A_396], %swap3A_399 {strides = array<i32>} : memref<8192xi32, #tpu.memory_space<vmem>>, vector<16xi32>,
      %add3A_400 = arith.constant 112 : i32
      %add3A_401 = arith.addi %multiple_of3A_308, %add3A_400 : i32
      %get3A_402 = arith.index_cast %add3A_401 : i32 to index
      %get3A_403 = tpu.vector_load %arg11[%get3A_402] {strides = array<i32>} : memref<8192xi32, #tpu.memory_space<vmem>>, vector<16xi32>,
      %get3A_404 = vector.shape_cast %get3A_403 : vector<16xi32> to vector<16xi32>
      %shift_left3A_405 = arith.constant 7 : i32
      %shift_left3A_406 = vector.broadcast %shift_left3A_405 : i32 to vector<16xi32>
      %shift_left3A_407 = arith.shli %get3A_404, %shift_left3A_406 : vector<16xi32>
      %add3A_408 = arith.addi %shift_left3A_407, %add3A_26 : vector<16xi32>
      %swap3A_409 = arith.index_cast %add3A_401 : i32 to index
      %swap3A_410 = tpu.vector_load %arg11[%swap3A_409] {strides = array<i32>} : memref<8192xi32, #tpu.memory_space<vmem>>, vector<16xi32>,
      %swap3A_411 = vector.shape_cast %swap3A_410 : vector<16xi32> to vector<16xi32>
      %swap3A_412 = vector.shape_cast %add3A_408 : vector<16xi32> to vector<16xi32>
      tpu.vector_store %arg11[%swap3A_409], %swap3A_412 {strides = array<i32>} : memref<8192xi32, #tpu.memory_space<vmem>>, vector<16xi32>,
    }
    %scan3A_157 = arith.constant 64 : i32
    %dma_wait3A_158 = tpu.memref_slice %arg4[%add3A_103] : memref<2097152xf32, #tpu.memory_space<hbm>> -> memref<8192xf32, #tpu.memory_space<hbm>>
    %dma_wait3A_159 = tpu.memref_slice %arg4[%add3A_103] : memref<2097152xf32, #tpu.memory_space<hbm>> -> memref<8192xf32, #tpu.memory_space<hbm>>
    tpu.wait_dma2 semaphore(%arg35 : memref<!tpu.dma_semaphore, #tpu.memory_space<semaphore_mem>>) src(%arg15 : memref<8192xf32, #tpu.memory_space<vmem>>) dst(%dma_wait3A_159 : memref<8192xf32, #tpu.memory_space<hbm>>)
    %dma_start3A_160 = arith.constant 0 : i32
    %dma_start3A_161 = tpu.memref_slice %arg3[%dma_start3A_160] : memref<12800000xf32, #tpu.memory_space<hbm>> -> memref<12800000xf32, #tpu.memory_space<hbm>>
    tpu.enqueue_indirect_dma source(%dma_start3A_161 : memref<12800000xf32, #tpu.memory_space<hbm>>) target(%arg15 : memref<8192xf32, #tpu.memory_space<vmem>>) offsets(%arg11 : memref<8192xi32, #tpu.memory_space<vmem>>) semaphore(%arg31 : memref<!tpu.dma_semaphore, #tpu.memory_space<semaphore_mem>>)
    %dma_wait3A_162 = arith.constant 0 : i32
    %dma_wait3A_163 = tpu.memref_slice %arg3[%dma_wait3A_162] : memref<12800000xf32, #tpu.memory_space<hbm>> -> memref<12800000xf32, #tpu.memory_space<hbm>>
    tpu.wait_indirect_dma semaphore(%arg30 : memref<!tpu.dma_semaphore, #tpu.memory_space<semaphore_mem>>) src(%dma_wait3A_163 : memref<12800000xf32, #tpu.memory_space<hbm>>) dst(%arg14 : memref<8192xf32, #tpu.memory_space<vmem>>)
    %add3A_164 = arith.constant 40960 : i32
    %add3A_165 = arith.addi %mul3A_2, %add3A_164 : i32
    %dma_start3A_166 = tpu.memref_slice %arg4[%add3A_165] : memref<2097152xf32, #tpu.memory_space<hbm>> -> memref<8192xf32, #tpu.memory_space<hbm>>
    %dma_start3A_167 = tpu.memref_slice %arg4[%add3A_165] : memref<2097152xf32, #tpu.memory_space<hbm>> -> memref<8192xf32, #tpu.memory_space<hbm>>
    tpu.enqueue_dma source(%arg14 : memref<8192xf32, #tpu.memory_space<vmem>>) target(%dma_start3A_167 : memref<8192xf32, #tpu.memory_space<hbm>>) target_semaphore(%arg38 : memref<!tpu.dma_semaphore, #tpu.memory_space<semaphore_mem>>)
    %dma_wait3A_168 = tpu.memref_slice %arg2[%add3A_141] : memref<2097152xi32, #tpu.memory_space<hbm>> -> memref<8192xi32, #tpu.memory_space<hbm>>
    %dma_wait3A_169 = tpu.memref_slice %arg2[%add3A_141] : memref<2097152xi32, #tpu.memory_space<hbm>> -> memref<8192xi32, #tpu.memory_space<hbm>>
    tpu.wait_dma2 semaphore(%arg24 : memref<!tpu.dma_semaphore, #tpu.memory_space<semaphore_mem>>) src(%dma_wait3A_169 : memref<8192xi32, #tpu.memory_space<hbm>>) dst(%arg12 : memref<8192xi32, #tpu.memory_space<vmem>>)
    %scan3A_170 = arith.constant 0 : i32
    %scan3A_171 = arith.constant 0 : i32
    %scan3A_172 = arith.constant 64 : i32
    %scan3A_173 = arith.addi %scan3A_171, %scan3A_172 : i32
    %scan3A_174 = arith.constant 2 : i32
    scf.for %scan3A_200 = %scan3A_171 to %scan3A_173 step %scan3A_174  : i32 {
      %mul3A_201 = arith.constant 128 : i32
      %mul3A_202 = arith.muli %scan3A_200, %mul3A_201 : i32
      %multiple_of3A = tpu.assume_multiple %mul3A_202, 128 : i32
      %add3A_203 = arith.constant 0 : i32
      %add3A_204 = arith.addi %multiple_of3A, %add3A_203 : i32
      %get3A = arith.index_cast %add3A_204 : i32 to index
      %get3A_205 = tpu.vector_load %arg12[%get3A] {strides = array<i32>} : memref<8192xi32, #tpu.memory_space<vmem>>, vector<16xi32>,
      %get3A_206 = vector.shape_cast %get3A_205 : vector<16xi32> to vector<16xi32>
      %shift_left3A = arith.constant 7 : i32
      %shift_left3A_207 = vector.broadcast %shift_left3A : i32 to vector<16xi32>
      %shift_left3A_208 = arith.shli %get3A_206, %shift_left3A_207 : vector<16xi32>
      %add3A_209 = arith.addi %shift_left3A_208, %add3A_5 : vector<16xi32>
      %swap3A = arith.index_cast %add3A_204 : i32 to index
      %swap3A_210 = tpu.vector_load %arg12[%swap3A] {strides = array<i32>} : memref<8192xi32, #tpu.memory_space<vmem>>, vector<16xi32>,
      %swap3A_211 = vector.shape_cast %swap3A_210 : vector<16xi32> to vector<16xi32>
      %swap3A_212 = vector.shape_cast %add3A_209 : vector<16xi32> to vector<16xi32>
      tpu.vector_store %arg12[%swap3A], %swap3A_212 {strides = array<i32>} : memref<8192xi32, #tpu.memory_space<vmem>>, vector<16xi32>,
      %add3A_213 = arith.constant 16 : i32
      %add3A_214 = arith.addi %multiple_of3A, %add3A_213 : i32
      %get3A_215 = arith.index_cast %add3A_214 : i32 to index
      %get3A_216 = tpu.vector_load %arg12[%get3A_215] {strides = array<i32>} : memref<8192xi32, #tpu.memory_space<vmem>>, vector<16xi32>,
      %get3A_217 = vector.shape_cast %get3A_216 : vector<16xi32> to vector<16xi32>
      %shift_left3A_218 = arith.constant 7 : i32
      %shift_left3A_219 = vector.broadcast %shift_left3A_218 : i32 to vector<16xi32>
      %shift_left3A_220 = arith.shli %get3A_217, %shift_left3A_219 : vector<16xi32>
      %add3A_221 = arith.addi %shift_left3A_220, %add3A_8 : vector<16xi32>
      %swap3A_222 = arith.index_cast %add3A_214 : i32 to index
      %swap3A_223 = tpu.vector_load %arg12[%swap3A_222] {strides = array<i32>} : memref<8192xi32, #tpu.memory_space<vmem>>, vector<16xi32>,
      %swap3A_224 = vector.shape_cast %swap3A_223 : vector<16xi32> to vector<16xi32>
      %swap3A_225 = vector.shape_cast %add3A_221 : vector<16xi32> to vector<16xi32>
      tpu.vector_store %arg12[%swap3A_222], %swap3A_225 {strides = array<i32>} : memref<8192xi32, #tpu.memory_space<vmem>>, vector<16xi32>,
      %add3A_226 = arith.constant 32 : i32
      %add3A_227 = arith.addi %multiple_of3A, %add3A_226 : i32
      %get3A_228 = arith.index_cast %add3A_227 : i32 to index
      %get3A_229 = tpu.vector_load %arg12[%get3A_228] {strides = array<i32>} : memref<8192xi32, #tpu.memory_space<vmem>>, vector<16xi32>,
      %get3A_230 = vector.shape_cast %get3A_229 : vector<16xi32> to vector<16xi32>
      %shift_left3A_231 = arith.constant 7 : i32
      %shift_left3A_232 = vector.broadcast %shift_left3A_231 : i32 to vector<16xi32>
      %shift_left3A_233 = arith.shli %get3A_230, %shift_left3A_232 : vector<16xi32>
      %add3A_234 = arith.addi %shift_left3A_233, %add3A_11 : vector<16xi32>
      %swap3A_235 = arith.index_cast %add3A_227 : i32 to index
      %swap3A_236 = tpu.vector_load %arg12[%swap3A_235] {strides = array<i32>} : memref<8192xi32, #tpu.memory_space<vmem>>, vector<16xi32>,
      %swap3A_237 = vector.shape_cast %swap3A_236 : vector<16xi32> to vector<16xi32>
      %swap3A_238 = vector.shape_cast %add3A_234 : vector<16xi32> to vector<16xi32>
      tpu.vector_store %arg12[%swap3A_235], %swap3A_238 {strides = array<i32>} : memref<8192xi32, #tpu.memory_space<vmem>>, vector<16xi32>,
      %add3A_239 = arith.constant 48 : i32
      %add3A_240 = arith.addi %multiple_of3A, %add3A_239 : i32
      %get3A_241 = arith.index_cast %add3A_240 : i32 to index
      %get3A_242 = tpu.vector_load %arg12[%get3A_241] {strides = array<i32>} : memref<8192xi32, #tpu.memory_space<vmem>>, vector<16xi32>,
      %get3A_243 = vector.shape_cast %get3A_242 : vector<16xi32> to vector<16xi32>
      %shift_left3A_244 = arith.constant 7 : i32
      %shift_left3A_245 = vector.broadcast %shift_left3A_244 : i32 to vector<16xi32>
      %shift_left3A_246 = arith.shli %get3A_243, %shift_left3A_245 : vector<16xi32>
      %add3A_247 = arith.addi %shift_left3A_246, %add3A_14 : vector<16xi32>
      %swap3A_248 = arith.index_cast %add3A_240 : i32 to index
      %swap3A_249 = tpu.vector_load %arg12[%swap3A_248] {strides = array<i32>} : memref<8192xi32, #tpu.memory_space<vmem>>, vector<16xi32>,
      %swap3A_250 = vector.shape_cast %swap3A_249 : vector<16xi32> to vector<16xi32>
      %swap3A_251 = vector.shape_cast %add3A_247 : vector<16xi32> to vector<16xi32>
      tpu.vector_store %arg12[%swap3A_248], %swap3A_251 {strides = array<i32>} : memref<8192xi32, #tpu.memory_space<vmem>>, vector<16xi32>,
      %add3A_252 = arith.constant 64 : i32
      %add3A_253 = arith.addi %multiple_of3A, %add3A_252 : i32
      %get3A_254 = arith.index_cast %add3A_253 : i32 to index
      %get3A_255 = tpu.vector_load %arg12[%get3A_254] {strides = array<i32>} : memref<8192xi32, #tpu.memory_space<vmem>>, vector<16xi32>,
      %get3A_256 = vector.shape_cast %get3A_255 : vector<16xi32> to vector<16xi32>
      %shift_left3A_257 = arith.constant 7 : i32
      %shift_left3A_258 = vector.broadcast %shift_left3A_257 : i32 to vector<16xi32>
      %shift_left3A_259 = arith.shli %get3A_256, %shift_left3A_258 : vector<16xi32>
      %add3A_260 = arith.addi %shift_left3A_259, %add3A_17 : vector<16xi32>
      %swap3A_261 = arith.index_cast %add3A_253 : i32 to index
      %swap3A_262 = tpu.vector_load %arg12[%swap3A_261] {strides = array<i32>} : memref<8192xi32, #tpu.memory_space<vmem>>, vector<16xi32>,
      %swap3A_263 = vector.shape_cast %swap3A_262 : vector<16xi32> to vector<16xi32>
      %swap3A_264 = vector.shape_cast %add3A_260 : vector<16xi32> to vector<16xi32>
      tpu.vector_store %arg12[%swap3A_261], %swap3A_264 {strides = array<i32>} : memref<8192xi32, #tpu.memory_space<vmem>>, vector<16xi32>,
      %add3A_265 = arith.constant 80 : i32
      %add3A_266 = arith.addi %multiple_of3A, %add3A_265 : i32
      %get3A_267 = arith.index_cast %add3A_266 : i32 to index
      %get3A_268 = tpu.vector_load %arg12[%get3A_267] {strides = array<i32>} : memref<8192xi32, #tpu.memory_space<vmem>>, vector<16xi32>,
      %get3A_269 = vector.shape_cast %get3A_268 : vector<16xi32> to vector<16xi32>
      %shift_left3A_270 = arith.constant 7 : i32
      %shift_left3A_271 = vector.broadcast %shift_left3A_270 : i32 to vector<16xi32>
      %shift_left3A_272 = arith.shli %get3A_269, %shift_left3A_271 : vector<16xi32>
      %add3A_273 = arith.addi %shift_left3A_272, %add3A_20 : vector<16xi32>
      %swap3A_274 = arith.index_cast %add3A_266 : i32 to index
      %swap3A_275 = tpu.vector_load %arg12[%swap3A_274] {strides = array<i32>} : memref<8192xi32, #tpu.memory_space<vmem>>, vector<16xi32>,
      %swap3A_276 = vector.shape_cast %swap3A_275 : vector<16xi32> to vector<16xi32>
      %swap3A_277 = vector.shape_cast %add3A_273 : vector<16xi32> to vector<16xi32>
      tpu.vector_store %arg12[%swap3A_274], %swap3A_277 {strides = array<i32>} : memref<8192xi32, #tpu.memory_space<vmem>>, vector<16xi32>,
      %add3A_278 = arith.constant 96 : i32
      %add3A_279 = arith.addi %multiple_of3A, %add3A_278 : i32
      %get3A_280 = arith.index_cast %add3A_279 : i32 to index
      %get3A_281 = tpu.vector_load %arg12[%get3A_280] {strides = array<i32>} : memref<8192xi32, #tpu.memory_space<vmem>>, vector<16xi32>,
      %get3A_282 = vector.shape_cast %get3A_281 : vector<16xi32> to vector<16xi32>
      %shift_left3A_283 = arith.constant 7 : i32
      %shift_left3A_284 = vector.broadcast %shift_left3A_283 : i32 to vector<16xi32>
      %shift_left3A_285 = arith.shli %get3A_282, %shift_left3A_284 : vector<16xi32>
      %add3A_286 = arith.addi %shift_left3A_285, %add3A_23 : vector<16xi32>
      %swap3A_287 = arith.index_cast %add3A_279 : i32 to index
      %swap3A_288 = tpu.vector_load %arg12[%swap3A_287] {strides = array<i32>} : memref<8192xi32, #tpu.memory_space<vmem>>, vector<16xi32>,
      %swap3A_289 = vector.shape_cast %swap3A_288 : vector<16xi32> to vector<16xi32>
      %swap3A_290 = vector.shape_cast %add3A_286 : vector<16xi32> to vector<16xi32>
      tpu.vector_store %arg12[%swap3A_287], %swap3A_290 {strides = array<i32>} : memref<8192xi32, #tpu.memory_space<vmem>>, vector<16xi32>,
      %add3A_291 = arith.constant 112 : i32
      %add3A_292 = arith.addi %multiple_of3A, %add3A_291 : i32
      %get3A_293 = arith.index_cast %add3A_292 : i32 to index
      %get3A_294 = tpu.vector_load %arg12[%get3A_293] {strides = array<i32>} : memref<8192xi32, #tpu.memory_space<vmem>>, vector<16xi32>,
      %get3A_295 = vector.shape_cast %get3A_294 : vector<16xi32> to vector<16xi32>
      %shift_left3A_296 = arith.constant 7 : i32
      %shift_left3A_297 = vector.broadcast %shift_left3A_296 : i32 to vector<16xi32>
      %shift_left3A_298 = arith.shli %get3A_295, %shift_left3A_297 : vector<16xi32>
      %add3A_299 = arith.addi %shift_left3A_298, %add3A_26 : vector<16xi32>
      %swap3A_300 = arith.index_cast %add3A_292 : i32 to index
      %swap3A_301 = tpu.vector_load %arg12[%swap3A_300] {strides = array<i32>} : memref<8192xi32, #tpu.memory_space<vmem>>, vector<16xi32>,
      %swap3A_302 = vector.shape_cast %swap3A_301 : vector<16xi32> to vector<16xi32>
      %swap3A_303 = vector.shape_cast %add3A_299 : vector<16xi32> to vector<16xi32>
      tpu.vector_store %arg12[%swap3A_300], %swap3A_303 {strides = array<i32>} : memref<8192xi32, #tpu.memory_space<vmem>>, vector<16xi32>,
      %scan3A_304 = arith.constant 1 : i32
      %scan3A_305 = arith.addi %scan3A_200, %scan3A_304 : i32
      %mul3A_306 = arith.constant 128 : i32
      %mul3A_307 = arith.muli %scan3A_305, %mul3A_306 : i32
      %multiple_of3A_308 = tpu.assume_multiple %mul3A_307, 128 : i32
      %add3A_309 = arith.constant 0 : i32
      %add3A_310 = arith.addi %multiple_of3A_308, %add3A_309 : i32
      %get3A_311 = arith.index_cast %add3A_310 : i32 to index
      %get3A_312 = tpu.vector_load %arg12[%get3A_311] {strides = array<i32>} : memref<8192xi32, #tpu.memory_space<vmem>>, vector<16xi32>,
      %get3A_313 = vector.shape_cast %get3A_312 : vector<16xi32> to vector<16xi32>
      %shift_left3A_314 = arith.constant 7 : i32
      %shift_left3A_315 = vector.broadcast %shift_left3A_314 : i32 to vector<16xi32>
      %shift_left3A_316 = arith.shli %get3A_313, %shift_left3A_315 : vector<16xi32>
      %add3A_317 = arith.addi %shift_left3A_316, %add3A_5 : vector<16xi32>
      %swap3A_318 = arith.index_cast %add3A_310 : i32 to index
      %swap3A_319 = tpu.vector_load %arg12[%swap3A_318] {strides = array<i32>} : memref<8192xi32, #tpu.memory_space<vmem>>, vector<16xi32>,
      %swap3A_320 = vector.shape_cast %swap3A_319 : vector<16xi32> to vector<16xi32>
      %swap3A_321 = vector.shape_cast %add3A_317 : vector<16xi32> to vector<16xi32>
      tpu.vector_store %arg12[%swap3A_318], %swap3A_321 {strides = array<i32>} : memref<8192xi32, #tpu.memory_space<vmem>>, vector<16xi32>,
      %add3A_322 = arith.constant 16 : i32
      %add3A_323 = arith.addi %multiple_of3A_308, %add3A_322 : i32
      %get3A_324 = arith.index_cast %add3A_323 : i32 to index
      %get3A_325 = tpu.vector_load %arg12[%get3A_324] {strides = array<i32>} : memref<8192xi32, #tpu.memory_space<vmem>>, vector<16xi32>,
      %get3A_326 = vector.shape_cast %get3A_325 : vector<16xi32> to vector<16xi32>
      %shift_left3A_327 = arith.constant 7 : i32
      %shift_left3A_328 = vector.broadcast %shift_left3A_327 : i32 to vector<16xi32>
      %shift_left3A_329 = arith.shli %get3A_326, %shift_left3A_328 : vector<16xi32>
      %add3A_330 = arith.addi %shift_left3A_329, %add3A_8 : vector<16xi32>
      %swap3A_331 = arith.index_cast %add3A_323 : i32 to index
      %swap3A_332 = tpu.vector_load %arg12[%swap3A_331] {strides = array<i32>} : memref<8192xi32, #tpu.memory_space<vmem>>, vector<16xi32>,
      %swap3A_333 = vector.shape_cast %swap3A_332 : vector<16xi32> to vector<16xi32>
      %swap3A_334 = vector.shape_cast %add3A_330 : vector<16xi32> to vector<16xi32>
      tpu.vector_store %arg12[%swap3A_331], %swap3A_334 {strides = array<i32>} : memref<8192xi32, #tpu.memory_space<vmem>>, vector<16xi32>,
      %add3A_335 = arith.constant 32 : i32
      %add3A_336 = arith.addi %multiple_of3A_308, %add3A_335 : i32
      %get3A_337 = arith.index_cast %add3A_336 : i32 to index
      %get3A_338 = tpu.vector_load %arg12[%get3A_337] {strides = array<i32>} : memref<8192xi32, #tpu.memory_space<vmem>>, vector<16xi32>,
      %get3A_339 = vector.shape_cast %get3A_338 : vector<16xi32> to vector<16xi32>
      %shift_left3A_340 = arith.constant 7 : i32
      %shift_left3A_341 = vector.broadcast %shift_left3A_340 : i32 to vector<16xi32>
      %shift_left3A_342 = arith.shli %get3A_339, %shift_left3A_341 : vector<16xi32>
      %add3A_343 = arith.addi %shift_left3A_342, %add3A_11 : vector<16xi32>
      %swap3A_344 = arith.index_cast %add3A_336 : i32 to index
      %swap3A_345 = tpu.vector_load %arg12[%swap3A_344] {strides = array<i32>} : memref<8192xi32, #tpu.memory_space<vmem>>, vector<16xi32>,
      %swap3A_346 = vector.shape_cast %swap3A_345 : vector<16xi32> to vector<16xi32>
      %swap3A_347 = vector.shape_cast %add3A_343 : vector<16xi32> to vector<16xi32>
      tpu.vector_store %arg12[%swap3A_344], %swap3A_347 {strides = array<i32>} : memref<8192xi32, #tpu.memory_space<vmem>>, vector<16xi32>,
      %add3A_348 = arith.constant 48 : i32
      %add3A_349 = arith.addi %multiple_of3A_308, %add3A_348 : i32
      %get3A_350 = arith.index_cast %add3A_349 : i32 to index
      %get3A_351 = tpu.vector_load %arg12[%get3A_350] {strides = array<i32>} : memref<8192xi32, #tpu.memory_space<vmem>>, vector<16xi32>,
      %get3A_352 = vector.shape_cast %get3A_351 : vector<16xi32> to vector<16xi32>
      %shift_left3A_353 = arith.constant 7 : i32
      %shift_left3A_354 = vector.broadcast %shift_left3A_353 : i32 to vector<16xi32>
      %shift_left3A_355 = arith.shli %get3A_352, %shift_left3A_354 : vector<16xi32>
      %add3A_356 = arith.addi %shift_left3A_355, %add3A_14 : vector<16xi32>
      %swap3A_357 = arith.index_cast %add3A_349 : i32 to index
      %swap3A_358 = tpu.vector_load %arg12[%swap3A_357] {strides = array<i32>} : memref<8192xi32, #tpu.memory_space<vmem>>, vector<16xi32>,
      %swap3A_359 = vector.shape_cast %swap3A_358 : vector<16xi32> to vector<16xi32>
      %swap3A_360 = vector.shape_cast %add3A_356 : vector<16xi32> to vector<16xi32>
      tpu.vector_store %arg12[%swap3A_357], %swap3A_360 {strides = array<i32>} : memref<8192xi32, #tpu.memory_space<vmem>>, vector<16xi32>,
      %add3A_361 = arith.constant 64 : i32
      %add3A_362 = arith.addi %multiple_of3A_308, %add3A_361 : i32
      %get3A_363 = arith.index_cast %add3A_362 : i32 to index
      %get3A_364 = tpu.vector_load %arg12[%get3A_363] {strides = array<i32>} : memref<8192xi32, #tpu.memory_space<vmem>>, vector<16xi32>,
      %get3A_365 = vector.shape_cast %get3A_364 : vector<16xi32> to vector<16xi32>
      %shift_left3A_366 = arith.constant 7 : i32
      %shift_left3A_367 = vector.broadcast %shift_left3A_366 : i32 to vector<16xi32>
      %shift_left3A_368 = arith.shli %get3A_365, %shift_left3A_367 : vector<16xi32>
      %add3A_369 = arith.addi %shift_left3A_368, %add3A_17 : vector<16xi32>
      %swap3A_370 = arith.index_cast %add3A_362 : i32 to index
      %swap3A_371 = tpu.vector_load %arg12[%swap3A_370] {strides = array<i32>} : memref<8192xi32, #tpu.memory_space<vmem>>, vector<16xi32>,
      %swap3A_372 = vector.shape_cast %swap3A_371 : vector<16xi32> to vector<16xi32>
      %swap3A_373 = vector.shape_cast %add3A_369 : vector<16xi32> to vector<16xi32>
      tpu.vector_store %arg12[%swap3A_370], %swap3A_373 {strides = array<i32>} : memref<8192xi32, #tpu.memory_space<vmem>>, vector<16xi32>,
      %add3A_374 = arith.constant 80 : i32
      %add3A_375 = arith.addi %multiple_of3A_308, %add3A_374 : i32
      %get3A_376 = arith.index_cast %add3A_375 : i32 to index
      %get3A_377 = tpu.vector_load %arg12[%get3A_376] {strides = array<i32>} : memref<8192xi32, #tpu.memory_space<vmem>>, vector<16xi32>,
      %get3A_378 = vector.shape_cast %get3A_377 : vector<16xi32> to vector<16xi32>
      %shift_left3A_379 = arith.constant 7 : i32
      %shift_left3A_380 = vector.broadcast %shift_left3A_379 : i32 to vector<16xi32>
      %shift_left3A_381 = arith.shli %get3A_378, %shift_left3A_380 : vector<16xi32>
      %add3A_382 = arith.addi %shift_left3A_381, %add3A_20 : vector<16xi32>
      %swap3A_383 = arith.index_cast %add3A_375 : i32 to index
      %swap3A_384 = tpu.vector_load %arg12[%swap3A_383] {strides = array<i32>} : memref<8192xi32, #tpu.memory_space<vmem>>, vector<16xi32>,
      %swap3A_385 = vector.shape_cast %swap3A_384 : vector<16xi32> to vector<16xi32>
      %swap3A_386 = vector.shape_cast %add3A_382 : vector<16xi32> to vector<16xi32>
      tpu.vector_store %arg12[%swap3A_383], %swap3A_386 {strides = array<i32>} : memref<8192xi32, #tpu.memory_space<vmem>>, vector<16xi32>,
      %add3A_387 = arith.constant 96 : i32
      %add3A_388 = arith.addi %multiple_of3A_308, %add3A_387 : i32
      %get3A_389 = arith.index_cast %add3A_388 : i32 to index
      %get3A_390 = tpu.vector_load %arg12[%get3A_389] {strides = array<i32>} : memref<8192xi32, #tpu.memory_space<vmem>>, vector<16xi32>,
      %get3A_391 = vector.shape_cast %get3A_390 : vector<16xi32> to vector<16xi32>
      %shift_left3A_392 = arith.constant 7 : i32
      %shift_left3A_393 = vector.broadcast %shift_left3A_392 : i32 to vector<16xi32>
      %shift_left3A_394 = arith.shli %get3A_391, %shift_left3A_393 : vector<16xi32>
      %add3A_395 = arith.addi %shift_left3A_394, %add3A_23 : vector<16xi32>
      %swap3A_396 = arith.index_cast %add3A_388 : i32 to index
      %swap3A_397 = tpu.vector_load %arg12[%swap3A_396] {strides = array<i32>} : memref<8192xi32, #tpu.memory_space<vmem>>, vector<16xi32>,
      %swap3A_398 = vector.shape_cast %swap3A_397 : vector<16xi32> to vector<16xi32>
      %swap3A_399 = vector.shape_cast %add3A_395 : vector<16xi32> to vector<16xi32>
      tpu.vector_store %arg12[%swap3A_396], %swap3A_399 {strides = array<i32>} : memref<8192xi32, #tpu.memory_space<vmem>>, vector<16xi32>,
      %add3A_400 = arith.constant 112 : i32
      %add3A_401 = arith.addi %multiple_of3A_308, %add3A_400 : i32
      %get3A_402 = arith.index_cast %add3A_401 : i32 to index
      %get3A_403 = tpu.vector_load %arg12[%get3A_402] {strides = array<i32>} : memref<8192xi32, #tpu.memory_space<vmem>>, vector<16xi32>,
      %get3A_404 = vector.shape_cast %get3A_403 : vector<16xi32> to vector<16xi32>
      %shift_left3A_405 = arith.constant 7 : i32
      %shift_left3A_406 = vector.broadcast %shift_left3A_405 : i32 to vector<16xi32>
      %shift_left3A_407 = arith.shli %get3A_404, %shift_left3A_406 : vector<16xi32>
      %add3A_408 = arith.addi %shift_left3A_407, %add3A_26 : vector<16xi32>
      %swap3A_409 = arith.index_cast %add3A_401 : i32 to index
      %swap3A_410 = tpu.vector_load %arg12[%swap3A_409] {strides = array<i32>} : memref<8192xi32, #tpu.memory_space<vmem>>, vector<16xi32>,
      %swap3A_411 = vector.shape_cast %swap3A_410 : vector<16xi32> to vector<16xi32>
      %swap3A_412 = vector.shape_cast %add3A_408 : vector<16xi32> to vector<16xi32>
      tpu.vector_store %arg12[%swap3A_409], %swap3A_412 {strides = array<i32>} : memref<8192xi32, #tpu.memory_space<vmem>>, vector<16xi32>,
    }
    %scan3A_175 = arith.constant 64 : i32
    %dma_wait3A_176 = tpu.memref_slice %arg4[%add3A_125] : memref<2097152xf32, #tpu.memory_space<hbm>> -> memref<8192xf32, #tpu.memory_space<hbm>>
    %dma_wait3A_177 = tpu.memref_slice %arg4[%add3A_125] : memref<2097152xf32, #tpu.memory_space<hbm>> -> memref<8192xf32, #tpu.memory_space<hbm>>
    tpu.wait_dma2 semaphore(%arg36 : memref<!tpu.dma_semaphore, #tpu.memory_space<semaphore_mem>>) src(%arg16 : memref<8192xf32, #tpu.memory_space<vmem>>) dst(%dma_wait3A_177 : memref<8192xf32, #tpu.memory_space<hbm>>)
    %dma_start3A_178 = arith.constant 0 : i32
    %dma_start3A_179 = tpu.memref_slice %arg3[%dma_start3A_178] : memref<12800000xf32, #tpu.memory_space<hbm>> -> memref<12800000xf32, #tpu.memory_space<hbm>>
    tpu.enqueue_indirect_dma source(%dma_start3A_179 : memref<12800000xf32, #tpu.memory_space<hbm>>) target(%arg16 : memref<8192xf32, #tpu.memory_space<vmem>>) offsets(%arg12 : memref<8192xi32, #tpu.memory_space<vmem>>) semaphore(%arg32 : memref<!tpu.dma_semaphore, #tpu.memory_space<semaphore_mem>>)
    %dma_wait3A_180 = arith.constant 0 : i32
    %dma_wait3A_181 = tpu.memref_slice %arg3[%dma_wait3A_180] : memref<12800000xf32, #tpu.memory_space<hbm>> -> memref<12800000xf32, #tpu.memory_space<hbm>>
    tpu.wait_indirect_dma semaphore(%arg31 : memref<!tpu.dma_semaphore, #tpu.memory_space<semaphore_mem>>) src(%dma_wait3A_181 : memref<12800000xf32, #tpu.memory_space<hbm>>) dst(%arg15 : memref<8192xf32, #tpu.memory_space<vmem>>)
    %add3A_182 = arith.constant 49152 : i32
    %add3A_183 = arith.addi %mul3A_2, %add3A_182 : i32
    %dma_start3A_184 = tpu.memref_slice %arg4[%add3A_183] : memref<2097152xf32, #tpu.memory_space<hbm>> -> memref<8192xf32, #tpu.memory_space<hbm>>
    %dma_start3A_185 = tpu.memref_slice %arg4[%add3A_183] : memref<2097152xf32, #tpu.memory_space<hbm>> -> memref<8192xf32, #tpu.memory_space<hbm>>
    tpu.enqueue_dma source(%arg15 : memref<8192xf32, #tpu.memory_space<vmem>>) target(%dma_start3A_185 : memref<8192xf32, #tpu.memory_space<hbm>>) target_semaphore(%arg39 : memref<!tpu.dma_semaphore, #tpu.memory_space<semaphore_mem>>)
    %dma_wait3A_186 = arith.constant 0 : i32
    %dma_wait3A_187 = tpu.memref_slice %arg3[%dma_wait3A_186] : memref<12800000xf32, #tpu.memory_space<hbm>> -> memref<12800000xf32, #tpu.memory_space<hbm>>
    tpu.wait_indirect_dma semaphore(%arg32 : memref<!tpu.dma_semaphore, #tpu.memory_space<semaphore_mem>>) src(%dma_wait3A_187 : memref<12800000xf32, #tpu.memory_space<hbm>>) dst(%arg16 : memref<8192xf32, #tpu.memory_space<vmem>>)
    %add3A_188 = arith.constant 57344 : i32
    %add3A_189 = arith.addi %mul3A_2, %add3A_188 : i32
    %dma_start3A_190 = tpu.memref_slice %arg4[%add3A_189] : memref<2097152xf32, #tpu.memory_space<hbm>> -> memref<8192xf32, #tpu.memory_space<hbm>>
    %dma_start3A_191 = tpu.memref_slice %arg4[%add3A_189] : memref<2097152xf32, #tpu.memory_space<hbm>> -> memref<8192xf32, #tpu.memory_space<hbm>>
    tpu.enqueue_dma source(%arg16 : memref<8192xf32, #tpu.memory_space<vmem>>) target(%dma_start3A_191 : memref<8192xf32, #tpu.memory_space<hbm>>) target_semaphore(%arg40 : memref<!tpu.dma_semaphore, #tpu.memory_space<semaphore_mem>>)
    %dma_wait3A_192 = tpu.memref_slice %arg4[%add3A_147] : memref<2097152xf32, #tpu.memory_space<hbm>> -> memref<8192xf32, #tpu.memory_space<hbm>>
    %dma_wait3A_193 = tpu.memref_slice %arg4[%add3A_147] : memref<2097152xf32, #tpu.memory_space<hbm>> -> memref<8192xf32, #tpu.memory_space<hbm>>
    tpu.wait_dma2 semaphore(%arg37 : memref<!tpu.dma_semaphore, #tpu.memory_space<semaphore_mem>>) src(%arg13 : memref<8192xf32, #tpu.memory_space<vmem>>) dst(%dma_wait3A_193 : memref<8192xf32, #tpu.memory_space<hbm>>)
    %dma_wait3A_194 = tpu.memref_slice %arg4[%add3A_165] : memref<2097152xf32, #tpu.memory_space<hbm>> -> memref<8192xf32, #tpu.memory_space<hbm>>
    %dma_wait3A_195 = tpu.memref_slice %arg4[%add3A_165] : memref<2097152xf32, #tpu.memory_space<hbm>> -> memref<8192xf32, #tpu.memory_space<hbm>>
    tpu.wait_dma2 semaphore(%arg38 : memref<!tpu.dma_semaphore, #tpu.memory_space<semaphore_mem>>) src(%arg14 : memref<8192xf32, #tpu.memory_space<vmem>>) dst(%dma_wait3A_195 : memref<8192xf32, #tpu.memory_space<hbm>>)
    %dma_wait3A_196 = tpu.memref_slice %arg4[%add3A_183] : memref<2097152xf32, #tpu.memory_space<hbm>> -> memref<8192xf32, #tpu.memory_space<hbm>>
    %dma_wait3A_197 = tpu.memref_slice %arg4[%add3A_183] : memref<2097152xf32, #tpu.memory_space<hbm>> -> memref<8192xf32, #tpu.memory_space<hbm>>
    tpu.wait_dma2 semaphore(%arg39 : memref<!tpu.dma_semaphore, #tpu.memory_space<semaphore_mem>>) src(%arg15 : memref<8192xf32, #tpu.memory_space<vmem>>) dst(%dma_wait3A_197 : memref<8192xf32, #tpu.memory_space<hbm>>)
    %dma_wait3A_198 = tpu.memref_slice %arg4[%add3A_189] : memref<2097152xf32, #tpu.memory_space<hbm>> -> memref<8192xf32, #tpu.memory_space<hbm>>
    %dma_wait3A_199 = tpu.memref_slice %arg4[%add3A_189] : memref<2097152xf32, #tpu.memory_space<hbm>> -> memref<8192xf32, #tpu.memory_space<hbm>>
    tpu.wait_dma2 semaphore(%arg40 : memref<!tpu.dma_semaphore, #tpu.memory_space<semaphore_mem>>) src(%arg16 : memref<8192xf32, #tpu.memory_space<vmem>>) dst(%dma_wait3A_199 : memref<8192xf32, #tpu.memory_space<hbm>>)
    return
  }
}

</mosaic_0001>

<sc_bundles>
// kernel: kernel.3.cloned.1.call-start
scs
__scs_entry_jumppad:
0x0: {  	(pc) =	sbr.rel $0x88, $3  }
0x1: {  	(tag) =	ssettag $0x0;
	lr =	simm.s32 $0x1  }
0x2: {  	[smem:$0x3F9F] =	sst lr;
	_ =	strace $0xD0000000  }
0x3: {  	_ = 	snop  }
0x4: {  	_ = 	snop  }
0x5: {  	_ = 	snop  }
0x6: {  	_ = 	snop  }
0x7: {  	_ = 	snop  }
__scs_overlays_trampoline_lowered:
0x8: {  	[smem:$0x3FAE] =	sst s0  }
0x9: {  	[smem:$0x3FAF] =	sst s1  }
0xa: {  	[smem:$0x3FB0] =	sst s2  }
0xb: {  	[smem:$0x3FB1] =	sst s3  }
0xc: {  	[smem:$0x3FB2] =	sst s4  }
0xd: {  	[smem:$0x3FB3] =	sst s5  }
0xe: {  	[smem:$0x3FB4] =	sst s6  }
0xf: {  	[smem:$0x3FB5] =	sst s7  }
0x10: {  	[smem:$0x3FB6] =	sst s8  }
0x11: {  	[smem:$0x3FB7] =	sst s9;
	s0 =	simm.s32 @!p0 $0x0  }
0x12: {  	s1 =	sld [smem:$0x3F9D];
	s0 =	simm.s32 @p0 $0x1  }
0x13: {  	[smem:$0x3FB8] =	sst s0;
	s0 =	simm.s32 @!p1 $0x0  }
0x14: {  	s2 =	sld [smem:$0x3F9C];
	s0 =	simm.s32 @p1 $0x1  }
0x15: {  	[smem:$0x3FB9] =	sst s0;
	s0 =	simm.s32 @!p2 $0x0  }
0x16: {  	s3 =	sld [smem:$0x3FDB];
	s0 =	simm.s32 @p2 $0x1  }
0x17: {  	s4 =	simm.s32 $0x1BF5;
	[smem:$0x3FBB] =	sst s0  }
0x18: {  	s0 =	sld [smem:$0x3F9E];
	_ =	swait.ge [sflag:s4], $0x0  }
0x19: {  	s7 =	sld [smem:$0x3F9F]  }
0x1a: {  	s8 =	sadd.s32 $0xFFFFE003, lr  }
0x1b: {  	s9 =	sadd.s32 $0xFFFFFEF7, lr;
	s5 =	simm.s32 $0xFFFFFFFF;
	p2 =	slt.u32 s8, $0xFFFFF086  }
0x1c: {  	p1 =	slt.u32 s9, $0xF7A;
	s5 =	simm.s32 @!p2 $0x0  }
0x1d: {  	s5 =	simm.s32 @p1 $0x1;
	p0 =	seq.s32 s7, s2  }
0x1e: {  	s7 =	smul.u32 @!p0 $0xF7A, s2;
	p2 =	seq.s32 @!p0 s5, $0x0  }
0x1f: {  	s9 =	smul.u32 $0xF7A, s1;
	s8 =	simm.s32 @!p0 $0x1BF5;
	p2 =	por !p2, p0  }
0x20: {  	[sflag:s8] =	ssyncset.s32 @!p0 $0xFFFFF086;
	s6 =	sadd.s32 @!p0 s3, s7;
	s7 =	simm.s32 @!p0 $0x108  }
0x21: {  	s3 =	sadd.s32 s3, s9;
	s6 =	sadd.s32 @!p0 $0x88, s6;
	s7 =	simm.s32 @p2 $0x1082  }
0x22: {  	[simem:s7], [sflag:s8] =	dma.local @!p0 [hbm:s6], $0xF7A  }
0x23: {  	s9 =	sor.u32 $0xD0000000, s2;
	s6 =	simm.s32 $0x108;
	_ =	swait.ge @!p0 [sflag:s8], $0x0  }
0x24: {  	s3 =	sadd.s32 $0x88, s3;
	s6 =	simm.s32 @!p1 $0x1082;
	[sflag:s4] =	ssyncset.s32 $0xFFFFF086  }
0x25: {  	[simem:s6], [sflag:s4] =	dma.local [hbm:s3], $0xF7A  }
0x26: {  	[smem:$0x3F9F] =	sst s1;
	(tag) =	ssettag s2;
	_ =	strace s9  }
0x27: {  	s1 =	sld [smem:$0x3FAF]  }
0x28: {  	s2 =	sld [smem:$0x3FB0]  }
0x29: {  	s4 =	sld [smem:$0x3FB2]  }
0x2a: {  	p0 =	seq.s32 s5, $0x0;
	s5 =	sld [smem:$0x3FB3]  }
0x2b: {  	s6 =	sld [smem:$0x3FB4]  }
0x2c: {  	s7 =	sld [smem:$0x3FB5]  }
0x2d: {  	s3 =	simm.s32 $0x108;
	s8 =	sld [smem:$0x3FB6]  }
0x2e: {  	s3 =	simm.s32 @!p0 $0x1082;
	s9 =	sld [smem:$0x3FB7]  }
0x2f: {  	lr =	sadd.s32 s0, s3;
	s0 =	sld [smem:$0x3FAE]  }
0x30: {  	s3 =	sld [smem:$0x3FB1]  }
0x31: {  	[smem:$0x3FBA] =	sst s10  }
0x32: {  	s10 =	sld [smem:$0x3FB8];
	_ =	sdelay $0x3  }
0x33: {  	p0 =	seq.s32 s10, $0x1;
	s10 =	sld [smem:$0x3FBA];
	_ =	sdelay $0x3  }
0x34: {  	[smem:$0x3FBA] =	sst s10  }
0x35: {  	s10 =	sld [smem:$0x3FB9];
	_ =	sdelay $0x3  }
0x36: {  	p1 =	seq.s32 s10, $0x1;
	s10 =	sld [smem:$0x3FBA];
	_ =	sdelay $0x3  }
0x37: {  	[smem:$0x3FBA] =	sst s10  }
0x38: {  	s10 =	sld [smem:$0x3FBB]  }
0x39: {  	_ = 	snop;
	(pc) =	sbr.ind lr, $3  }
0x3a: {  	_ = 	snop  }
0x3b: {  	_ = 	snop  }
0x3c: {  	p2 =	seq.s32 s10, $0x1;
	s10 =	sld [smem:$0x3FBA]  }
0x3d: {  	_ =	shalt  }
0x3e: {  	_ =	shalt  }
0x3f: {  	_ =	shalt  }
0x40: {  	_ =	shalt  }
0x41: {  	_ =	shalt  }
0x42: {  	_ =	shalt  }
0x43: {  	_ =	shalt  }
0x44: {  	_ =	shalt  }
0x45: {  	_ =	shalt  }
0x46: {  	_ =	shalt  }
0x47: {  	_ =	shalt  }
0x48: {  	_ =	shalt  }
0x49: {  	_ =	shalt  }
0x4a: {  	_ =	shalt  }
0x4b: {  	_ =	shalt  }
0x4c: {  	_ =	shalt  }
0x4d: {  	_ =	shalt  }
0x4e: {  	_ =	shalt  }
0x4f: {  	_ =	shalt  }
0x50: {  	_ =	shalt  }
0x51: {  	_ =	shalt  }
0x52: {  	_ =	shalt  }
0x53: {  	_ =	shalt  }
0x54: {  	_ =	shalt  }
0x55: {  	_ =	shalt  }
0x56: {  	_ =	shalt  }
0x57: {  	_ =	shalt  }
0x58: {  	_ =	shalt  }
0x59: {  	_ =	shalt  }
0x5a: {  	_ =	shalt  }
0x5b: {  	_ =	shalt  }
0x5c: {  	_ =	shalt  }
0x5d: {  	_ =	shalt  }
0x5e: {  	_ =	shalt  }
0x5f: {  	_ =	shalt  }
0x60: {  	_ =	shalt  }
0x61: {  	_ =	shalt  }
0x62: {  	_ =	shalt  }
0x63: {  	_ =	shalt  }
0x64: {  	_ =	shalt  }
0x65: {  	_ =	shalt  }
0x66: {  	_ =	shalt  }
0x67: {  	_ =	shalt  }
0x68: {  	_ =	shalt  }
0x69: {  	_ =	shalt  }
0x6a: {  	_ =	shalt  }
0x6b: {  	_ =	shalt  }
0x6c: {  	_ =	shalt  }
0x6d: {  	_ =	shalt  }
0x6e: {  	_ =	shalt  }
0x6f: {  	_ =	shalt  }
0x70: {  	_ =	shalt  }
0x71: {  	_ =	shalt  }
0x72: {  	_ =	shalt  }
0x73: {  	_ =	shalt  }
0x74: {  	_ =	shalt  }
0x75: {  	_ =	shalt  }
0x76: {  	_ =	shalt  }
0x77: {  	_ =	shalt  }
0x78: {  	_ =	shalt  }
0x79: {  	_ =	shalt  }
0x7a: {  	_ =	shalt  }
0x7b: {  	_ =	shalt  }
0x7c: {  	_ =	shalt  }
0x7d: {  	_ =	shalt  }
0x7e: {  	_ =	shalt  }
0x7f: {  	_ =	shalt  }
0x80: {  	_ =	shalt  }
0x81: {  	_ =	shalt  }
0x82: {  	_ =	shalt  }
0x83: {  	_ =	shalt  }
0x84: {  	_ =	shalt  }
0x85: {  	_ =	shalt  }
0x86: {  	_ =	shalt  }
0x87: {  	_ =	shalt  }
.Lfunc_end0:
.L_simem_size_0:
called_computation_lowered:
.L_overlay_start_0:
0x88: {  	s2 =	sld [smem:$0x3FD9]  }
0x89: {  	s3 =	sld [smem:$0x3FFE];
	_ =	sdelay $0x1  }
0x8a: {  	s1 =	srdreg.scid  }
0x8b: {  	s0 =	sand.u32 $0x1, s1  }
0x8c: {  	s18 =	sshll.u32 s0, $0xA;
	s2 =	sadd.s32 s3, s2  }
0x8d: {  	s2 =	sadd.s32 s2, s18  }
0x8e: {  	[smem:$0x3FC6] =	sst s2  }
0x8f: {  	_ = 	snop  }
0x90: {  	s2 =	sld [smem:$0x3FC9]  }
0x91: {  	s19 =	sld [smem:$0x3FC8]  }
0x92: {  	s4 =	sld [smem:$0x3FD0];
	(tm) =	ssettm $0x1  }
0x93: {  	s5 =	sld [smem:$0x3FFB];
	_ =	sdelay $0x3  }
0x94: {  	_ =	strace s5  }
0x95: {  	s5 =	sld [smem:$0x3FFC];
	_ =	sdelay $0x3  }
0x96: {  	_ =	strace s5  }
0x97: {  	s5 =	sld [smem:$0x3FFD];
	_ =	sdelay $0x3  }
0x98: {  	_ =	strace s5  }
0x99: {  	_ =	strace $0x8FFFFFFF  }
0x9a: {  	s20 =	sld [smem:$0x3FDB];
	_ =	sdelay $0x1  }
0x9b: {  	s6 =	simm.s32 $_scs_section_size  }
0x9c: {  	s7 =	simm.s32 $_size__tile_overlayer_lowered;
	s8 =	simm.s32 $_tile_overlayer_lowered  }
0x9d: {  	s23 =	simm.s32 $0x1BFF;
	s22 =	sshll.u32 s8, $0x1;
	s5 =	sadd.s32 s6, s20  }
0x9e: {  	s9 =	simm.s32 $0x0;
	s21 =	sshll.u32 s7, $0x1;
	s7 =	sadd.s32 s22, s5  }
0x9f: {  	[timem:s9], [sflag:s23] =	dma.local [hbm:s7], s21  }
0xa0: {  	_ =	swait.ge [sflag:s23], s21  }
0xa1: {  	s6 =	ssub.s32 $0x0, s21;
	[sflag:s23] =	ssyncset.done $0x0  }
0xa2: {  	[sflag:s23] =	ssyncadd.s32 s6;
	_ =	sdelay $0x1  }
0xa3: {  	s24 =	simm.s32 $0x1B8B  }
0xa4: {  	_ =	swait.ge [sflag:s24], $0x1  }
0xa5: {  	[sflag:s24] =	ssyncset.done $0x0  }
0xa6: {  	s25 =	simm.s32 $0x1B8E;
	[sflag:s24] =	ssyncadd.s32 $0xFFFFFFFF  }
0xa7: {  	s26 =	simm.s32 $execute0_lowered;
	[smem:$0x3FD2] =	sst s25  }
0xa8: {  	s6 =	sshll.u32 s26, $0x1;
	_ =	strace $0x80000046;
	[dreg:$0x1] =	wrdreg $0xFFFFFFFF  }
0xa9: {  	s28 =	simm.s32 $_size_execute0_lowered;
	s5 =	sadd.s32 s5, s6;
	[dreg:$0x0] =	wrdreg $0x0  }
0xaa: {  	s6 =	sshll.u32 s28, $0x1;
	[dreg:$0x2] =	wrdreg s5  }
0xab: {  	[dreg:$0x3] =	wrdreg s6  }
0xac: {  	[dreg:$0x4] =	wrdreg $0xC0  }
0xad: {  	_ =	task [dreg:s9], $0x5FFFF  }
0xae: {  	[dreg:$0x1] =	wrdreg $0xFFFFFFFF  }
0xaf: {  	[dreg:$0x0] =	wrdreg $0x60  }
0xb0: {  	[dreg:$0x2] =	wrdreg s19  }
0xb1: {  	[dreg:$0x3] =	wrdreg s2  }
0xb2: {  	[dreg:$0x4] =	wrdreg s4  }
0xb3: {  	[dreg:$0x5] =	wrdreg $0x9  }
0xb4: {  	_ =	task.clear_ibuf [dreg:s9], $0x6FFFF;
	_ =	strace $0x90000046  }
0xb5: {  	s29 =	simm.s32 $0x9;
	_ =	strace $0x80000048  }
0xb6: {  	_ =	swait.ge [sflag:s29], $0x1  }
0xb7: {  	[sflag:s29] =	ssyncadd.s32 $0xFFFFFFFF  }
0xb8: {  	_ =	strace $0x90000048  }
0xb9: {  	_ =	sfence  }
0xba: {  	s30 =	sld [smem:$0x0];
	_ =	sdelay $0x2  }
0xbb: {  	s31 =	sshll.u32 s1, $0xD;
	s1 =	sshrl.u32 s1, $0x2  }
0xbc: {  	s3 =	sand.u32 $0x4000, s31;
	s1 =	sadd.s32 s1, s30  }
0xbd: {  	s0 =	sor.u32 s3, s0;
	s1 =	sshll.u32 s1, $0x11  }
0xbe: {  	s0 =	sor.u32 s1, s0  }
0xbf: {  	s0 =	sadd.s32 $0x8F2B, s0  }
0xc0: {  	[sflag:s0] =	ssyncadd.remote.s32 $0x1  }
0xc1: {  	_ =	sfence.sel $0xFFFF  }
0xc2: {  	[dreg:$0x0] =	wrdreg $0xFFFFFFFF;
	(pc) =	sbr.abs _section_cstart, $3  }
0xc3: {  	[dreg:$0x1] =	wrdreg $0xFFFFFFFF  }
0xc4: {  	_ =	task.clear_ibuf [dreg:s9], $0x2FFFF;
	_ =	strace $0x9FFFFFFF  }
0xc5: {  	(tm) =	ssettm $0x7FFFFFFF  }
tec
execute0_lowered:
.L_overlay_start_1:
0x0: {  	(tag) =	ssettag $0x1  }
0x1: {  	s0 =	rddreg [dreg:$0x0]  }
0x2: {  	s1 =	rddreg [dreg:$0x1]  }
0x3: {  	s2 =	rddreg [dreg:$0x2];
	s4 =	srdreg.scid  }
0x4: {  	s3 =	simm.s32 $0x0;
	s7 =	stileid.u32;
	s31 =	simm.s32 $0x14000  }
0x5: {  	s11 =	simm.s32 $0x12;
	s12 =	simm.s32 $0xD;
	s13 =	simm.s32 $0x7  }
0x6: {  	s28 =	simm.s32 $0x10;
	s4 =	sand.u32 $0x1, s4;
	[smem:$0x7FF] =	sst s3  }
0x7: {  	s7 =	sshll.u32 s7, $0xE;
	s5 =	ssub.s32 $0x2, s4;
	s4 =	sshll.u32 s4, $0xD  }
0x8: {  	_ =	strace $0x80000047;
	s6 =	sshrl.u32 s5, $0x1;
	s4 =	sor.u32 s4, s7  }
0x9: {  	s5 =	ssub.s32 s5, s6;
	s14 =	sadd.s32 s0, s4;
	s15 =	sor.u32 $0x400, s4  }
0xa: {  	s7 =	sor.u32 $0x800, s4;
	s18 =	sadd.s32 s2, s4;
	[dreg:$0x4] =	wrdreg s14  }
0xb: {  	s17 =	sor.u32 $0xC00, s4;
	s8 =	sadd.s32 s0, s15;
	[dreg:$0x8] =	wrdreg s18  }
0xc: {  	s19 =	sor.u32 $0x1000, s4;
	s16 =	sadd.s32 s0, s7;
	[dreg:$0x5] =	wrdreg s8  }
0xd: {  	s20 =	sor.u32 $0x1400, s4;
	s9 =	sadd.s32 s0, s17;
	[dreg:$0x6] =	wrdreg s16  }
0xe: {  	s22 =	sor.u32 $0x1800, s4;
	s10 =	sadd.s32 s0, s19;
	[dreg:$0x7] =	wrdreg s9  }
0xf: {  	s4 =	sor.u32 $0x1C00, s4;
	s6 =	sadd.s32 s2, s15;
	[dreg:$0x9] =	wrdreg s10  }
0x10: {  	s21 =	sadd.s32 s0, s20;
	s7 =	sadd.s32 s2, s7;
	[dreg:$0xa] =	wrdreg s6  }
0x11: {  	s23 =	sadd.s32 s0, s22;
	s0 =	sadd.s32 s0, s4;
	[dreg:$0xb] =	wrdreg s21  }
0x12: {  	s24 =	sadd.s32 s2, s19;
	s25 =	sadd.s32 s2, s20;
	[dreg:$0xc] =	wrdreg s7  }
0x13: {  	s26 =	sadd.s32 s2, s22;
	s29 =	sadd.s32 s2, s4;
	[dreg:$0xd] =	wrdreg s23  }
0x14: {  	s30 =	smax.u32 s5, $0x1;
	s4 =	simm.s32 $0x4;
	[dreg:$0xf] =	wrdreg s0  }
0x15: {  	s5 =	simm.s32 $0x16000;
	s14 =	simm.s32 $0x13;
	[dreg:$0x10] =	wrdreg s24  }
0x16: {  	s15 =	simm.s32 $0x8;
	s18 =	simm.s32 $0x15;
	[dreg:$0x11] =	wrdreg s25  }
0x17: {  	s19 =	simm.s32 $0x16;
	s20 =	simm.s32 $0x17;
	[dreg:$0x12] =	wrdreg s26  }
0x18: {  	s22 =	simm.s32 $0x0;
	s8 =	sadd.s32 s2, s17;
	[dreg:$0x13] =	wrdreg s29  }
0x19: {  	[dreg:$0x14] =	wrdreg s30;
	s21 =	simm.s32 $0x2000;
	s23 =	simm.s32 $0x10000  }
0x1a: {  	v0 =	vlaneseq.u32;
	s26 =	simm.s32 $0x12000;
	s2 =	simm.s32 $0xA;
	s24 =	simm.s32 $0xB  }
0x1b: {  	v1 =	vor.u32 $0x10, v0;
	s7 =	simm.s32 $0x5;
	s9 =	simm.s32 $0xC;
	s10 =	simm.s32 $0x6  }
0x1c: {  	v2 =	vor.u32 $0x20, v0;
	v3 =	vor.u32 $0x30, v0;
	v4 =	vor.u32 $0x40, v0;
	s6 =	simm.s32 $0xE;
	s16 =	simm.s32 $0x14;
	s17 =	simm.s32 $0xF  }
0x1d: {  	v5 =	vor.u32 $0x50, v0;
	v6 =	vor.u32 $0x60, v0;
	v7 =	vor.u32 $0x70, v0;
	s0 =	simm.s32 $0x18;
	[dreg:$0xe] =	wrdreg s8;
	s8 =	simm.s32 $0x11  }
.LBB2_1:
0x1e: {  	s25 =	rddreg [dreg:$0x4]  }
0x1f: {  	[tilespmem:s3], [sflag:$0x1] =	stream.linear.gather [hbm4b:s25+s3], $0x2000, $0x38;
	[tilespmem:$0x18000] =	vst v63  }
0x20: {  	s25 =	rddreg [dreg:$0x5]  }
0x21: {  	[tilespmem:s21], [sflag:$0x2] =	stream.linear.gather [hbm4b:s25+s3], $0x2000, $0x38;
	[tilespmem:$0x18000] =	vst v63  }
0x22: {  	s25 =	simm.s32 $0x1  }
0x23: {  	_ =	swait.ge [sflag:s25], $0x2000  }
0x24: {  	[sflag:s25] =	ssyncset.done $0x0  }
0x25: {  	[sflag:s25] =	ssyncadd.s32 $0xFFFFE000;
	s25 =	simm.s32 $0x80  }
0x26: {  	v8 =	vld [tilespmem:s25+$0xFFFFFF80]  }
0x27: {  	v9 =	vld [tilespmem:s25+$0xFFFFFF90]  }
0x28: {  	v10 =	vld [tilespmem:s25+$0xFFFFFFA0]  }
0x29: {  	v11 =	vld [tilespmem:s25+$0xFFFFFFB0]  }
0x2a: {  	v12 =	vld [tilespmem:s25+$0xFFFFFFC0]  }
0x2b: {  	v13 =	vld [tilespmem:s25+$0xFFFFFFD0];
	v8 =	vshll.u32 v8, $0x7  }
0x2c: {  	v14 =	vld [tilespmem:s25+$0xFFFFFFE0];
	v9 =	vshll.u32 v9, $0x7;
	v8 =	vor.u32 v0, v8  }
0x2d: {  	[tilespmem:s25+$0xFFFFFF80] =	vst v8;
	v8 =	vor.u32 v1, v9;
	v9 =	vshll.u32 v10, $0x7;
	v10 =	vld [tilespmem:s25+$0x0]  }
0x2e: {  	[tilespmem:s25+$0xFFFFFF90] =	vst v8;
	v8 =	vor.u32 v2, v9;
	v9 =	vshll.u32 v11, $0x7;
	v11 =	vld [tilespmem:s25+$0x10]  }
0x2f: {  	[tilespmem:s25+$0xFFFFFFA0] =	vst v8;
	v8 =	vor.u32 v3, v9;
	v9 =	vshll.u32 v12, $0x7;
	v12 =	vld [tilespmem:s25+$0x20]  }
0x30: {  	v15 =	vld [tilespmem:s25+$0x30];
	[tilespmem:s25+$0xFFFFFFB0] =	vst v8;
	v8 =	vor.u32 v4, v9;
	v9 =	vshll.u32 v13, $0x7  }
0x31: {  	v13 =	vshll.u32 v14, $0x7;
	[tilespmem:s25+$0xFFFFFFC0] =	vst v8;
	v9 =	vor.u32 v5, v9;
	v8 =	vld [tilespmem:s25+$0x40]  }
0x32: {  	v13 =	vor.u32 v6, v13;
	[tilespmem:s25+$0xFFFFFFD0] =	vst v9;
	v10 =	vshll.u32 v10, $0x7;
	v9 =	vld [tilespmem:s25+$0x50]  }
0x33: {  	[tilespmem:s25+$0xFFFFFFE0] =	vst v13;
	v13 =	vor.u32 v0, v10;
	v11 =	vshll.u32 v11, $0x7;
	v10 =	vld [tilespmem:s25+$0x60]  }
0x34: {  	[tilespmem:s25+$0x0] =	vst v13;
	v13 =	vor.u32 v1, v11;
	v14 =	vshll.u32 v12, $0x7;
	v12 =	vld [tilespmem:s25+$0x70]  }
0x35: {  	s29 =	simm.s32 $0x0;
	s30 =	simm.s32 $0x180;
	v11 =	vld [tilespmem:s25+$0xFFFFFFF0];
	[tilespmem:s25+$0x10] =	vst v13;
	v13 =	vor.u32 v2, v14;
	v14 =	vshll.u32 v15, $0x7  }
.LBB2_2:
0x36: {  	v15 =	vld [tilespmem:s30+$0xFFFFFF80];
	[tilespmem:s25+$0x20] =	vst v13;
	v13 =	vor.u32 v3, v14;
	v8 =	vshll.u32 v8, $0x7  }
0x37: {  	v14 =	vld [tilespmem:s30+$0xFFFFFF90];
	[tilespmem:s25+$0x30] =	vst v13;
	v8 =	vor.u32 v4, v8;
	v9 =	vshll.u32 v9, $0x7  }
0x38: {  	v13 =	vld [tilespmem:s30+$0xFFFFFFA0];
	[tilespmem:s25+$0x40] =	vst v8;
	v8 =	vor.u32 v5, v9;
	v9 =	vshll.u32 v10, $0x7  }
0x39: {  	v10 =	vld [tilespmem:s30+$0xFFFFFFB0];
	[tilespmem:s25+$0x50] =	vst v8;
	v8 =	vor.u32 v6, v9;
	v9 =	vshll.u32 v12, $0x7  }
0x3a: {  	v12 =	vld [tilespmem:s30+$0xFFFFFFC0];
	v11 =	vshll.u32 v11, $0x7;
	[tilespmem:s25+$0x60] =	vst v8;
	v8 =	vor.u32 v7, v9  }
0x3b: {  	v9 =	vshll.u32 v15, $0x7;
	v15 =	vld [tilespmem:s30+$0xFFFFFFD0];
	v11 =	vor.u32 v7, v11;
	[tilespmem:s25+$0x70] =	vst v8  }
0x3c: {  	v8 =	vor.u32 v0, v9;
	v9 =	vshll.u32 v14, $0x7;
	v14 =	vld [tilespmem:s30+$0xFFFFFFE0];
	[tilespmem:s25+$0xFFFFFFF0] =	vst v11;
	s25 =	smov.u32 s30  }
0x3d: {  	[tilespmem:s30+$0xFFFFFF80] =	vst v8;
	v8 =	vor.u32 v1, v9;
	v9 =	vshll.u32 v13, $0x7;
	v11 =	vld [tilespmem:s30+$0x0]  }
0x3e: {  	[tilespmem:s30+$0xFFFFFF90] =	vst v8;
	v8 =	vor.u32 v2, v9;
	v9 =	vshll.u32 v10, $0x7;
	v10 =	vld [tilespmem:s30+$0x10]  }
0x3f: {  	s29 =	sadd.s32 $0x2, s29;
	[tilespmem:s30+$0xFFFFFFA0] =	vst v8;
	v8 =	vor.u32 v3, v9;
	v9 =	vshll.u32 v12, $0x7;
	v12 =	vld [tilespmem:s30+$0x20]  }
0x40: {  	p0 =	slt.u32 s29, $0x3E;
	[tilespmem:s30+$0xFFFFFFB0] =	vst v8;
	v8 =	vor.u32 v4, v9;
	v9 =	vshll.u32 v15, $0x7;
	v15 =	vld [tilespmem:s30+$0x30]  }
.Ltmp0:
0x41: {  	[tilespmem:s30+$0xFFFFFFC0] =	vst v8;
	v9 =	vor.u32 v5, v9;
	v13 =	vshll.u32 v14, $0x7;
	v8 =	vld [tilespmem:s30+$0x40];
	(pc) =	sbr.rel @p0 .LBB2_2-.Ltmp0, $4  }
0x42: {  	[tilespmem:s30+$0xFFFFFFD0] =	vst v9;
	v13 =	vor.u32 v6, v13;
	v11 =	vshll.u32 v11, $0x7;
	v9 =	vld [tilespmem:s30+$0x50]  }
0x43: {  	[tilespmem:s30+$0xFFFFFFE0] =	vst v13;
	v11 =	vor.u32 v0, v11;
	v13 =	vshll.u32 v10, $0x7;
	v10 =	vld [tilespmem:s30+$0x60]  }
0x44: {  	[tilespmem:s30+$0x0] =	vst v11;
	v13 =	vor.u32 v1, v13;
	v14 =	vshll.u32 v12, $0x7;
	v12 =	vld [tilespmem:s30+$0x70]  }
0x45: {  	s30 =	sadd.s32 $0x100, s30;
	v11 =	vld [tilespmem:s25+$0xFFFFFFF0];
	[tilespmem:s25+$0x10] =	vst v13;
	v13 =	vor.u32 v2, v14;
	v14 =	vshll.u32 v15, $0x7  }
0x46: {  	[tilespmem:s25+$0x20] =	vst v13;
	v13 =	vor.u32 v3, v14;
	v8 =	vshll.u32 v8, $0x7  }
0x47: {  	[tilespmem:s25+$0x30] =	vst v13;
	v8 =	vor.u32 v4, v8;
	v9 =	vshll.u32 v9, $0x7  }
0x48: {  	[tilespmem:s25+$0x40] =	vst v8;
	v8 =	vor.u32 v5, v9;
	v9 =	vshll.u32 v10, $0x7  }
0x49: {  	[tilespmem:s25+$0x50] =	vst v8;
	v8 =	vor.u32 v6, v9;
	v9 =	vshll.u32 v12, $0x7  }
0x4a: {  	v10 =	vshll.u32 v11, $0x7;
	[tilespmem:s25+$0x60] =	vst v8;
	v8 =	vor.u32 v7, v9  }
0x4b: {  	v9 =	vor.u32 v7, v10;
	[tilespmem:s25+$0x70] =	vst v8  }
0x4c: {  	[tilespmem:s25+$0xFFFFFFF0] =	vst v9  }
0x4d: {  	[tilespmem:s23], [sflag:$0x9] =	stream.indirect.gather [hbm4b:s1+s21], $0x1, s3, s21, $0xb8;
	[tilespmem:$0x18000] =	vst v63  }
0x4e: {  	s29 =	simm.s32 $0x4000;
	s25 =	rddreg [dreg:$0x6]  }
0x4f: {  	[tilespmem:s29], [sflag:$0x3] =	stream.linear.gather [hbm4b:s25+s3], $0x2000, $0x38;
	[tilespmem:$0x18000] =	vst v63  }
0x50: {  	s25 =	simm.s32 $0x2  }
0x51: {  	_ =	swait.ge [sflag:s25], $0x2000  }
0x52: {  	[sflag:s25] =	ssyncset.done $0x0  }
0x53: {  	[sflag:s25] =	ssyncadd.s32 $0xFFFFE000;
	s25 =	simm.s32 $0x2080  }
0x54: {  	v8 =	vld [tilespmem:s25+$0xFFFFFF80]  }
0x55: {  	v9 =	vld [tilespmem:s25+$0xFFFFFF90]  }
0x56: {  	v10 =	vld [tilespmem:s25+$0xFFFFFFA0]  }
0x57: {  	v11 =	vld [tilespmem:s25+$0xFFFFFFB0]  }
0x58: {  	v12 =	vld [tilespmem:s25+$0xFFFFFFC0]  }
0x59: {  	v13 =	vld [tilespmem:s25+$0xFFFFFFD0];
	v8 =	vshll.u32 v8, $0x7  }
0x5a: {  	v14 =	vld [tilespmem:s25+$0xFFFFFFE0];
	v9 =	vshll.u32 v9, $0x7;
	v8 =	vor.u32 v0, v8  }
0x5b: {  	[tilespmem:s25+$0xFFFFFF80] =	vst v8;
	v8 =	vor.u32 v1, v9;
	v9 =	vshll.u32 v10, $0x7;
	v10 =	vld [tilespmem:s25+$0x0]  }
0x5c: {  	[tilespmem:s25+$0xFFFFFF90] =	vst v8;
	v8 =	vor.u32 v2, v9;
	v9 =	vshll.u32 v11, $0x7;
	v11 =	vld [tilespmem:s25+$0x10]  }
0x5d: {  	[tilespmem:s25+$0xFFFFFFA0] =	vst v8;
	v8 =	vor.u32 v3, v9;
	v9 =	vshll.u32 v12, $0x7;
	v12 =	vld [tilespmem:s25+$0x20]  }
0x5e: {  	v15 =	vld [tilespmem:s25+$0x30];
	[tilespmem:s25+$0xFFFFFFB0] =	vst v8;
	v8 =	vor.u32 v4, v9;
	v9 =	vshll.u32 v13, $0x7  }
0x5f: {  	v13 =	vshll.u32 v14, $0x7;
	[tilespmem:s25+$0xFFFFFFC0] =	vst v8;
	v9 =	vor.u32 v5, v9;
	v8 =	vld [tilespmem:s25+$0x40]  }
0x60: {  	v13 =	vor.u32 v6, v13;
	[tilespmem:s25+$0xFFFFFFD0] =	vst v9;
	v10 =	vshll.u32 v10, $0x7;
	v9 =	vld [tilespmem:s25+$0x50]  }
0x61: {  	[tilespmem:s25+$0xFFFFFFE0] =	vst v13;
	v13 =	vor.u32 v0, v10;
	v11 =	vshll.u32 v11, $0x7;
	v10 =	vld [tilespmem:s25+$0x60]  }
0x62: {  	[tilespmem:s25+$0x0] =	vst v13;
	v13 =	vor.u32 v1, v11;
	v14 =	vshll.u32 v12, $0x7;
	v12 =	vld [tilespmem:s25+$0x70]  }
0x63: {  	s30 =	simm.s32 $0x2180;
	s29 =	simm.s32 $0x0;
	v11 =	vld [tilespmem:s25+$0xFFFFFFF0];
	[tilespmem:s25+$0x10] =	vst v13;
	v13 =	vor.u32 v2, v14;
	v14 =	vshll.u32 v15, $0x7  }
.LBB2_4:
0x64: {  	v15 =	vld [tilespmem:s30+$0xFFFFFF80];
	[tilespmem:s25+$0x20] =	vst v13;
	v13 =	vor.u32 v3, v14;
	v8 =	vshll.u32 v8, $0x7  }
0x65: {  	v14 =	vld [tilespmem:s30+$0xFFFFFF90];
	[tilespmem:s25+$0x30] =	vst v13;
	v8 =	vor.u32 v4, v8;
	v9 =	vshll.u32 v9, $0x7  }
0x66: {  	v13 =	vld [tilespmem:s30+$0xFFFFFFA0];
	[tilespmem:s25+$0x40] =	vst v8;
	v8 =	vor.u32 v5, v9;
	v9 =	vshll.u32 v10, $0x7  }
0x67: {  	v10 =	vld [tilespmem:s30+$0xFFFFFFB0];
	[tilespmem:s25+$0x50] =	vst v8;
	v8 =	vor.u32 v6, v9;
	v9 =	vshll.u32 v12, $0x7  }
0x68: {  	v12 =	vld [tilespmem:s30+$0xFFFFFFC0];
	v11 =	vshll.u32 v11, $0x7;
	[tilespmem:s25+$0x60] =	vst v8;
	v8 =	vor.u32 v7, v9  }
0x69: {  	v9 =	vshll.u32 v15, $0x7;
	v15 =	vld [tilespmem:s30+$0xFFFFFFD0];
	v11 =	vor.u32 v7, v11;
	[tilespmem:s25+$0x70] =	vst v8  }
0x6a: {  	v8 =	vor.u32 v0, v9;
	v9 =	vshll.u32 v14, $0x7;
	v14 =	vld [tilespmem:s30+$0xFFFFFFE0];
	[tilespmem:s25+$0xFFFFFFF0] =	vst v11;
	s25 =	smov.u32 s30  }
0x6b: {  	[tilespmem:s30+$0xFFFFFF80] =	vst v8;
	v8 =	vor.u32 v1, v9;
	v9 =	vshll.u32 v13, $0x7;
	v11 =	vld [tilespmem:s30+$0x0]  }
0x6c: {  	[tilespmem:s30+$0xFFFFFF90] =	vst v8;
	v8 =	vor.u32 v2, v9;
	v9 =	vshll.u32 v10, $0x7;
	v10 =	vld [tilespmem:s30+$0x10]  }
0x6d: {  	s29 =	sadd.s32 $0x2, s29;
	[tilespmem:s30+$0xFFFFFFA0] =	vst v8;
	v8 =	vor.u32 v3, v9;
	v9 =	vshll.u32 v12, $0x7;
	v12 =	vld [tilespmem:s30+$0x20]  }
0x6e: {  	p0 =	slt.u32 s29, $0x3E;
	[tilespmem:s30+$0xFFFFFFB0] =	vst v8;
	v8 =	vor.u32 v4, v9;
	v9 =	vshll.u32 v15, $0x7;
	v15 =	vld [tilespmem:s30+$0x30]  }
.Ltmp1:
0x6f: {  	[tilespmem:s30+$0xFFFFFFC0] =	vst v8;
	v9 =	vor.u32 v5, v9;
	v13 =	vshll.u32 v14, $0x7;
	v8 =	vld [tilespmem:s30+$0x40];
	(pc) =	sbr.rel @p0 .LBB2_4-.Ltmp1, $4  }
0x70: {  	[tilespmem:s30+$0xFFFFFFD0] =	vst v9;
	v13 =	vor.u32 v6, v13;
	v11 =	vshll.u32 v11, $0x7;
	v9 =	vld [tilespmem:s30+$0x50]  }
0x71: {  	[tilespmem:s30+$0xFFFFFFE0] =	vst v13;
	v11 =	vor.u32 v0, v11;
	v13 =	vshll.u32 v10, $0x7;
	v10 =	vld [tilespmem:s30+$0x60]  }
0x72: {  	[tilespmem:s30+$0x0] =	vst v11;
	v13 =	vor.u32 v1, v13;
	v14 =	vshll.u32 v12, $0x7;
	v12 =	vld [tilespmem:s30+$0x70]  }
0x73: {  	s30 =	sadd.s32 $0x100, s30;
	v11 =	vld [tilespmem:s25+$0xFFFFFFF0];
	[tilespmem:s25+$0x10] =	vst v13;
	v13 =	vor.u32 v2, v14;
	v14 =	vshll.u32 v15, $0x7  }
0x74: {  	[tilespmem:s25+$0x20] =	vst v13;
	v13 =	vor.u32 v3, v14;
	v8 =	vshll.u32 v8, $0x7  }
0x75: {  	[tilespmem:s25+$0x30] =	vst v13;
	v8 =	vor.u32 v4, v8;
	v9 =	vshll.u32 v9, $0x7  }
0x76: {  	[tilespmem:s25+$0x40] =	vst v8;
	v8 =	vor.u32 v5, v9;
	v9 =	vshll.u32 v10, $0x7  }
0x77: {  	[tilespmem:s25+$0x50] =	vst v8;
	v8 =	vor.u32 v6, v9;
	v9 =	vshll.u32 v12, $0x7  }
0x78: {  	v10 =	vshll.u32 v11, $0x7;
	[tilespmem:s25+$0x60] =	vst v8;
	v8 =	vor.u32 v7, v9  }
0x79: {  	v9 =	vor.u32 v7, v10;
	[tilespmem:s25+$0x70] =	vst v8  }
0x7a: {  	[tilespmem:s25+$0xFFFFFFF0] =	vst v9  }
0x7b: {  	[tilespmem:s26], [sflag:$0xA] =	stream.indirect.gather [hbm4b:s1+s21], $0x1, s21, s21, $0xb8;
	[tilespmem:$0x18000] =	vst v63  }
0x7c: {  	s29 =	simm.s32 $0x6000;
	s25 =	rddreg [dreg:$0x7]  }
0x7d: {  	[tilespmem:s29], [sflag:$0x4] =	stream.linear.gather [hbm4b:s25+s3], $0x2000, $0x38;
	[tilespmem:$0x18000] =	vst v63  }
0x7e: {  	s25 =	simm.s32 $0x9  }
0x7f: {  	_ =	swait.ge [sflag:s25], $0x2000  }
0x80: {  	[sflag:s25] =	ssyncset.done $0x0  }
0x81: {  	[sflag:s25] =	ssyncadd.s32 $0xFFFFE000;
	s25 =	rddreg [dreg:$0x8]  }
0x82: {  	[hbm4b:s25+s3] =	stream.linear.scatter [tilespmem:s23], [sflag:$0x11], $0x2000, $0x38;
	[tilespmem:$0x18000] =	vst v63  }
0x83: {  	s25 =	simm.s32 $0x3  }
0x84: {  	_ =	swait.ge [sflag:s25], $0x2000  }
0x85: {  	[sflag:s25] =	ssyncset.done $0x0  }
0x86: {  	[sflag:s25] =	ssyncadd.s32 $0xFFFFE000;
	s25 =	simm.s32 $0x4080  }
0x87: {  	v8 =	vld [tilespmem:s25+$0xFFFFFF80]  }
0x88: {  	v9 =	vld [tilespmem:s25+$0xFFFFFF90]  }
0x89: {  	v10 =	vld [tilespmem:s25+$0xFFFFFFA0]  }
0x8a: {  	v11 =	vld [tilespmem:s25+$0xFFFFFFB0]  }
0x8b: {  	v12 =	vld [tilespmem:s25+$0xFFFFFFC0]  }
0x8c: {  	v13 =	vld [tilespmem:s25+$0xFFFFFFD0];
	v8 =	vshll.u32 v8, $0x7  }
0x8d: {  	v14 =	vld [tilespmem:s25+$0xFFFFFFE0];
	v9 =	vshll.u32 v9, $0x7;
	v8 =	vor.u32 v0, v8  }
0x8e: {  	[tilespmem:s25+$0xFFFFFF80] =	vst v8;
	v8 =	vor.u32 v1, v9;
	v9 =	vshll.u32 v10, $0x7;
	v10 =	vld [tilespmem:s25+$0x0]  }
0x8f: {  	[tilespmem:s25+$0xFFFFFF90] =	vst v8;
	v8 =	vor.u32 v2, v9;
	v9 =	vshll.u32 v11, $0x7;
	v11 =	vld [tilespmem:s25+$0x10]  }
0x90: {  	[tilespmem:s25+$0xFFFFFFA0] =	vst v8;
	v8 =	vor.u32 v3, v9;
	v9 =	vshll.u32 v12, $0x7;
	v12 =	vld [tilespmem:s25+$0x20]  }
0x91: {  	v15 =	vld [tilespmem:s25+$0x30];
	[tilespmem:s25+$0xFFFFFFB0] =	vst v8;
	v8 =	vor.u32 v4, v9;
	v9 =	vshll.u32 v13, $0x7  }
0x92: {  	v13 =	vshll.u32 v14, $0x7;
	[tilespmem:s25+$0xFFFFFFC0] =	vst v8;
	v9 =	vor.u32 v5, v9;
	v8 =	vld [tilespmem:s25+$0x40]  }
0x93: {  	v13 =	vor.u32 v6, v13;
	[tilespmem:s25+$0xFFFFFFD0] =	vst v9;
	v10 =	vshll.u32 v10, $0x7;
	v9 =	vld [tilespmem:s25+$0x50]  }
0x94: {  	[tilespmem:s25+$0xFFFFFFE0] =	vst v13;
	v13 =	vor.u32 v0, v10;
	v11 =	vshll.u32 v11, $0x7;
	v10 =	vld [tilespmem:s25+$0x60]  }
0x95: {  	[tilespmem:s25+$0x0] =	vst v13;
	v13 =	vor.u32 v1, v11;
	v14 =	vshll.u32 v12, $0x7;
	v12 =	vld [tilespmem:s25+$0x70]  }
0x96: {  	s30 =	simm.s32 $0x4180;
	s29 =	simm.s32 $0x0;
	v11 =	vld [tilespmem:s25+$0xFFFFFFF0];
	[tilespmem:s25+$0x10] =	vst v13;
	v13 =	vor.u32 v2, v14;
	v14 =	vshll.u32 v15, $0x7  }
.LBB2_6:
0x97: {  	v15 =	vld [tilespmem:s30+$0xFFFFFF80];
	[tilespmem:s25+$0x20] =	vst v13;
	v13 =	vor.u32 v3, v14;
	v8 =	vshll.u32 v8, $0x7  }
0x98: {  	v14 =	vld [tilespmem:s30+$0xFFFFFF90];
	[tilespmem:s25+$0x30] =	vst v13;
	v8 =	vor.u32 v4, v8;
	v9 =	vshll.u32 v9, $0x7  }
0x99: {  	v13 =	vld [tilespmem:s30+$0xFFFFFFA0];
	[tilespmem:s25+$0x40] =	vst v8;
	v8 =	vor.u32 v5, v9;
	v9 =	vshll.u32 v10, $0x7  }
0x9a: {  	v10 =	vld [tilespmem:s30+$0xFFFFFFB0];
	[tilespmem:s25+$0x50] =	vst v8;
	v8 =	vor.u32 v6, v9;
	v9 =	vshll.u32 v12, $0x7  }
0x9b: {  	v12 =	vld [tilespmem:s30+$0xFFFFFFC0];
	v11 =	vshll.u32 v11, $0x7;
	[tilespmem:s25+$0x60] =	vst v8;
	v8 =	vor.u32 v7, v9  }
0x9c: {  	v9 =	vshll.u32 v15, $0x7;
	v15 =	vld [tilespmem:s30+$0xFFFFFFD0];
	v11 =	vor.u32 v7, v11;
	[tilespmem:s25+$0x70] =	vst v8  }
0x9d: {  	v8 =	vor.u32 v0, v9;
	v9 =	vshll.u32 v14, $0x7;
	v14 =	vld [tilespmem:s30+$0xFFFFFFE0];
	[tilespmem:s25+$0xFFFFFFF0] =	vst v11;
	s25 =	smov.u32 s30  }
0x9e: {  	[tilespmem:s30+$0xFFFFFF80] =	vst v8;
	v8 =	vor.u32 v1, v9;
	v9 =	vshll.u32 v13, $0x7;
	v11 =	vld [tilespmem:s30+$0x0]  }
0x9f: {  	[tilespmem:s30+$0xFFFFFF90] =	vst v8;
	v8 =	vor.u32 v2, v9;
	v9 =	vshll.u32 v10, $0x7;
	v10 =	vld [tilespmem:s30+$0x10]  }
0xa0: {  	s29 =	sadd.s32 $0x2, s29;
	[tilespmem:s30+$0xFFFFFFA0] =	vst v8;
	v8 =	vor.u32 v3, v9;
	v9 =	vshll.u32 v12, $0x7;
	v12 =	vld [tilespmem:s30+$0x20]  }
0xa1: {  	p0 =	slt.u32 s29, $0x3E;
	[tilespmem:s30+$0xFFFFFFB0] =	vst v8;
	v8 =	vor.u32 v4, v9;
	v9 =	vshll.u32 v15, $0x7;
	v15 =	vld [tilespmem:s30+$0x30]  }
.Ltmp2:
0xa2: {  	[tilespmem:s30+$0xFFFFFFC0] =	vst v8;
	v9 =	vor.u32 v5, v9;
	v13 =	vshll.u32 v14, $0x7;
	v8 =	vld [tilespmem:s30+$0x40];
	(pc) =	sbr.rel @p0 .LBB2_6-.Ltmp2, $4  }
0xa3: {  	[tilespmem:s30+$0xFFFFFFD0] =	vst v9;
	v13 =	vor.u32 v6, v13;
	v11 =	vshll.u32 v11, $0x7;
	v9 =	vld [tilespmem:s30+$0x50]  }
0xa4: {  	[tilespmem:s30+$0xFFFFFFE0] =	vst v13;
	v11 =	vor.u32 v0, v11;
	v13 =	vshll.u32 v10, $0x7;
	v10 =	vld [tilespmem:s30+$0x60]  }
0xa5: {  	[tilespmem:s30+$0x0] =	vst v11;
	v13 =	vor.u32 v1, v13;
	v14 =	vshll.u32 v12, $0x7;
	v12 =	vld [tilespmem:s30+$0x70]  }
0xa6: {  	s30 =	sadd.s32 $0x100, s30;
	v11 =	vld [tilespmem:s25+$0xFFFFFFF0];
	[tilespmem:s25+$0x10] =	vst v13;
	v13 =	vor.u32 v2, v14;
	v14 =	vshll.u32 v15, $0x7  }
0xa7: {  	[tilespmem:s25+$0x20] =	vst v13;
	v13 =	vor.u32 v3, v14;
	v8 =	vshll.u32 v8, $0x7  }
0xa8: {  	[tilespmem:s25+$0x30] =	vst v13;
	v8 =	vor.u32 v4, v8;
	v9 =	vshll.u32 v9, $0x7  }
0xa9: {  	[tilespmem:s25+$0x40] =	vst v8;
	v8 =	vor.u32 v5, v9;
	v9 =	vshll.u32 v10, $0x7  }
0xaa: {  	[tilespmem:s25+$0x50] =	vst v8;
	v8 =	vor.u32 v6, v9;
	v9 =	vshll.u32 v12, $0x7  }
0xab: {  	v10 =	vshll.u32 v11, $0x7;
	[tilespmem:s25+$0x60] =	vst v8;
	v8 =	vor.u32 v7, v9  }
0xac: {  	v9 =	vor.u32 v7, v10;
	[tilespmem:s25+$0x70] =	vst v8  }
0xad: {  	[tilespmem:s25+$0xFFFFFFF0] =	vst v9;
	s25 =	simm.s32 $0x4000  }
0xae: {  	[tilespmem:s31], [sflag:$0xB] =	stream.indirect.gather [hbm4b:s1+s21], $0x1, s25, s21, $0xb8;
	[tilespmem:$0x18000] =	vst v63  }
0xaf: {  	s29 =	simm.s32 $0x8000;
	s25 =	rddreg [dreg:$0x9]  }
0xb0: {  	[tilespmem:s29], [sflag:$0x5] =	stream.linear.gather [hbm4b:s25+s3], $0x2000, $0x38;
	[tilespmem:$0x18000] =	vst v63  }
0xb1: {  	_ =	swait.ge [sflag:s2], $0x2000  }
0xb2: {  	[sflag:s2] =	ssyncset.done $0x0  }
0xb3: {  	s25 =	rddreg [dreg:$0xa];
	[sflag:s2] =	ssyncadd.s32 $0xFFFFE000  }
0xb4: {  	[hbm4b:s25+s3] =	stream.linear.scatter [tilespmem:s26], [sflag:$0x12], $0x2000, $0x38;
	[tilespmem:$0x18000] =	vst v63  }
0xb5: {  	_ =	swait.ge [sflag:s4], $0x2000  }
0xb6: {  	[sflag:s4] =	ssyncset.done $0x0  }
0xb7: {  	s25 =	simm.s32 $0x6080;
	[sflag:s4] =	ssyncadd.s32 $0xFFFFE000  }
0xb8: {  	v8 =	vld [tilespmem:s25+$0xFFFFFF80]  }
0xb9: {  	v9 =	vld [tilespmem:s25+$0xFFFFFF90]  }
0xba: {  	v10 =	vld [tilespmem:s25+$0xFFFFFFA0]  }
0xbb: {  	v11 =	vld [tilespmem:s25+$0xFFFFFFB0]  }
0xbc: {  	v12 =	vld [tilespmem:s25+$0xFFFFFFC0]  }
0xbd: {  	v13 =	vld [tilespmem:s25+$0xFFFFFFD0];
	v8 =	vshll.u32 v8, $0x7  }
0xbe: {  	v14 =	vld [tilespmem:s25+$0xFFFFFFE0];
	v9 =	vshll.u32 v9, $0x7;
	v8 =	vor.u32 v0, v8  }
0xbf: {  	[tilespmem:s25+$0xFFFFFF80] =	vst v8;
	v8 =	vor.u32 v1, v9;
	v9 =	vshll.u32 v10, $0x7;
	v10 =	vld [tilespmem:s25+$0x0]  }
0xc0: {  	[tilespmem:s25+$0xFFFFFF90] =	vst v8;
	v8 =	vor.u32 v2, v9;
	v9 =	vshll.u32 v11, $0x7;
	v11 =	vld [tilespmem:s25+$0x10]  }
0xc1: {  	[tilespmem:s25+$0xFFFFFFA0] =	vst v8;
	v8 =	vor.u32 v3, v9;
	v9 =	vshll.u32 v12, $0x7;
	v12 =	vld [tilespmem:s25+$0x20]  }
0xc2: {  	v15 =	vld [tilespmem:s25+$0x30];
	[tilespmem:s25+$0xFFFFFFB0] =	vst v8;
	v8 =	vor.u32 v4, v9;
	v9 =	vshll.u32 v13, $0x7  }
0xc3: {  	v13 =	vshll.u32 v14, $0x7;
	[tilespmem:s25+$0xFFFFFFC0] =	vst v8;
	v9 =	vor.u32 v5, v9;
	v8 =	vld [tilespmem:s25+$0x40]  }
0xc4: {  	v13 =	vor.u32 v6, v13;
	[tilespmem:s25+$0xFFFFFFD0] =	vst v9;
	v10 =	vshll.u32 v10, $0x7;
	v9 =	vld [tilespmem:s25+$0x50]  }
0xc5: {  	[tilespmem:s25+$0xFFFFFFE0] =	vst v13;
	v13 =	vor.u32 v0, v10;
	v11 =	vshll.u32 v11, $0x7;
	v10 =	vld [tilespmem:s25+$0x60]  }
0xc6: {  	[tilespmem:s25+$0x0] =	vst v13;
	v13 =	vor.u32 v1, v11;
	v14 =	vshll.u32 v12, $0x7;
	v12 =	vld [tilespmem:s25+$0x70]  }
0xc7: {  	s30 =	simm.s32 $0x6180;
	s29 =	simm.s32 $0x0;
	v11 =	vld [tilespmem:s25+$0xFFFFFFF0];
	[tilespmem:s25+$0x10] =	vst v13;
	v13 =	vor.u32 v2, v14;
	v14 =	vshll.u32 v15, $0x7  }
.LBB2_8:
0xc8: {  	v15 =	vld [tilespmem:s30+$0xFFFFFF80];
	[tilespmem:s25+$0x20] =	vst v13;
	v13 =	vor.u32 v3, v14;
	v8 =	vshll.u32 v8, $0x7  }
0xc9: {  	v14 =	vld [tilespmem:s30+$0xFFFFFF90];
	[tilespmem:s25+$0x30] =	vst v13;
	v8 =	vor.u32 v4, v8;
	v9 =	vshll.u32 v9, $0x7  }
0xca: {  	v13 =	vld [tilespmem:s30+$0xFFFFFFA0];
	[tilespmem:s25+$0x40] =	vst v8;
	v8 =	vor.u32 v5, v9;
	v9 =	vshll.u32 v10, $0x7  }
0xcb: {  	v10 =	vld [tilespmem:s30+$0xFFFFFFB0];
	[tilespmem:s25+$0x50] =	vst v8;
	v8 =	vor.u32 v6, v9;
	v9 =	vshll.u32 v12, $0x7  }
0xcc: {  	v12 =	vld [tilespmem:s30+$0xFFFFFFC0];
	v11 =	vshll.u32 v11, $0x7;
	[tilespmem:s25+$0x60] =	vst v8;
	v8 =	vor.u32 v7, v9  }
0xcd: {  	v9 =	vshll.u32 v15, $0x7;
	v15 =	vld [tilespmem:s30+$0xFFFFFFD0];
	v11 =	vor.u32 v7, v11;
	[tilespmem:s25+$0x70] =	vst v8  }
0xce: {  	v8 =	vor.u32 v0, v9;
	v9 =	vshll.u32 v14, $0x7;
	v14 =	vld [tilespmem:s30+$0xFFFFFFE0];
	[tilespmem:s25+$0xFFFFFFF0] =	vst v11;
	s25 =	smov.u32 s30  }
0xcf: {  	[tilespmem:s30+$0xFFFFFF80] =	vst v8;
	v8 =	vor.u32 v1, v9;
	v9 =	vshll.u32 v13, $0x7;
	v11 =	vld [tilespmem:s30+$0x0]  }
0xd0: {  	[tilespmem:s30+$0xFFFFFF90] =	vst v8;
	v8 =	vor.u32 v2, v9;
	v9 =	vshll.u32 v10, $0x7;
	v10 =	vld [tilespmem:s30+$0x10]  }
0xd1: {  	s29 =	sadd.s32 $0x2, s29;
	[tilespmem:s30+$0xFFFFFFA0] =	vst v8;
	v8 =	vor.u32 v3, v9;
	v9 =	vshll.u32 v12, $0x7;
	v12 =	vld [tilespmem:s30+$0x20]  }
0xd2: {  	p0 =	slt.u32 s29, $0x3E;
	[tilespmem:s30+$0xFFFFFFB0] =	vst v8;
	v8 =	vor.u32 v4, v9;
	v9 =	vshll.u32 v15, $0x7;
	v15 =	vld [tilespmem:s30+$0x30]  }
.Ltmp3:
0xd3: {  	[tilespmem:s30+$0xFFFFFFC0] =	vst v8;
	v9 =	vor.u32 v5, v9;
	v13 =	vshll.u32 v14, $0x7;
	v8 =	vld [tilespmem:s30+$0x40];
	(pc) =	sbr.rel @p0 .LBB2_8-.Ltmp3, $4  }
0xd4: {  	[tilespmem:s30+$0xFFFFFFD0] =	vst v9;
	v13 =	vor.u32 v6, v13;
	v11 =	vshll.u32 v11, $0x7;
	v9 =	vld [tilespmem:s30+$0x50]  }
0xd5: {  	[tilespmem:s30+$0xFFFFFFE0] =	vst v13;
	v11 =	vor.u32 v0, v11;
	v13 =	vshll.u32 v10, $0x7;
	v10 =	vld [tilespmem:s30+$0x60]  }
0xd6: {  	[tilespmem:s30+$0x0] =	vst v11;
	v13 =	vor.u32 v1, v13;
	v14 =	vshll.u32 v12, $0x7;
	v12 =	vld [tilespmem:s30+$0x70]  }
0xd7: {  	s30 =	sadd.s32 $0x100, s30;
	v11 =	vld [tilespmem:s25+$0xFFFFFFF0];
	[tilespmem:s25+$0x10] =	vst v13;
	v13 =	vor.u32 v2, v14;
	v14 =	vshll.u32 v15, $0x7  }
0xd8: {  	[tilespmem:s25+$0x20] =	vst v13;
	v13 =	vor.u32 v3, v14;
	v8 =	vshll.u32 v8, $0x7  }
0xd9: {  	[tilespmem:s25+$0x30] =	vst v13;
	v8 =	vor.u32 v4, v8;
	v9 =	vshll.u32 v9, $0x7  }
0xda: {  	[tilespmem:s25+$0x40] =	vst v8;
	v8 =	vor.u32 v5, v9;
	v9 =	vshll.u32 v10, $0x7  }
0xdb: {  	[tilespmem:s25+$0x50] =	vst v8;
	v8 =	vor.u32 v6, v9;
	v9 =	vshll.u32 v12, $0x7  }
0xdc: {  	v10 =	vshll.u32 v11, $0x7;
	[tilespmem:s25+$0x60] =	vst v8;
	v8 =	vor.u32 v7, v9  }
0xdd: {  	v9 =	vor.u32 v7, v10;
	[tilespmem:s25+$0x70] =	vst v8  }
0xde: {  	[tilespmem:s25+$0xFFFFFFF0] =	vst v9;
	s25 =	simm.s32 $0x6000  }
0xdf: {  	[tilespmem:s5], [sflag:$0xC] =	stream.indirect.gather [hbm4b:s1+s21], $0x1, s25, s21, $0xb8;
	[tilespmem:$0x18000] =	vst v63  }
0xe0: {  	s29 =	simm.s32 $0xA000;
	s25 =	rddreg [dreg:$0xb]  }
0xe1: {  	[tilespmem:s29], [sflag:$0x6] =	stream.linear.gather [hbm4b:s25+s3], $0x2000, $0x38;
	[tilespmem:$0x18000] =	vst v63  }
0xe2: {  	_ =	swait.ge [sflag:s24], $0x2000  }
0xe3: {  	[sflag:s24] =	ssyncset.done $0x0  }
0xe4: {  	s25 =	rddreg [dreg:$0xc];
	[sflag:s24] =	ssyncadd.s32 $0xFFFFE000  }
0xe5: {  	[hbm4b:s25+s3] =	stream.linear.scatter [tilespmem:s31], [sflag:$0x13], $0x2000, $0x38;
	[tilespmem:$0x18000] =	vst v63  }
0xe6: {  	_ =	swait.ge [sflag:s7], $0x2000  }
0xe7: {  	[sflag:s7] =	ssyncset.done $0x0  }
0xe8: {  	s25 =	simm.s32 $0x8080;
	[sflag:s7] =	ssyncadd.s32 $0xFFFFE000  }
0xe9: {  	v8 =	vld [tilespmem:s25+$0xFFFFFF80]  }
0xea: {  	v9 =	vld [tilespmem:s25+$0xFFFFFF90]  }
0xeb: {  	v10 =	vld [tilespmem:s25+$0xFFFFFFA0]  }
0xec: {  	v11 =	vld [tilespmem:s25+$0xFFFFFFB0]  }
0xed: {  	v12 =	vld [tilespmem:s25+$0xFFFFFFC0]  }
0xee: {  	v13 =	vld [tilespmem:s25+$0xFFFFFFD0];
	v8 =	vshll.u32 v8, $0x7  }
0xef: {  	v14 =	vld [tilespmem:s25+$0xFFFFFFE0];
	v9 =	vshll.u32 v9, $0x7;
	v8 =	vor.u32 v0, v8  }
0xf0: {  	[tilespmem:s25+$0xFFFFFF80] =	vst v8;
	v8 =	vor.u32 v1, v9;
	v9 =	vshll.u32 v10, $0x7;
	v10 =	vld [tilespmem:s25+$0x0]  }
0xf1: {  	[tilespmem:s25+$0xFFFFFF90] =	vst v8;
	v8 =	vor.u32 v2, v9;
	v9 =	vshll.u32 v11, $0x7;
	v11 =	vld [tilespmem:s25+$0x10]  }
0xf2: {  	[tilespmem:s25+$0xFFFFFFA0] =	vst v8;
	v8 =	vor.u32 v3, v9;
	v9 =	vshll.u32 v12, $0x7;
	v12 =	vld [tilespmem:s25+$0x20]  }
0xf3: {  	v15 =	vld [tilespmem:s25+$0x30];
	[tilespmem:s25+$0xFFFFFFB0] =	vst v8;
	v8 =	vor.u32 v4, v9;
	v9 =	vshll.u32 v13, $0x7  }
0xf4: {  	v13 =	vshll.u32 v14, $0x7;
	[tilespmem:s25+$0xFFFFFFC0] =	vst v8;
	v9 =	vor.u32 v5, v9;
	v8 =	vld [tilespmem:s25+$0x40]  }
0xf5: {  	v13 =	vor.u32 v6, v13;
	[tilespmem:s25+$0xFFFFFFD0] =	vst v9;
	v10 =	vshll.u32 v10, $0x7;
	v9 =	vld [tilespmem:s25+$0x50]  }
0xf6: {  	[tilespmem:s25+$0xFFFFFFE0] =	vst v13;
	v13 =	vor.u32 v0, v10;
	v11 =	vshll.u32 v11, $0x7;
	v10 =	vld [tilespmem:s25+$0x60]  }
0xf7: {  	[tilespmem:s25+$0x0] =	vst v13;
	v13 =	vor.u32 v1, v11;
	v14 =	vshll.u32 v12, $0x7;
	v12 =	vld [tilespmem:s25+$0x70]  }
0xf8: {  	s30 =	simm.s32 $0x8180;
	s29 =	simm.s32 $0x0;
	v11 =	vld [tilespmem:s25+$0xFFFFFFF0];
	[tilespmem:s25+$0x10] =	vst v13;
	v13 =	vor.u32 v2, v14;
	v14 =	vshll.u32 v15, $0x7  }
.LBB2_10:
0xf9: {  	v15 =	vld [tilespmem:s30+$0xFFFFFF80];
	[tilespmem:s25+$0x20] =	vst v13;
	v13 =	vor.u32 v3, v14;
	v8 =	vshll.u32 v8, $0x7  }
0xfa: {  	v14 =	vld [tilespmem:s30+$0xFFFFFF90];
	[tilespmem:s25+$0x30] =	vst v13;
	v8 =	vor.u32 v4, v8;
	v9 =	vshll.u32 v9, $0x7  }
0xfb: {  	v13 =	vld [tilespmem:s30+$0xFFFFFFA0];
	[tilespmem:s25+$0x40] =	vst v8;
	v8 =	vor.u32 v5, v9;
	v9 =	vshll.u32 v10, $0x7  }
0xfc: {  	v10 =	vld [tilespmem:s30+$0xFFFFFFB0];
	[tilespmem:s25+$0x50] =	vst v8;
	v8 =	vor.u32 v6, v9;
	v9 =	vshll.u32 v12, $0x7  }
0xfd: {  	v12 =	vld [tilespmem:s30+$0xFFFFFFC0];
	v11 =	vshll.u32 v11, $0x7;
	[tilespmem:s25+$0x60] =	vst v8;
	v8 =	vor.u32 v7, v9  }
0xfe: {  	v9 =	vshll.u32 v15, $0x7;
	v15 =	vld [tilespmem:s30+$0xFFFFFFD0];
	v11 =	vor.u32 v7, v11;
	[tilespmem:s25+$0x70] =	vst v8  }
0xff: {  	v8 =	vor.u32 v0, v9;
	v9 =	vshll.u32 v14, $0x7;
	v14 =	vld [tilespmem:s30+$0xFFFFFFE0];
	[tilespmem:s25+$0xFFFFFFF0] =	vst v11;
	s25 =	smov.u32 s30  }
0x100: {  	[tilespmem:s30+$0xFFFFFF80] =	vst v8;
	v8 =	vor.u32 v1, v9;
	v9 =	vshll.u32 v13, $0x7;
	v11 =	vld [tilespmem:s30+$0x0]  }
0x101: {  	[tilespmem:s30+$0xFFFFFF90] =	vst v8;
	v8 =	vor.u32 v2, v9;
	v9 =	vshll.u32 v10, $0x7;
	v10 =	vld [tilespmem:s30+$0x10]  }
0x102: {  	s29 =	sadd.s32 $0x2, s29;
	[tilespmem:s30+$0xFFFFFFA0] =	vst v8;
	v8 =	vor.u32 v3, v9;
	v9 =	vshll.u32 v12, $0x7;
	v12 =	vld [tilespmem:s30+$0x20]  }
0x103: {  	p0 =	slt.u32 s29, $0x3E;
	[tilespmem:s30+$0xFFFFFFB0] =	vst v8;
	v8 =	vor.u32 v4, v9;
	v9 =	vshll.u32 v15, $0x7;
	v15 =	vld [tilespmem:s30+$0x30]  }
.Ltmp4:
0x104: {  	[tilespmem:s30+$0xFFFFFFC0] =	vst v8;
	v9 =	vor.u32 v5, v9;
	v13 =	vshll.u32 v14, $0x7;
	v8 =	vld [tilespmem:s30+$0x40];
	(pc) =	sbr.rel @p0 .LBB2_10-.Ltmp4, $4  }
0x105: {  	[tilespmem:s30+$0xFFFFFFD0] =	vst v9;
	v13 =	vor.u32 v6, v13;
	v11 =	vshll.u32 v11, $0x7;
	v9 =	vld [tilespmem:s30+$0x50]  }
0x106: {  	[tilespmem:s30+$0xFFFFFFE0] =	vst v13;
	v11 =	vor.u32 v0, v11;
	v13 =	vshll.u32 v10, $0x7;
	v10 =	vld [tilespmem:s30+$0x60]  }
0x107: {  	[tilespmem:s30+$0x0] =	vst v11;
	v13 =	vor.u32 v1, v13;
	v14 =	vshll.u32 v12, $0x7;
	v12 =	vld [tilespmem:s30+$0x70]  }
0x108: {  	s30 =	sadd.s32 $0x100, s30;
	v11 =	vld [tilespmem:s25+$0xFFFFFFF0];
	[tilespmem:s25+$0x10] =	vst v13;
	v13 =	vor.u32 v2, v14;
	v14 =	vshll.u32 v15, $0x7  }
0x109: {  	[tilespmem:s25+$0x20] =	vst v13;
	v13 =	vor.u32 v3, v14;
	v8 =	vshll.u32 v8, $0x7  }
0x10a: {  	[tilespmem:s25+$0x30] =	vst v13;
	v8 =	vor.u32 v4, v8;
	v9 =	vshll.u32 v9, $0x7  }
0x10b: {  	[tilespmem:s25+$0x40] =	vst v8;
	v8 =	vor.u32 v5, v9;
	v9 =	vshll.u32 v10, $0x7  }
0x10c: {  	[tilespmem:s25+$0x50] =	vst v8;
	v8 =	vor.u32 v6, v9;
	v9 =	vshll.u32 v12, $0x7  }
0x10d: {  	v10 =	vshll.u32 v11, $0x7;
	[tilespmem:s25+$0x60] =	vst v8;
	v8 =	vor.u32 v7, v9  }
0x10e: {  	v9 =	vor.u32 v7, v10;
	[tilespmem:s25+$0x70] =	vst v8  }
0x10f: {  	[tilespmem:s25+$0xFFFFFFF0] =	vst v9  }
0x110: {  	_ =	swait.ge [sflag:s8], $0x2000  }
0x111: {  	[sflag:s8] =	ssyncset.done $0x0  }
0x112: {  	s25 =	simm.s32 $0x8000;
	[sflag:s8] =	ssyncadd.s32 $0xFFFFE000  }
0x113: {  	[tilespmem:s23], [sflag:$0xD] =	stream.indirect.gather [hbm4b:s1+s21], $0x1, s25, s21, $0xb8;
	[tilespmem:$0x18000] =	vst v63  }
0x114: {  	s29 =	simm.s32 $0xC000;
	s25 =	rddreg [dreg:$0xd]  }
0x115: {  	[tilespmem:s29], [sflag:$0x7] =	stream.linear.gather [hbm4b:s25+s3], $0x2000, $0x38;
	[tilespmem:$0x18000] =	vst v63  }
0x116: {  	_ =	swait.ge [sflag:s9], $0x2000  }
0x117: {  	[sflag:s9] =	ssyncset.done $0x0  }
0x118: {  	s25 =	rddreg [dreg:$0xe];
	[sflag:s9] =	ssyncadd.s32 $0xFFFFE000  }
0x119: {  	[hbm4b:s25+s3] =	stream.linear.scatter [tilespmem:s5], [sflag:$0x14], $0x2000, $0x38;
	[tilespmem:$0x18000] =	vst v63  }
0x11a: {  	_ =	swait.ge [sflag:s10], $0x2000  }
0x11b: {  	[sflag:s10] =	ssyncset.done $0x0  }
0x11c: {  	s25 =	simm.s32 $0xA080;
	[sflag:s10] =	ssyncadd.s32 $0xFFFFE000  }
0x11d: {  	v8 =	vld [tilespmem:s25+$0xFFFFFF80]  }
0x11e: {  	v9 =	vld [tilespmem:s25+$0xFFFFFF90]  }
0x11f: {  	v10 =	vld [tilespmem:s25+$0xFFFFFFA0]  }
0x120: {  	v11 =	vld [tilespmem:s25+$0xFFFFFFB0]  }
0x121: {  	v12 =	vld [tilespmem:s25+$0xFFFFFFC0]  }
0x122: {  	v13 =	vld [tilespmem:s25+$0xFFFFFFD0];
	v8 =	vshll.u32 v8, $0x7  }
0x123: {  	v14 =	vld [tilespmem:s25+$0xFFFFFFE0];
	v9 =	vshll.u32 v9, $0x7;
	v8 =	vor.u32 v0, v8  }
0x124: {  	[tilespmem:s25+$0xFFFFFF80] =	vst v8;
	v8 =	vor.u32 v1, v9;
	v9 =	vshll.u32 v10, $0x7;
	v10 =	vld [tilespmem:s25+$0x0]  }
0x125: {  	[tilespmem:s25+$0xFFFFFF90] =	vst v8;
	v8 =	vor.u32 v2, v9;
	v9 =	vshll.u32 v11, $0x7;
	v11 =	vld [tilespmem:s25+$0x10]  }
0x126: {  	[tilespmem:s25+$0xFFFFFFA0] =	vst v8;
	v8 =	vor.u32 v3, v9;
	v9 =	vshll.u32 v12, $0x7;
	v12 =	vld [tilespmem:s25+$0x20]  }
0x127: {  	v15 =	vld [tilespmem:s25+$0x30];
	[tilespmem:s25+$0xFFFFFFB0] =	vst v8;
	v8 =	vor.u32 v4, v9;
	v9 =	vshll.u32 v13, $0x7  }
0x128: {  	v13 =	vshll.u32 v14, $0x7;
	[tilespmem:s25+$0xFFFFFFC0] =	vst v8;
	v9 =	vor.u32 v5, v9;
	v8 =	vld [tilespmem:s25+$0x40]  }
0x129: {  	v13 =	vor.u32 v6, v13;
	[tilespmem:s25+$0xFFFFFFD0] =	vst v9;
	v10 =	vshll.u32 v10, $0x7;
	v9 =	vld [tilespmem:s25+$0x50]  }
0x12a: {  	[tilespmem:s25+$0xFFFFFFE0] =	vst v13;
	v13 =	vor.u32 v0, v10;
	v11 =	vshll.u32 v11, $0x7;
	v10 =	vld [tilespmem:s25+$0x60]  }
0x12b: {  	[tilespmem:s25+$0x0] =	vst v13;
	v13 =	vor.u32 v1, v11;
	v14 =	vshll.u32 v12, $0x7;
	v12 =	vld [tilespmem:s25+$0x70]  }
0x12c: {  	s30 =	simm.s32 $0xA180;
	s29 =	simm.s32 $0x0;
	v11 =	vld [tilespmem:s25+$0xFFFFFFF0];
	[tilespmem:s25+$0x10] =	vst v13;
	v13 =	vor.u32 v2, v14;
	v14 =	vshll.u32 v15, $0x7  }
.LBB2_12:
0x12d: {  	v15 =	vld [tilespmem:s30+$0xFFFFFF80];
	[tilespmem:s25+$0x20] =	vst v13;
	v13 =	vor.u32 v3, v14;
	v8 =	vshll.u32 v8, $0x7  }
0x12e: {  	v14 =	vld [tilespmem:s30+$0xFFFFFF90];
	[tilespmem:s25+$0x30] =	vst v13;
	v8 =	vor.u32 v4, v8;
	v9 =	vshll.u32 v9, $0x7  }
0x12f: {  	v13 =	vld [tilespmem:s30+$0xFFFFFFA0];
	[tilespmem:s25+$0x40] =	vst v8;
	v8 =	vor.u32 v5, v9;
	v9 =	vshll.u32 v10, $0x7  }
0x130: {  	v10 =	vld [tilespmem:s30+$0xFFFFFFB0];
	[tilespmem:s25+$0x50] =	vst v8;
	v8 =	vor.u32 v6, v9;
	v9 =	vshll.u32 v12, $0x7  }
0x131: {  	v12 =	vld [tilespmem:s30+$0xFFFFFFC0];
	v11 =	vshll.u32 v11, $0x7;
	[tilespmem:s25+$0x60] =	vst v8;
	v8 =	vor.u32 v7, v9  }
0x132: {  	v9 =	vshll.u32 v15, $0x7;
	v15 =	vld [tilespmem:s30+$0xFFFFFFD0];
	v11 =	vor.u32 v7, v11;
	[tilespmem:s25+$0x70] =	vst v8  }
0x133: {  	v8 =	vor.u32 v0, v9;
	v9 =	vshll.u32 v14, $0x7;
	v14 =	vld [tilespmem:s30+$0xFFFFFFE0];
	[tilespmem:s25+$0xFFFFFFF0] =	vst v11;
	s25 =	smov.u32 s30  }
0x134: {  	[tilespmem:s30+$0xFFFFFF80] =	vst v8;
	v8 =	vor.u32 v1, v9;
	v9 =	vshll.u32 v13, $0x7;
	v11 =	vld [tilespmem:s30+$0x0]  }
0x135: {  	[tilespmem:s30+$0xFFFFFF90] =	vst v8;
	v8 =	vor.u32 v2, v9;
	v9 =	vshll.u32 v10, $0x7;
	v10 =	vld [tilespmem:s30+$0x10]  }
0x136: {  	s29 =	sadd.s32 $0x2, s29;
	[tilespmem:s30+$0xFFFFFFA0] =	vst v8;
	v8 =	vor.u32 v3, v9;
	v9 =	vshll.u32 v12, $0x7;
	v12 =	vld [tilespmem:s30+$0x20]  }
0x137: {  	p0 =	slt.u32 s29, $0x3E;
	[tilespmem:s30+$0xFFFFFFB0] =	vst v8;
	v8 =	vor.u32 v4, v9;
	v9 =	vshll.u32 v15, $0x7;
	v15 =	vld [tilespmem:s30+$0x30]  }
.Ltmp5:
0x138: {  	[tilespmem:s30+$0xFFFFFFC0] =	vst v8;
	v9 =	vor.u32 v5, v9;
	v13 =	vshll.u32 v14, $0x7;
	v8 =	vld [tilespmem:s30+$0x40];
	(pc) =	sbr.rel @p0 .LBB2_12-.Ltmp5, $4  }
0x139: {  	[tilespmem:s30+$0xFFFFFFD0] =	vst v9;
	v13 =	vor.u32 v6, v13;
	v11 =	vshll.u32 v11, $0x7;
	v9 =	vld [tilespmem:s30+$0x50]  }
0x13a: {  	[tilespmem:s30+$0xFFFFFFE0] =	vst v13;
	v11 =	vor.u32 v0, v11;
	v13 =	vshll.u32 v10, $0x7;
	v10 =	vld [tilespmem:s30+$0x60]  }
0x13b: {  	[tilespmem:s30+$0x0] =	vst v11;
	v13 =	vor.u32 v1, v13;
	v14 =	vshll.u32 v12, $0x7;
	v12 =	vld [tilespmem:s30+$0x70]  }
0x13c: {  	s30 =	sadd.s32 $0x100, s30;
	v11 =	vld [tilespmem:s25+$0xFFFFFFF0];
	[tilespmem:s25+$0x10] =	vst v13;
	v13 =	vor.u32 v2, v14;
	v14 =	vshll.u32 v15, $0x7  }
0x13d: {  	[tilespmem:s25+$0x20] =	vst v13;
	v13 =	vor.u32 v3, v14;
	v8 =	vshll.u32 v8, $0x7  }
0x13e: {  	[tilespmem:s25+$0x30] =	vst v13;
	v8 =	vor.u32 v4, v8;
	v9 =	vshll.u32 v9, $0x7  }
0x13f: {  	[tilespmem:s25+$0x40] =	vst v8;
	v8 =	vor.u32 v5, v9;
	v9 =	vshll.u32 v10, $0x7  }
0x140: {  	[tilespmem:s25+$0x50] =	vst v8;
	v8 =	vor.u32 v6, v9;
	v9 =	vshll.u32 v12, $0x7  }
0x141: {  	v10 =	vshll.u32 v11, $0x7;
	[tilespmem:s25+$0x60] =	vst v8;
	v8 =	vor.u32 v7, v9  }
0x142: {  	v9 =	vor.u32 v7, v10;
	[tilespmem:s25+$0x70] =	vst v8  }
0x143: {  	[tilespmem:s25+$0xFFFFFFF0] =	vst v9  }
0x144: {  	_ =	swait.ge [sflag:s11], $0x2000  }
0x145: {  	[sflag:s11] =	ssyncset.done $0x0  }
0x146: {  	s25 =	simm.s32 $0xA000;
	[sflag:s11] =	ssyncadd.s32 $0xFFFFE000  }
0x147: {  	[tilespmem:s26], [sflag:$0xE] =	stream.indirect.gather [hbm4b:s1+s21], $0x1, s25, s21, $0xb8;
	[tilespmem:$0x18000] =	vst v63  }
0x148: {  	s29 =	simm.s32 $0xE000;
	s25 =	rddreg [dreg:$0xf]  }
0x149: {  	[tilespmem:s29], [sflag:$0x8] =	stream.linear.gather [hbm4b:s25+s3], $0x2000, $0x38;
	[tilespmem:$0x18000] =	vst v63  }
0x14a: {  	_ =	swait.ge [sflag:s12], $0x2000  }
0x14b: {  	[sflag:s12] =	ssyncset.done $0x0  }
0x14c: {  	s25 =	rddreg [dreg:$0x10];
	[sflag:s12] =	ssyncadd.s32 $0xFFFFE000  }
0x14d: {  	[hbm4b:s25+s3] =	stream.linear.scatter [tilespmem:s23], [sflag:$0x15], $0x2000, $0x38;
	[tilespmem:$0x18000] =	vst v63  }
0x14e: {  	_ =	swait.ge [sflag:s13], $0x2000  }
0x14f: {  	[sflag:s13] =	ssyncset.done $0x0  }
0x150: {  	s25 =	simm.s32 $0xC080;
	[sflag:s13] =	ssyncadd.s32 $0xFFFFE000  }
0x151: {  	v8 =	vld [tilespmem:s25+$0xFFFFFF80]  }
0x152: {  	v9 =	vld [tilespmem:s25+$0xFFFFFF90]  }
0x153: {  	v10 =	vld [tilespmem:s25+$0xFFFFFFA0]  }
0x154: {  	v11 =	vld [tilespmem:s25+$0xFFFFFFB0]  }
0x155: {  	v12 =	vld [tilespmem:s25+$0xFFFFFFC0]  }
0x156: {  	v13 =	vld [tilespmem:s25+$0xFFFFFFD0];
	v8 =	vshll.u32 v8, $0x7  }
0x157: {  	v14 =	vld [tilespmem:s25+$0xFFFFFFE0];
	v9 =	vshll.u32 v9, $0x7;
	v8 =	vor.u32 v0, v8  }
0x158: {  	[tilespmem:s25+$0xFFFFFF80] =	vst v8;
	v8 =	vor.u32 v1, v9;
	v9 =	vshll.u32 v10, $0x7;
	v10 =	vld [tilespmem:s25+$0x0]  }
0x159: {  	[tilespmem:s25+$0xFFFFFF90] =	vst v8;
	v8 =	vor.u32 v2, v9;
	v9 =	vshll.u32 v11, $0x7;
	v11 =	vld [tilespmem:s25+$0x10]  }
0x15a: {  	[tilespmem:s25+$0xFFFFFFA0] =	vst v8;
	v8 =	vor.u32 v3, v9;
	v9 =	vshll.u32 v12, $0x7;
	v12 =	vld [tilespmem:s25+$0x20]  }
0x15b: {  	v15 =	vld [tilespmem:s25+$0x30];
	[tilespmem:s25+$0xFFFFFFB0] =	vst v8;
	v8 =	vor.u32 v4, v9;
	v9 =	vshll.u32 v13, $0x7  }
0x15c: {  	v13 =	vshll.u32 v14, $0x7;
	[tilespmem:s25+$0xFFFFFFC0] =	vst v8;
	v9 =	vor.u32 v5, v9;
	v8 =	vld [tilespmem:s25+$0x40]  }
0x15d: {  	v13 =	vor.u32 v6, v13;
	[tilespmem:s25+$0xFFFFFFD0] =	vst v9;
	v10 =	vshll.u32 v10, $0x7;
	v9 =	vld [tilespmem:s25+$0x50]  }
0x15e: {  	[tilespmem:s25+$0xFFFFFFE0] =	vst v13;
	v13 =	vor.u32 v0, v10;
	v11 =	vshll.u32 v11, $0x7;
	v10 =	vld [tilespmem:s25+$0x60]  }
0x15f: {  	[tilespmem:s25+$0x0] =	vst v13;
	v13 =	vor.u32 v1, v11;
	v14 =	vshll.u32 v12, $0x7;
	v12 =	vld [tilespmem:s25+$0x70]  }
0x160: {  	s30 =	simm.s32 $0xC180;
	s29 =	simm.s32 $0x0;
	v11 =	vld [tilespmem:s25+$0xFFFFFFF0];
	[tilespmem:s25+$0x10] =	vst v13;
	v13 =	vor.u32 v2, v14;
	v14 =	vshll.u32 v15, $0x7  }
.LBB2_14:
0x161: {  	v15 =	vld [tilespmem:s30+$0xFFFFFF80];
	[tilespmem:s25+$0x20] =	vst v13;
	v13 =	vor.u32 v3, v14;
	v8 =	vshll.u32 v8, $0x7  }
0x162: {  	v14 =	vld [tilespmem:s30+$0xFFFFFF90];
	[tilespmem:s25+$0x30] =	vst v13;
	v8 =	vor.u32 v4, v8;
	v9 =	vshll.u32 v9, $0x7  }
0x163: {  	v13 =	vld [tilespmem:s30+$0xFFFFFFA0];
	[tilespmem:s25+$0x40] =	vst v8;
	v8 =	vor.u32 v5, v9;
	v9 =	vshll.u32 v10, $0x7  }
0x164: {  	v10 =	vld [tilespmem:s30+$0xFFFFFFB0];
	[tilespmem:s25+$0x50] =	vst v8;
	v8 =	vor.u32 v6, v9;
	v9 =	vshll.u32 v12, $0x7  }
0x165: {  	v12 =	vld [tilespmem:s30+$0xFFFFFFC0];
	v11 =	vshll.u32 v11, $0x7;
	[tilespmem:s25+$0x60] =	vst v8;
	v8 =	vor.u32 v7, v9  }
0x166: {  	v9 =	vshll.u32 v15, $0x7;
	v15 =	vld [tilespmem:s30+$0xFFFFFFD0];
	v11 =	vor.u32 v7, v11;
	[tilespmem:s25+$0x70] =	vst v8  }
0x167: {  	v8 =	vor.u32 v0, v9;
	v9 =	vshll.u32 v14, $0x7;
	v14 =	vld [tilespmem:s30+$0xFFFFFFE0];
	[tilespmem:s25+$0xFFFFFFF0] =	vst v11;
	s25 =	smov.u32 s30  }
0x168: {  	[tilespmem:s30+$0xFFFFFF80] =	vst v8;
	v8 =	vor.u32 v1, v9;
	v9 =	vshll.u32 v13, $0x7;
	v11 =	vld [tilespmem:s30+$0x0]  }
0x169: {  	[tilespmem:s30+$0xFFFFFF90] =	vst v8;
	v8 =	vor.u32 v2, v9;
	v9 =	vshll.u32 v10, $0x7;
	v10 =	vld [tilespmem:s30+$0x10]  }
0x16a: {  	s29 =	sadd.s32 $0x2, s29;
	[tilespmem:s30+$0xFFFFFFA0] =	vst v8;
	v8 =	vor.u32 v3, v9;
	v9 =	vshll.u32 v12, $0x7;
	v12 =	vld [tilespmem:s30+$0x20]  }
0x16b: {  	p0 =	slt.u32 s29, $0x3E;
	[tilespmem:s30+$0xFFFFFFB0] =	vst v8;
	v8 =	vor.u32 v4, v9;
	v9 =	vshll.u32 v15, $0x7;
	v15 =	vld [tilespmem:s30+$0x30]  }
.Ltmp6:
0x16c: {  	[tilespmem:s30+$0xFFFFFFC0] =	vst v8;
	v9 =	vor.u32 v5, v9;
	v13 =	vshll.u32 v14, $0x7;
	v8 =	vld [tilespmem:s30+$0x40];
	(pc) =	sbr.rel @p0 .LBB2_14-.Ltmp6, $4  }
0x16d: {  	[tilespmem:s30+$0xFFFFFFD0] =	vst v9;
	v13 =	vor.u32 v6, v13;
	v11 =	vshll.u32 v11, $0x7;
	v9 =	vld [tilespmem:s30+$0x50]  }
0x16e: {  	[tilespmem:s30+$0xFFFFFFE0] =	vst v13;
	v11 =	vor.u32 v0, v11;
	v13 =	vshll.u32 v10, $0x7;
	v10 =	vld [tilespmem:s30+$0x60]  }
0x16f: {  	[tilespmem:s30+$0x0] =	vst v11;
	v13 =	vor.u32 v1, v13;
	v14 =	vshll.u32 v12, $0x7;
	v12 =	vld [tilespmem:s30+$0x70]  }
0x170: {  	s30 =	sadd.s32 $0x100, s30;
	v11 =	vld [tilespmem:s25+$0xFFFFFFF0];
	[tilespmem:s25+$0x10] =	vst v13;
	v13 =	vor.u32 v2, v14;
	v14 =	vshll.u32 v15, $0x7  }
0x171: {  	[tilespmem:s25+$0x20] =	vst v13;
	v13 =	vor.u32 v3, v14;
	v8 =	vshll.u32 v8, $0x7  }
0x172: {  	[tilespmem:s25+$0x30] =	vst v13;
	v8 =	vor.u32 v4, v8;
	v9 =	vshll.u32 v9, $0x7  }
0x173: {  	[tilespmem:s25+$0x40] =	vst v8;
	v8 =	vor.u32 v5, v9;
	v9 =	vshll.u32 v10, $0x7  }
0x174: {  	[tilespmem:s25+$0x50] =	vst v8;
	v8 =	vor.u32 v6, v9;
	v9 =	vshll.u32 v12, $0x7  }
0x175: {  	v10 =	vshll.u32 v11, $0x7;
	[tilespmem:s25+$0x60] =	vst v8;
	v8 =	vor.u32 v7, v9  }
0x176: {  	v9 =	vor.u32 v7, v10;
	[tilespmem:s25+$0x70] =	vst v8  }
0x177: {  	[tilespmem:s25+$0xFFFFFFF0] =	vst v9  }
0x178: {  	_ =	swait.ge [sflag:s14], $0x2000  }
0x179: {  	[sflag:s14] =	ssyncset.done $0x0  }
0x17a: {  	s25 =	simm.s32 $0xC000;
	[sflag:s14] =	ssyncadd.s32 $0xFFFFE000  }
0x17b: {  	[tilespmem:s31], [sflag:$0xF] =	stream.indirect.gather [hbm4b:s1+s21], $0x1, s25, s21, $0xb8;
	[tilespmem:$0x18000] =	vst v63  }
0x17c: {  	_ =	swait.ge [sflag:s6], $0x2000  }
0x17d: {  	[sflag:s6] =	ssyncset.done $0x0  }
0x17e: {  	s25 =	rddreg [dreg:$0x11];
	[sflag:s6] =	ssyncadd.s32 $0xFFFFE000  }
0x17f: {  	[hbm4b:s25+s3] =	stream.linear.scatter [tilespmem:s26], [sflag:$0x16], $0x2000, $0x38;
	[tilespmem:$0x18000] =	vst v63  }
0x180: {  	_ =	swait.ge [sflag:s15], $0x2000  }
0x181: {  	[sflag:s15] =	ssyncset.done $0x0  }
0x182: {  	s25 =	simm.s32 $0xE080;
	[sflag:s15] =	ssyncadd.s32 $0xFFFFE000  }
0x183: {  	v8 =	vld [tilespmem:s25+$0xFFFFFF80]  }
0x184: {  	v9 =	vld [tilespmem:s25+$0xFFFFFF90]  }
0x185: {  	v10 =	vld [tilespmem:s25+$0xFFFFFFA0]  }
0x186: {  	v11 =	vld [tilespmem:s25+$0xFFFFFFB0]  }
0x187: {  	v12 =	vld [tilespmem:s25+$0xFFFFFFC0]  }
0x188: {  	v13 =	vld [tilespmem:s25+$0xFFFFFFD0];
	v8 =	vshll.u32 v8, $0x7  }
0x189: {  	v14 =	vld [tilespmem:s25+$0xFFFFFFE0];
	v9 =	vshll.u32 v9, $0x7;
	v8 =	vor.u32 v0, v8  }
0x18a: {  	[tilespmem:s25+$0xFFFFFF80] =	vst v8;
	v8 =	vor.u32 v1, v9;
	v9 =	vshll.u32 v10, $0x7;
	v10 =	vld [tilespmem:s25+$0x0]  }
0x18b: {  	[tilespmem:s25+$0xFFFFFF90] =	vst v8;
	v8 =	vor.u32 v2, v9;
	v9 =	vshll.u32 v11, $0x7;
	v11 =	vld [tilespmem:s25+$0x10]  }
0x18c: {  	[tilespmem:s25+$0xFFFFFFA0] =	vst v8;
	v8 =	vor.u32 v3, v9;
	v9 =	vshll.u32 v12, $0x7;
	v12 =	vld [tilespmem:s25+$0x20]  }
0x18d: {  	v15 =	vld [tilespmem:s25+$0x30];
	[tilespmem:s25+$0xFFFFFFB0] =	vst v8;
	v8 =	vor.u32 v4, v9;
	v9 =	vshll.u32 v13, $0x7  }
0x18e: {  	v13 =	vshll.u32 v14, $0x7;
	[tilespmem:s25+$0xFFFFFFC0] =	vst v8;
	v9 =	vor.u32 v5, v9;
	v8 =	vld [tilespmem:s25+$0x40]  }
0x18f: {  	v13 =	vor.u32 v6, v13;
	[tilespmem:s25+$0xFFFFFFD0] =	vst v9;
	v10 =	vshll.u32 v10, $0x7;
	v9 =	vld [tilespmem:s25+$0x50]  }
0x190: {  	[tilespmem:s25+$0xFFFFFFE0] =	vst v13;
	v13 =	vor.u32 v0, v10;
	v11 =	vshll.u32 v11, $0x7;
	v10 =	vld [tilespmem:s25+$0x60]  }
0x191: {  	[tilespmem:s25+$0x0] =	vst v13;
	v13 =	vor.u32 v1, v11;
	v14 =	vshll.u32 v12, $0x7;
	v12 =	vld [tilespmem:s25+$0x70]  }
0x192: {  	s29 =	simm.s32 $0x0;
	s30 =	simm.s32 $0xE180;
	v11 =	vld [tilespmem:s25+$0xFFFFFFF0];
	[tilespmem:s25+$0x10] =	vst v13;
	v13 =	vor.u32 v2, v14;
	v14 =	vshll.u32 v15, $0x7  }
.LBB2_16:
0x193: {  	v15 =	vld [tilespmem:s30+$0xFFFFFF80];
	[tilespmem:s25+$0x20] =	vst v13;
	v13 =	vor.u32 v3, v14;
	v8 =	vshll.u32 v8, $0x7  }
0x194: {  	v14 =	vld [tilespmem:s30+$0xFFFFFF90];
	[tilespmem:s25+$0x30] =	vst v13;
	v8 =	vor.u32 v4, v8;
	v9 =	vshll.u32 v9, $0x7  }
0x195: {  	v13 =	vld [tilespmem:s30+$0xFFFFFFA0];
	[tilespmem:s25+$0x40] =	vst v8;
	v8 =	vor.u32 v5, v9;
	v9 =	vshll.u32 v10, $0x7  }
0x196: {  	v10 =	vld [tilespmem:s30+$0xFFFFFFB0];
	[tilespmem:s25+$0x50] =	vst v8;
	v8 =	vor.u32 v6, v9;
	v9 =	vshll.u32 v12, $0x7  }
0x197: {  	v12 =	vld [tilespmem:s30+$0xFFFFFFC0];
	v11 =	vshll.u32 v11, $0x7;
	[tilespmem:s25+$0x60] =	vst v8;
	v8 =	vor.u32 v7, v9  }
0x198: {  	v9 =	vshll.u32 v15, $0x7;
	v15 =	vld [tilespmem:s30+$0xFFFFFFD0];
	v11 =	vor.u32 v7, v11;
	[tilespmem:s25+$0x70] =	vst v8  }
0x199: {  	v8 =	vor.u32 v0, v9;
	v9 =	vshll.u32 v14, $0x7;
	v14 =	vld [tilespmem:s30+$0xFFFFFFE0];
	[tilespmem:s25+$0xFFFFFFF0] =	vst v11;
	s25 =	smov.u32 s30  }
0x19a: {  	[tilespmem:s30+$0xFFFFFF80] =	vst v8;
	v8 =	vor.u32 v1, v9;
	v9 =	vshll.u32 v13, $0x7;
	v11 =	vld [tilespmem:s30+$0x0]  }
0x19b: {  	[tilespmem:s30+$0xFFFFFF90] =	vst v8;
	v8 =	vor.u32 v2, v9;
	v9 =	vshll.u32 v10, $0x7;
	v10 =	vld [tilespmem:s30+$0x10]  }
0x19c: {  	s29 =	sadd.s32 $0x2, s29;
	[tilespmem:s30+$0xFFFFFFA0] =	vst v8;
	v8 =	vor.u32 v3, v9;
	v9 =	vshll.u32 v12, $0x7;
	v12 =	vld [tilespmem:s30+$0x20]  }
0x19d: {  	p0 =	slt.u32 s29, $0x3E;
	[tilespmem:s30+$0xFFFFFFB0] =	vst v8;
	v8 =	vor.u32 v4, v9;
	v9 =	vshll.u32 v15, $0x7;
	v15 =	vld [tilespmem:s30+$0x30]  }
.Ltmp7:
0x19e: {  	[tilespmem:s30+$0xFFFFFFC0] =	vst v8;
	v9 =	vor.u32 v5, v9;
	v13 =	vshll.u32 v14, $0x7;
	v8 =	vld [tilespmem:s30+$0x40];
	(pc) =	sbr.rel @p0 .LBB2_16-.Ltmp7, $4  }
0x19f: {  	[tilespmem:s30+$0xFFFFFFD0] =	vst v9;
	v13 =	vor.u32 v6, v13;
	v11 =	vshll.u32 v11, $0x7;
	v9 =	vld [tilespmem:s30+$0x50]  }
0x1a0: {  	[tilespmem:s30+$0xFFFFFFE0] =	vst v13;
	v11 =	vor.u32 v0, v11;
	v13 =	vshll.u32 v10, $0x7;
	v10 =	vld [tilespmem:s30+$0x60]  }
0x1a1: {  	[tilespmem:s30+$0x0] =	vst v11;
	v13 =	vor.u32 v1, v13;
	v14 =	vshll.u32 v12, $0x7;
	v12 =	vld [tilespmem:s30+$0x70]  }
0x1a2: {  	s30 =	sadd.s32 $0x100, s30;
	v11 =	vld [tilespmem:s25+$0xFFFFFFF0];
	[tilespmem:s25+$0x10] =	vst v13;
	v13 =	vor.u32 v2, v14;
	v14 =	vshll.u32 v15, $0x7  }
0x1a3: {  	[tilespmem:s25+$0x20] =	vst v13;
	v59 =	vor.u32 v3, v14;
	v8 =	vshll.u32 v8, $0x7  }
0x1a4: {  	[tilespmem:s25+$0x30] =	vst v59;
	v8 =	vor.u32 v4, v8;
	v9 =	vshll.u32 v9, $0x7  }
0x1a5: {  	[tilespmem:s25+$0x40] =	vst v8;
	v8 =	vor.u32 v5, v9;
	v60 =	vshll.u32 v10, $0x7  }
0x1a6: {  	[tilespmem:s25+$0x50] =	vst v8;
	v8 =	vor.u32 v6, v60;
	v61 =	vshll.u32 v12, $0x7  }
0x1a7: {  	v62 =	vshll.u32 v11, $0x7;
	[tilespmem:s25+$0x60] =	vst v8;
	v8 =	vor.u32 v7, v61  }
0x1a8: {  	v63 =	vor.u32 v7, v62;
	[tilespmem:s25+$0x70] =	vst v8  }
0x1a9: {  	[tilespmem:s25+$0xFFFFFFF0] =	vst v63  }
0x1aa: {  	_ =	swait.ge [sflag:s16], $0x2000  }
0x1ab: {  	[sflag:s16] =	ssyncset.done $0x0  }
0x1ac: {  	s29 =	simm.s32 $0xE000;
	[sflag:s16] =	ssyncadd.s32 $0xFFFFE000  }
0x1ad: {  	[tilespmem:s5], [sflag:$0x10] =	stream.indirect.gather [hbm4b:s1+s21], $0x1, s29, s21, $0xb8;
	[tilespmem:$0x18000] =	vst v63  }
0x1ae: {  	_ =	swait.ge [sflag:s17], $0x2000  }
0x1af: {  	[sflag:s17] =	ssyncset.done $0x0  }
0x1b0: {  	s30 =	rddreg [dreg:$0x12];
	[sflag:s17] =	ssyncadd.s32 $0xFFFFE000  }
0x1b1: {  	[hbm4b:s30+s3] =	stream.linear.scatter [tilespmem:s31], [sflag:$0x17], $0x2000, $0x38;
	[tilespmem:$0x18000] =	vst v63  }
0x1b2: {  	_ =	swait.ge [sflag:s28], $0x2000  }
0x1b3: {  	[sflag:s28] =	ssyncset.done $0x0  }
0x1b4: {  	s29 =	rddreg [dreg:$0x13];
	[sflag:s28] =	ssyncadd.s32 $0xFFFFE000  }
0x1b5: {  	[hbm4b:s29+s3] =	stream.linear.scatter [tilespmem:s5], [sflag:$0x18], $0x2000, $0x38;
	[tilespmem:$0x18000] =	vst v63  }
0x1b6: {  	_ =	swait.ge [sflag:s18], $0x2000  }
0x1b7: {  	[sflag:s18] =	ssyncset.done $0x0  }
0x1b8: {  	[sflag:s18] =	ssyncadd.s32 $0xFFFFE000  }
0x1b9: {  	_ =	swait.ge [sflag:s19], $0x2000  }
0x1ba: {  	[sflag:s19] =	ssyncset.done $0x0  }
0x1bb: {  	[sflag:s19] =	ssyncadd.s32 $0xFFFFE000  }
0x1bc: {  	_ =	swait.ge [sflag:s20], $0x2000  }
0x1bd: {  	[sflag:s20] =	ssyncset.done $0x0  }
0x1be: {  	[sflag:s20] =	ssyncadd.s32 $0xFFFFE000  }
0x1bf: {  	_ =	swait.ge [sflag:s0], $0x2000  }
0x1c0: {  	s22 =	sadd.s32 $0x1, s22;
	s30 =	rddreg [dreg:$0x14]  }
0x1c1: {  	p0 =	sne.s32 s22, s30  }
.Ltmp8:
0x1c2: {  	_ = 	snop;
	(pc) =	sbr.rel @p0 .LBB2_1-.Ltmp8, $3  }
0x1c3: {  	_ =	sdelay $0x1  }
0x1c4: {  	[sflag:s0] =	ssyncset.done $0x0  }
0x1c5: {  	[sflag:s0] =	ssyncadd.s32 $0xFFFFE000  }
0x1c6: {  	_ =	sfence.sel $0x180000  }
0x1c7: {  	[bflag:$0x0] =	sbarrier.arrive $0xFFFF  }
0x1c8: {  	_ =	strace $0x90000047  }
0x1c9: {  	s0 =	stileid.u32;
	[bflag:$0x2] =	sbarrier.arrive $0xFFFF  }
0x1ca: {  	p0 =	sne.s32 s0, $0x0;
	s0 =	rddreg [dreg:$0x3]  }
0x1cb: {  	s0 =	sadd.s32 @!p0 $0x100000, s0  }
0x1cc: {  	[sflag:s0] =	ssyncadd.tile.s32 @!p0 $0x1;
	_ =	shalt  }
.Lfunc_end2:
_tile_overlayer_lowered:
.L_overlay_start_2:
0x1cd: {  	(tag) =	ssettag $0x2  }
0x1ce: {  	s0 =	rddreg [dreg:$0x0];
	s2 =	stileid.u32  }
0x1cf: {  	s1 =	rddreg [dreg:$0x1];
	p0 =	sne.s32 s2, $0x0  }
0x1d0: {  	s3 =	rddreg [dreg:$0x2];
	[bflag:$0x3] =	sbarrier.arrive $0xFFFF;
	s2 =	simm.s32 @!p0 $0x1C19  }
0x1d1: {  	[timem:s3], [sflag:s2] =	dma.local @!p0 [hbm:s0], s1  }
0x1d2: {  	s0 =	simm.s32 @!p0 $0x19  }
0x1d3: {  	_ =	swait.ge @!p0 [sflag:s0], s1  }
0x1d4: {  	s1 =	ssub.s32 @!p0 $0x0, s1;
	[sflag:s0] =	ssyncset.done @!p0 $0x0  }
0x1d5: {  	[sflag:s0] =	ssyncadd.s32 @!p0 s1  }
0x1d6: {  	[bflag:$0x3] =	sbarrier.arrive $0xFFFF  }
0x1d7: {  	_ =	shalt  }

</sc_bundles>
